<compile_context>
chip_gen: v7x
topology: tpu7x:2x2x1
jax: 0.10.2.dev20260603
libtpu: 0.0.44.dev20260713+nightly
codegen_flags: <defaults>
</compile_context>

<pallas_src>
import jax
import jax.numpy as jnp
from jax import lax
from jax.experimental import pallas as pl
from jax.experimental.pallas import tpu as pltpu
from jax.experimental.pallas import tpu_sc as plsc

_RADIUS = 128
_D = 64
_T = 2048
_E_PAD = 264
_BR = 16
_NBLK = _T // _BR
_BW = 272
_Q0 = 1792
_QB = 576
_CW = 1024
_WIDTHS = (1024, 512, 256, 128, 64, 32, 16)


def _sc_band_kernel(e_hbm, ccb_hbm, idx_v, buf_v, sem):
    wid = lax.axis_index("s") * 2 + lax.axis_index("c")
    r = wid // 2
    h = wid % 2

    def chunk(t, _):
        q0 = h * 288 + t * 96
        lanes = lax.iota(jnp.int32, 16)
        for t6 in range(6):
            q = q0 + t6 * 16 + lanes
            idx_v[pl.ds(16 * t6, 16)] = jnp.clip(384 - q + r, 0, 2 * _RADIUS)
        pltpu.async_copy(e_hbm.at[idx_v], buf_v, sem).wait()
        pltpu.sync_copy(buf_v, ccb_hbm.at[pl.ds(r * _QB + q0, 96)])
        return 0

    lax.fori_loop(0, 3, chunk, 0)


def _sc_build_band(embed):
    mesh = plsc.VectorSubcoreMesh(core_axis_name="c", subcore_axis_name="s")
    run = pl.kernel(
        _sc_band_kernel, mesh=mesh,
        out_type=jax.ShapeDtypeStruct((_BR * _QB, _D), jnp.float32),
        scratch_types=[
            pltpu.VMEM((96,), jnp.int32),
            pltpu.VMEM((96, _D), jnp.float32),
            pltpu.SemaphoreType.DMA,
        ],
        compiler_params=pltpu.CompilerParams(use_tc_tiling_on_sc=False),
    )
    return run(embed).reshape(_BR, _QB, _D)


def _col0(b):
    return jnp.clip(_BR * b - _RADIUS, 0, _T - _BW)


def _const_io(b, topb_ref, botb_ref, out_ref, sem, start):
    i0 = _BR * b
    col0 = _col0(b)
    off = jnp.int32(0)
    for w in _WIDTHS:
        has = (col0 & w) != 0
        cur = off

        @pl.when(has)
        def _(w=w, cur=cur):
            cp = pltpu.make_async_copy(
                topb_ref.at[:, pl.ds(0, w), :],
                out_ref.at[pl.ds(i0, _BR), pl.ds(cur, w), :], sem)
            cp.start() if start else cp.wait()

        off = jnp.where(has, off + w, off)
    roff = col0 + _BW
    rw = _T - roff
    off = roff
    for w in _WIDTHS:
        has = (rw & w) != 0
        cur = off

        @pl.when(has)
        def _(w=w, cur=cur):
            cp = pltpu.make_async_copy(
                botb_ref.at[:, pl.ds(0, w), :],
                out_ref.at[pl.ds(i0, _BR), pl.ds(cur, w), :], sem)
            cp.start() if start else cp.wait()

        off = jnp.where(has, off + w, off)


def _const_kernel(e_ref, out_ref, topb_ref, botb_ref, sems):
    i = pl.program_id(0)

    @pl.when(i == 0)
    def _build_tiles():
        e = e_ref[...]
        topb_ref[...] = jnp.broadcast_to(e[2 * _RADIUS], (_BR, _CW, _D))
        botb_ref[...] = jnp.broadcast_to(e[0], (_BR, _CW, _D))

    @pl.when(i >= 4)
    def _drain_prev():
        _const_io(i - 4, topb_ref, botb_ref, out_ref,
                  sems.at[lax.rem(i, 4)], start=False)

    _const_io(i, topb_ref, botb_ref, out_ref, sems.at[lax.rem(i, 4)],
              start=True)

    @pl.when(i == _NBLK - 1)
    def _drain_last():
        for k in range(3, -1, -1):
            _const_io(i - k, topb_ref, botb_ref, out_ref,
                      sems.at[lax.rem(i - k, 4)], start=False)


def _band_kernel(ccb_ref, alias_ref, out_ref, sems):
    i = pl.program_id(0)
    col0 = _col0(i)
    wb = 256 - _BR * i + col0
    slot = lax.rem(i, 8)

    @pl.when(i >= 8)
    def _drain_prev():
        pltpu.make_async_copy(
            ccb_ref.at[:, pl.ds(0, _BW), :],
            out_ref.at[pl.ds(0, _BR), pl.ds(0, _BW), :], sems.at[slot]).wait()

    pltpu.make_async_copy(
        ccb_ref.at[:, pl.ds(wb, _BW), :],
        out_ref.at[pl.ds(_BR * i, _BR), pl.ds(col0, _BW), :],
        sems.at[slot]).start()

    @pl.when(i == _NBLK - 1)
    def _drain_all():
        for s in range(8):
            pltpu.make_async_copy(
                ccb_ref.at[:, pl.ds(0, _BW), :],
                out_ref.at[pl.ds(0, _BR), pl.ds(0, _BW), :],
                sems.at[s]).wait()


def kernel(num_frames, embed):
    del num_frames
    e = jnp.pad(embed, ((0, _E_PAD - 2 * _RADIUS - 1), (0, 0)))

    ccb = _sc_build_band(embed)

    out_const = pl.pallas_call(
        _const_kernel,
        grid=(_NBLK,),
        in_specs=[pl.BlockSpec((_E_PAD, _D), lambda i: (0, 0))],
        out_specs=pl.BlockSpec(memory_space=pltpu.MemorySpace.HBM),
        out_shape=jax.ShapeDtypeStruct((_T, _T, _D), jnp.float32),
        scratch_shapes=[
            pltpu.VMEM((_BR, _CW, _D), jnp.float32),
            pltpu.VMEM((_BR, _CW, _D), jnp.float32),
            pltpu.SemaphoreType.DMA((4,)),
        ],
    )(e)

    return pl.pallas_call(
        _band_kernel,
        grid=(_NBLK,),
        in_specs=[
            pl.BlockSpec((_BR, _QB, _D), lambda i: (0, 0, 0)),
            pl.BlockSpec(memory_space=pltpu.MemorySpace.HBM),
        ],
        out_specs=pl.BlockSpec(memory_space=pltpu.MemorySpace.HBM),
        out_shape=jax.ShapeDtypeStruct((_T, _T, _D), jnp.float32),
        input_output_aliases={1: 0},
        scratch_shapes=[
            pltpu.SemaphoreType.DMA((8,)),
        ],
    )(ccb, out_const)

# --- scband reference (transcript-rebuilt; emitter-appended) ---
"""Pipeline reference for scband-rel-pos-encoding-37666863186417 (READ-ONLY COPY).

The authoritative reference and input builder live on the scoring server;
editing this copy changes nothing except your own understanding.
"""

import jax, jax.numpy as jnp
import numpy as np

RADIUS = 128
EMBED_DIM = 64
NUM_FRAMES = 2048

def setup_inputs(seed: int = 0) -> dict:
    key = jax.random.key(seed)
    k_embed, = jax.random.split(key, 1)
    # nn.Embedding default init: N(0, 1)
    embed = jax.random.normal(k_embed, (RADIUS * 2 + 1, EMBED_DIM), dtype=jnp.float32)
    return {"num_frames": NUM_FRAMES, "embed": embed}

def reference(num_frames, embed):
    # vec = arange(T); mat = clamp(vec[:,None] - vec[None,:], -radius, radius)
    vec = jnp.arange(NUM_FRAMES) + (num_frames - NUM_FRAMES)
    mat = jnp.clip(vec[:, None] - vec[None, :], -RADIUS, RADIUS)
    # embedding lookup: table[idx]  -> T x T x D
    # dropout is identity in eval mode (deterministic reference)
    enc = jnp.take(embed, mat + RADIUS, axis=0)
    return enc

if __name__ == "__main__":
    import jax
    _d = setup_inputs()
    print(jax.jit(kernel)(*tuple(_d.values())))

</pallas_src>

<mosaic_0001>
#map = affine_map<(d0, d1) -> (0, 0)>
module attributes {stable_mosaic.version = 14 : i64} {
  func.func @_sc_band_kernel(%arg0: i32, %arg1: i32, %arg2: memref<257x64xf32, #tpu.memory_space<hbm>>, %arg3: memref<9216x64xf32, #tpu.memory_space<hbm>>, %arg4: memref<96xi32, #tpu.memory_space<vmem>>, %arg5: memref<96x64xf32, #tpu.memory_space<vmem>>, %arg6: memref<!tpu.dma_semaphore, #tpu.memory_space<semaphore_mem>>) attributes {dimension_semantics = [#tpu.dimension_semantics<core_parallel>, #tpu.dimension_semantics<subcore_parallel>], iteration_bounds = array<i64: 2, 16>, scalar_prefetch = 0 : i64, scratch_operands = 3 : i64, tpu.core_type = #tpu.core_type<sc_vector_subcore>, window_params = [{transform_indices = #map}, {transform_indices = #map}]} {
    %mul3A = arith.constant 2 : i32
    %mul3A_0 = arith.muli %arg1, %mul3A : i32
    %add3A = arith.addi %mul3A_0, %arg0 : i32
    %jit3A = arith.constant 2 : i32
    %div3A = arith.divsi %add3A, %jit3A : i32
    %sign3A = arith.constant 0 : i32
    %sign3A_1 = arith.cmpi sgt, %add3A, %sign3A : i32
    %sign3A_2 = arith.extui %sign3A_1 : i1 to i32
    %sign3A_3 = arith.constant 0 : i32
    %sign3A_4 = arith.cmpi slt, %add3A, %sign3A_3 : i32
    %sign3A_5 = arith.extui %sign3A_4 : i1 to i32
    %sign3A_6 = arith.subi %sign3A_2, %sign3A_5 : i32
    %sign3A_7 = arith.constant 0 : i32
    %sign3A_8 = arith.cmpi sgt, %jit3A, %sign3A_7 : i32
    %sign3A_9 = arith.extui %sign3A_8 : i1 to i32
    %sign3A_10 = arith.constant 0 : i32
    %sign3A_11 = arith.cmpi slt, %jit3A, %sign3A_10 : i32
    %sign3A_12 = arith.extui %sign3A_11 : i1 to i32
    %sign3A_13 = arith.subi %sign3A_9, %sign3A_12 : i32
    %ne3A = arith.cmpi ne, %sign3A_6, %sign3A_13 : i32
    %rem3A = arith.remsi %add3A, %jit3A : i32
    %ne3A_14 = arith.constant 0 : i32
    %ne3A_15 = arith.cmpi ne, %rem3A, %ne3A_14 : i32
    %and3A = arith.andi %ne3A, %ne3A_15 : i1
    %sub3A = arith.constant 1 : i32
    %sub3A_16 = arith.subi %div3A, %sub3A : i32
    %select_n3A = arith.select %and3A, %sub3A_16, %div3A : i32
    %jit3A_17 = arith.constant 2 : i32
    %eq3A = arith.constant 0 : i32
    %eq3A_18 = arith.cmpi eq, %jit3A_17, %eq3A : i32
    %jit3A_19 = arith.constant 1 : i32
    %select_n3A_20 = arith.select %eq3A_18, %jit3A_19, %jit3A_17 : i32
    %rem3A_21 = arith.remsi %add3A, %select_n3A_20 : i32
    %ne3A_22 = arith.constant 0 : i32
    %ne3A_23 = arith.cmpi ne, %rem3A_21, %ne3A_22 : i32
    %lt3A = arith.constant 0 : i32
    %lt3A_24 = arith.cmpi slt, %rem3A_21, %lt3A : i32
    %lt3A_25 = arith.constant 0 : i32
    %lt3A_26 = arith.cmpi slt, %select_n3A_20, %lt3A_25 : i32
    %ne3A_27 = arith.xori %lt3A_24, %lt3A_26 : i1
    %and3A_28 = arith.andi %ne3A_27, %ne3A_23 : i1
    %add3A_29 = arith.addi %rem3A_21, %select_n3A_20 : i32
    %select_n3A_30 = arith.select %and3A_28, %add3A_29, %rem3A_21 : i32
    %scan3A = arith.constant 0 : i32
    %scan3A_31 = arith.constant 0 : i32
    %scan3A_32 = arith.constant 3 : i32
    %scan3A_33 = arith.addi %scan3A_31, %scan3A_32 : i32
    %scan3A_34 = arith.constant 1 : i32
    %scan3A_35 = scf.for %scan3A_37 = %scan3A_31 to %scan3A_33 step %scan3A_34 iter_args(%scan3A_38 = %scan3A) -> (i32)  : i32 {
      %mul3A_39 = arith.constant 288 : i32
      %mul3A_40 = arith.muli %select_n3A_30, %mul3A_39 : i32
      %mul3A_41 = arith.constant 96 : i32
      %mul3A_42 = arith.muli %scan3A_37, %mul3A_41 : i32
      %add3A_43 = arith.addi %mul3A_40, %mul3A_42 : i32
      %iota3A = tpu.iota {dimensions = array<i32: 0>} : vector<16xi32>
      %add3A_44 = arith.constant 0 : i32
      %add3A_45 = arith.addi %add3A_43, %add3A_44 : i32
      %add3A_46 = vector.broadcast %add3A_45 : i32 to vector<16xi32>
      %add3A_47 = arith.addi %add3A_46, %iota3A : vector<16xi32>
      %sub3A_48 = arith.constant 384 : i32
      %sub3A_49 = vector.broadcast %sub3A_48 : i32 to vector<16xi32>
      %sub3A_50 = arith.subi %sub3A_49, %add3A_47 : vector<16xi32>
      %add3A_51 = vector.broadcast %select_n3A : i32 to vector<16xi32>
      %add3A_52 = arith.addi %sub3A_50, %add3A_51 : vector<16xi32>
      %jit3A_53 = arith.constant 0 : i32
      %jit3A_54 = arith.constant 256 : i32
      %max3A = vector.broadcast %jit3A_53 : i32 to vector<16xi32>
      %max3A_55 = arith.maxsi %max3A, %add3A_52 : vector<16xi32>
      %min3A = vector.broadcast %jit3A_54 : i32 to vector<16xi32>
      %min3A_56 = arith.minsi %min3A, %max3A_55 : vector<16xi32>
      %swap3A = arith.constant 0 : index
      %swap3A_57 = tpu.vector_load %arg4[%swap3A] {strides = array<i32>} : memref<96xi32, #tpu.memory_space<vmem>>, vector<16xi32>,
      %swap3A_58 = vector.shape_cast %swap3A_57 : vector<16xi32> to vector<16xi32>
      %swap3A_59 = vector.shape_cast %min3A_56 : vector<16xi32> to vector<16xi32>
      tpu.vector_store %arg4[%swap3A], %swap3A_59 {strides = array<i32>} : memref<96xi32, #tpu.memory_space<vmem>>, vector<16xi32>,
      %add3A_60 = arith.constant 16 : i32
      %add3A_61 = arith.addi %add3A_43, %add3A_60 : i32
      %add3A_62 = vector.broadcast %add3A_61 : i32 to vector<16xi32>
      %add3A_63 = arith.addi %add3A_62, %iota3A : vector<16xi32>
      %sub3A_64 = arith.constant 384 : i32
      %sub3A_65 = vector.broadcast %sub3A_64 : i32 to vector<16xi32>
      %sub3A_66 = arith.subi %sub3A_65, %add3A_63 : vector<16xi32>
      %add3A_67 = vector.broadcast %select_n3A : i32 to vector<16xi32>
      %add3A_68 = arith.addi %sub3A_66, %add3A_67 : vector<16xi32>
      %jit3A_69 = arith.constant 0 : i32
      %jit3A_70 = arith.constant 256 : i32
      %max3A_71 = vector.broadcast %jit3A_69 : i32 to vector<16xi32>
      %max3A_72 = arith.maxsi %max3A_71, %add3A_68 : vector<16xi32>
      %min3A_73 = vector.broadcast %jit3A_70 : i32 to vector<16xi32>
      %min3A_74 = arith.minsi %min3A_73, %max3A_72 : vector<16xi32>
      %swap3A_75 = arith.constant 16 : index
      %swap3A_76 = tpu.vector_load %arg4[%swap3A_75] {strides = array<i32>} : memref<96xi32, #tpu.memory_space<vmem>>, vector<16xi32>,
      %swap3A_77 = vector.shape_cast %swap3A_76 : vector<16xi32> to vector<16xi32>
      %swap3A_78 = vector.shape_cast %min3A_74 : vector<16xi32> to vector<16xi32>
      tpu.vector_store %arg4[%swap3A_75], %swap3A_78 {strides = array<i32>} : memref<96xi32, #tpu.memory_space<vmem>>, vector<16xi32>,
      %add3A_79 = arith.constant 32 : i32
      %add3A_80 = arith.addi %add3A_43, %add3A_79 : i32
      %add3A_81 = vector.broadcast %add3A_80 : i32 to vector<16xi32>
      %add3A_82 = arith.addi %add3A_81, %iota3A : vector<16xi32>
      %sub3A_83 = arith.constant 384 : i32
      %sub3A_84 = vector.broadcast %sub3A_83 : i32 to vector<16xi32>
      %sub3A_85 = arith.subi %sub3A_84, %add3A_82 : vector<16xi32>
      %add3A_86 = vector.broadcast %select_n3A : i32 to vector<16xi32>
      %add3A_87 = arith.addi %sub3A_85, %add3A_86 : vector<16xi32>
      %jit3A_88 = arith.constant 0 : i32
      %jit3A_89 = arith.constant 256 : i32
      %max3A_90 = vector.broadcast %jit3A_88 : i32 to vector<16xi32>
      %max3A_91 = arith.maxsi %max3A_90, %add3A_87 : vector<16xi32>
      %min3A_92 = vector.broadcast %jit3A_89 : i32 to vector<16xi32>
      %min3A_93 = arith.minsi %min3A_92, %max3A_91 : vector<16xi32>
      %swap3A_94 = arith.constant 32 : index
      %swap3A_95 = tpu.vector_load %arg4[%swap3A_94] {strides = array<i32>} : memref<96xi32, #tpu.memory_space<vmem>>, vector<16xi32>,
      %swap3A_96 = vector.shape_cast %swap3A_95 : vector<16xi32> to vector<16xi32>
      %swap3A_97 = vector.shape_cast %min3A_93 : vector<16xi32> to vector<16xi32>
      tpu.vector_store %arg4[%swap3A_94], %swap3A_97 {strides = array<i32>} : memref<96xi32, #tpu.memory_space<vmem>>, vector<16xi32>,
      %add3A_98 = arith.constant 48 : i32
      %add3A_99 = arith.addi %add3A_43, %add3A_98 : i32
      %add3A_100 = vector.broadcast %add3A_99 : i32 to vector<16xi32>
      %add3A_101 = arith.addi %add3A_100, %iota3A : vector<16xi32>
      %sub3A_102 = arith.constant 384 : i32
      %sub3A_103 = vector.broadcast %sub3A_102 : i32 to vector<16xi32>
      %sub3A_104 = arith.subi %sub3A_103, %add3A_101 : vector<16xi32>
      %add3A_105 = vector.broadcast %select_n3A : i32 to vector<16xi32>
      %add3A_106 = arith.addi %sub3A_104, %add3A_105 : vector<16xi32>
      %jit3A_107 = arith.constant 0 : i32
      %jit3A_108 = arith.constant 256 : i32
      %max3A_109 = vector.broadcast %jit3A_107 : i32 to vector<16xi32>
      %max3A_110 = arith.maxsi %max3A_109, %add3A_106 : vector<16xi32>
      %min3A_111 = vector.broadcast %jit3A_108 : i32 to vector<16xi32>
      %min3A_112 = arith.minsi %min3A_111, %max3A_110 : vector<16xi32>
      %swap3A_113 = arith.constant 48 : index
      %swap3A_114 = tpu.vector_load %arg4[%swap3A_113] {strides = array<i32>} : memref<96xi32, #tpu.memory_space<vmem>>, vector<16xi32>,
      %swap3A_115 = vector.shape_cast %swap3A_114 : vector<16xi32> to vector<16xi32>
      %swap3A_116 = vector.shape_cast %min3A_112 : vector<16xi32> to vector<16xi32>
      tpu.vector_store %arg4[%swap3A_113], %swap3A_116 {strides = array<i32>} : memref<96xi32, #tpu.memory_space<vmem>>, vector<16xi32>,
      %add3A_117 = arith.constant 64 : i32
      %add3A_118 = arith.addi %add3A_43, %add3A_117 : i32
      %add3A_119 = vector.broadcast %add3A_118 : i32 to vector<16xi32>
      %add3A_120 = arith.addi %add3A_119, %iota3A : vector<16xi32>
      %sub3A_121 = arith.constant 384 : i32
      %sub3A_122 = vector.broadcast %sub3A_121 : i32 to vector<16xi32>
      %sub3A_123 = arith.subi %sub3A_122, %add3A_120 : vector<16xi32>
      %add3A_124 = vector.broadcast %select_n3A : i32 to vector<16xi32>
      %add3A_125 = arith.addi %sub3A_123, %add3A_124 : vector<16xi32>
      %jit3A_126 = arith.constant 0 : i32
      %jit3A_127 = arith.constant 256 : i32
      %max3A_128 = vector.broadcast %jit3A_126 : i32 to vector<16xi32>
      %max3A_129 = arith.maxsi %max3A_128, %add3A_125 : vector<16xi32>
      %min3A_130 = vector.broadcast %jit3A_127 : i32 to vector<16xi32>
      %min3A_131 = arith.minsi %min3A_130, %max3A_129 : vector<16xi32>
      %swap3A_132 = arith.constant 64 : index
      %swap3A_133 = tpu.vector_load %arg4[%swap3A_132] {strides = array<i32>} : memref<96xi32, #tpu.memory_space<vmem>>, vector<16xi32>,
      %swap3A_134 = vector.shape_cast %swap3A_133 : vector<16xi32> to vector<16xi32>
      %swap3A_135 = vector.shape_cast %min3A_131 : vector<16xi32> to vector<16xi32>
      tpu.vector_store %arg4[%swap3A_132], %swap3A_135 {strides = array<i32>} : memref<96xi32, #tpu.memory_space<vmem>>, vector<16xi32>,
      %add3A_136 = arith.constant 80 : i32
      %add3A_137 = arith.addi %add3A_43, %add3A_136 : i32
      %add3A_138 = vector.broadcast %add3A_137 : i32 to vector<16xi32>
      %add3A_139 = arith.addi %add3A_138, %iota3A : vector<16xi32>
      %sub3A_140 = arith.constant 384 : i32
      %sub3A_141 = vector.broadcast %sub3A_140 : i32 to vector<16xi32>
      %sub3A_142 = arith.subi %sub3A_141, %add3A_139 : vector<16xi32>
      %add3A_143 = vector.broadcast %select_n3A : i32 to vector<16xi32>
      %add3A_144 = arith.addi %sub3A_142, %add3A_143 : vector<16xi32>
      %jit3A_145 = arith.constant 0 : i32
      %jit3A_146 = arith.constant 256 : i32
      %max3A_147 = vector.broadcast %jit3A_145 : i32 to vector<16xi32>
      %max3A_148 = arith.maxsi %max3A_147, %add3A_144 : vector<16xi32>
      %min3A_149 = vector.broadcast %jit3A_146 : i32 to vector<16xi32>
      %min3A_150 = arith.minsi %min3A_149, %max3A_148 : vector<16xi32>
      %swap3A_151 = arith.constant 80 : index
      %swap3A_152 = tpu.vector_load %arg4[%swap3A_151] {strides = array<i32>} : memref<96xi32, #tpu.memory_space<vmem>>, vector<16xi32>,
      %swap3A_153 = vector.shape_cast %swap3A_152 : vector<16xi32> to vector<16xi32>
      %swap3A_154 = vector.shape_cast %min3A_150 : vector<16xi32> to vector<16xi32>
      tpu.vector_store %arg4[%swap3A_151], %swap3A_154 {strides = array<i32>} : memref<96xi32, #tpu.memory_space<vmem>>, vector<16xi32>,
      %dma_start3A = arith.constant 0 : i32
      %dma_start3A_155 = arith.constant 0 : i32
      %dma_start3A_156 = tpu.memref_slice %arg2[%dma_start3A, %dma_start3A_155] : memref<257x64xf32, #tpu.memory_space<hbm>> -> memref<257x64xf32, #tpu.memory_space<hbm>>
      tpu.enqueue_indirect_dma source(%dma_start3A_156 : memref<257x64xf32, #tpu.memory_space<hbm>>) target(%arg5 : memref<96x64xf32, #tpu.memory_space<vmem>>) offsets(%arg4 : memref<96xi32, #tpu.memory_space<vmem>>) semaphore(%arg6 : memref<!tpu.dma_semaphore, #tpu.memory_space<semaphore_mem>>)
      %dma_wait3A = arith.constant 0 : i32
      %dma_wait3A_157 = arith.constant 0 : i32
      %dma_wait3A_158 = tpu.memref_slice %arg2[%dma_wait3A, %dma_wait3A_157] : memref<257x64xf32, #tpu.memory_space<hbm>> -> memref<257x64xf32, #tpu.memory_space<hbm>>
      tpu.wait_indirect_dma semaphore(%arg6 : memref<!tpu.dma_semaphore, #tpu.memory_space<semaphore_mem>>) src(%dma_wait3A_158 : memref<257x64xf32, #tpu.memory_space<hbm>>) dst(%arg5 : memref<96x64xf32, #tpu.memory_space<vmem>>)
      %mul3A_159 = arith.constant 576 : i32
      %mul3A_160 = arith.muli %select_n3A, %mul3A_159 : i32
      %add3A_161 = arith.addi %mul3A_160, %add3A_43 : i32
      "tpu.region"() ({
        %run_scoped3A = tpu.sem_alloc : memref<!tpu.dma_semaphore, #tpu.memory_space<semaphore_mem>>
        %dma_start3A_163 = arith.constant 0 : i32
        %dma_start3A_164 = tpu.memref_slice %arg3[%add3A_161, %dma_start3A_163] : memref<9216x64xf32, #tpu.memory_space<hbm>> -> memref<96x64xf32, #tpu.memory_space<hbm>>
        %dma_start3A_165 = arith.constant 0 : i32
        %dma_start3A_166 = tpu.memref_slice %arg3[%add3A_161, %dma_start3A_165] : memref<9216x64xf32, #tpu.memory_space<hbm>> -> memref<96x64xf32, #tpu.memory_space<hbm>>
        tpu.enqueue_dma source(%arg5 : memref<96x64xf32, #tpu.memory_space<vmem>>) target(%dma_start3A_166 : memref<96x64xf32, #tpu.memory_space<hbm>>) target_semaphore(%run_scoped3A : memref<!tpu.dma_semaphore, #tpu.memory_space<semaphore_mem>>)
        %dma_wait3A_167 = arith.constant 0 : i32
        %dma_wait3A_168 = tpu.memref_slice %arg3[%add3A_161, %dma_wait3A_167] : memref<9216x64xf32, #tpu.memory_space<hbm>> -> memref<96x64xf32, #tpu.memory_space<hbm>>
        %dma_wait3A_169 = arith.constant 0 : i32
        %dma_wait3A_170 = tpu.memref_slice %arg3[%add3A_161, %dma_wait3A_169] : memref<9216x64xf32, #tpu.memory_space<hbm>> -> memref<96x64xf32, #tpu.memory_space<hbm>>
        tpu.wait_dma2 semaphore(%run_scoped3A : memref<!tpu.dma_semaphore, #tpu.memory_space<semaphore_mem>>) src(%arg5 : memref<96x64xf32, #tpu.memory_space<vmem>>) dst(%dma_wait3A_170 : memref<96x64xf32, #tpu.memory_space<hbm>>)
        tpu.yield
      }) : () -> ()
      %scan3A_162 = arith.constant 0 : i32
      scf.yield %scan3A_162 : i32
    }
    %scan3A_36 = arith.constant 3 : i32
    return
  }
}

module attributes {stable_mosaic.version = 14 : i64} {
  func.func @_band_kernel(%arg0: i32, %arg1: memref<16x576x64xf32, #tpu.memory_space<vmem>>, %arg2: memref<2048x2048x64xf32, #tpu.memory_space<hbm>>, %arg3: memref<2048x2048x64xf32, #tpu.memory_space<hbm>>, %arg4: memref<8x!tpu.dma_semaphore, #tpu.memory_space<semaphore_mem>>) attributes {dimension_semantics = [#tpu.dimension_semantics<arbitrary>], iteration_bounds = array<i64: 128>, scalar_prefetch = 0 : i64, scratch_operands = 1 : i64, tpu.core_type = #tpu.core_type<tc>, window_params = [{pipeline_mode = #tpu.pipeline_mode<synchronous>, transform_indices = @transform_0, window_bounds = array<i64: 16, 576, 64>}, {}, {}]} {
    %mul3A = arith.constant 16 : i32
    %mul3A_0 = arith.muli %mul3A, %arg0 : i32
    %sub3A = arith.constant 128 : i32
    %sub3A_1 = arith.subi %mul3A_0, %sub3A : i32
    %jit3A = arith.constant 0 : i32
    %jit3A_2 = arith.constant 1776 : i32
    %max3A = arith.maxsi %jit3A, %sub3A_1 : i32
    %min3A = arith.minsi %jit3A_2, %max3A : i32
    %mul3A_3 = arith.constant 16 : i32
    %mul3A_4 = arith.muli %mul3A_3, %arg0 : i32
    %sub3A_5 = arith.constant 256 : i32
    %sub3A_6 = arith.subi %sub3A_5, %mul3A_4 : i32
    %add3A = arith.addi %sub3A_6, %min3A : i32
    %rem3A = arith.constant 8 : i32
    %rem3A_7 = arith.remsi %arg0, %rem3A : i32
    %ge3A = arith.constant 8 : i32
    %ge3A_8 = arith.cmpi sge, %arg0, %ge3A : i32
    %convert_element_type3A = arith.extui %ge3A_8 : i1 to i32
    %cond3A = arith.constant 0 : i32
    %cond3A_9 = arith.cmpi ne, %convert_element_type3A, %cond3A : i32
    scf.if %cond3A_9 {
      %dma_wait3A = tpu.memref_slice %arg4[%rem3A_7] : memref<8x!tpu.dma_semaphore, #tpu.memory_space<semaphore_mem>> -> memref<1x!tpu.dma_semaphore, #tpu.memory_space<semaphore_mem>>
      %dma_wait3A_22 = tpu.memref_squeeze %dma_wait3A : memref<1x!tpu.dma_semaphore, #tpu.memory_space<semaphore_mem>> -> memref<!tpu.dma_semaphore, #tpu.memory_space<semaphore_mem>>
      %dma_wait3A_23 = arith.constant 0 : i32
      %dma_wait3A_24 = arith.constant 0 : i32
      %dma_wait3A_25 = arith.constant 0 : i32
      %dma_wait3A_26 = tpu.memref_slice %arg3[%dma_wait3A_23, %dma_wait3A_24, %dma_wait3A_25] : memref<2048x2048x64xf32, #tpu.memory_space<hbm>> -> memref<16x272x64xf32, #tpu.memory_space<hbm>>
      %dma_wait3A_27 = arith.constant 0 : i32
      %dma_wait3A_28 = arith.constant 0 : i32
      %dma_wait3A_29 = arith.constant 0 : i32
      %dma_wait3A_30 = tpu.memref_slice %arg1[%dma_wait3A_27, %dma_wait3A_28, %dma_wait3A_29] : memref<16x576x64xf32, #tpu.memory_space<vmem>> -> memref<16x272x64xf32, #tpu.memory_space<vmem>>
      tpu.wait_dma2 semaphore(%dma_wait3A_22 : memref<!tpu.dma_semaphore, #tpu.memory_space<semaphore_mem>>) src(%dma_wait3A_30 : memref<16x272x64xf32, #tpu.memory_space<vmem>>) dst(%dma_wait3A_26 : memref<16x272x64xf32, #tpu.memory_space<hbm>>)
    } else {
    }
    %mul3A_10 = arith.constant 16 : i32
    %mul3A_11 = arith.muli %mul3A_10, %arg0 : i32
    %dma_start3A = tpu.memref_slice %arg4[%rem3A_7] : memref<8x!tpu.dma_semaphore, #tpu.memory_space<semaphore_mem>> -> memref<1x!tpu.dma_semaphore, #tpu.memory_space<semaphore_mem>>
    %dma_start3A_12 = tpu.memref_squeeze %dma_start3A : memref<1x!tpu.dma_semaphore, #tpu.memory_space<semaphore_mem>> -> memref<!tpu.dma_semaphore, #tpu.memory_space<semaphore_mem>>
    %dma_start3A_13 = arith.constant 0 : i32
    %dma_start3A_14 = tpu.memref_slice %arg3[%mul3A_11, %min3A, %dma_start3A_13] : memref<2048x2048x64xf32, #tpu.memory_space<hbm>> -> memref<16x272x64xf32, #tpu.memory_space<hbm>>
    %dma_start3A_15 = arith.constant 0 : i32
    %dma_start3A_16 = arith.constant 0 : i32
    %dma_start3A_17 = tpu.memref_slice %arg1[%dma_start3A_15, %add3A, %dma_start3A_16] : memref<16x576x64xf32, #tpu.memory_space<vmem>> -> memref<16x272x64xf32, #tpu.memory_space<vmem>>
    tpu.enqueue_dma source(%dma_start3A_17 : memref<16x272x64xf32, #tpu.memory_space<vmem>>) target(%dma_start3A_14 : memref<16x272x64xf32, #tpu.memory_space<hbm>>) target_semaphore(%dma_start3A_12 : memref<!tpu.dma_semaphore, #tpu.memory_space<semaphore_mem>>)
    %eq3A = arith.constant 127 : i32
    %eq3A_18 = arith.cmpi eq, %arg0, %eq3A : i32
    %convert_element_type3A_19 = arith.extui %eq3A_18 : i1 to i32
    %cond3A_20 = arith.constant 0 : i32
    %cond3A_21 = arith.cmpi ne, %convert_element_type3A_19, %cond3A_20 : i32
    scf.if %cond3A_21 {
      %dma_wait3A = arith.constant 0 : i32
      %dma_wait3A_22 = tpu.memref_slice %arg4[%dma_wait3A] : memref<8x!tpu.dma_semaphore, #tpu.memory_space<semaphore_mem>> -> memref<1x!tpu.dma_semaphore, #tpu.memory_space<semaphore_mem>>
      %dma_wait3A_23 = tpu.memref_squeeze %dma_wait3A_22 : memref<1x!tpu.dma_semaphore, #tpu.memory_space<semaphore_mem>> -> memref<!tpu.dma_semaphore, #tpu.memory_space<semaphore_mem>>
      %dma_wait3A_24 = arith.constant 0 : i32
      %dma_wait3A_25 = arith.constant 0 : i32
      %dma_wait3A_26 = arith.constant 0 : i32
      %dma_wait3A_27 = tpu.memref_slice %arg3[%dma_wait3A_24, %dma_wait3A_25, %dma_wait3A_26] : memref<2048x2048x64xf32, #tpu.memory_space<hbm>> -> memref<16x272x64xf32, #tpu.memory_space<hbm>>
      %dma_wait3A_28 = arith.constant 0 : i32
      %dma_wait3A_29 = arith.constant 0 : i32
      %dma_wait3A_30 = arith.constant 0 : i32
      %dma_wait3A_31 = tpu.memref_slice %arg1[%dma_wait3A_28, %dma_wait3A_29, %dma_wait3A_30] : memref<16x576x64xf32, #tpu.memory_space<vmem>> -> memref<16x272x64xf32, #tpu.memory_space<vmem>>
      tpu.wait_dma2 semaphore(%dma_wait3A_23 : memref<!tpu.dma_semaphore, #tpu.memory_space<semaphore_mem>>) src(%dma_wait3A_31 : memref<16x272x64xf32, #tpu.memory_space<vmem>>) dst(%dma_wait3A_27 : memref<16x272x64xf32, #tpu.memory_space<hbm>>)
      %dma_wait3A_32 = arith.constant 1 : i32
      %dma_wait3A_33 = tpu.memref_slice %arg4[%dma_wait3A_32] : memref<8x!tpu.dma_semaphore, #tpu.memory_space<semaphore_mem>> -> memref<1x!tpu.dma_semaphore, #tpu.memory_space<semaphore_mem>>
      %dma_wait3A_34 = tpu.memref_squeeze %dma_wait3A_33 : memref<1x!tpu.dma_semaphore, #tpu.memory_space<semaphore_mem>> -> memref<!tpu.dma_semaphore, #tpu.memory_space<semaphore_mem>>
      %dma_wait3A_35 = arith.constant 0 : i32
      %dma_wait3A_36 = arith.constant 0 : i32
      %dma_wait3A_37 = arith.constant 0 : i32
      %dma_wait3A_38 = tpu.memref_slice %arg3[%dma_wait3A_35, %dma_wait3A_36, %dma_wait3A_37] : memref<2048x2048x64xf32, #tpu.memory_space<hbm>> -> memref<16x272x64xf32, #tpu.memory_space<hbm>>
      %dma_wait3A_39 = arith.constant 0 : i32
      %dma_wait3A_40 = arith.constant 0 : i32
      %dma_wait3A_41 = arith.constant 0 : i32
      %dma_wait3A_42 = tpu.memref_slice %arg1[%dma_wait3A_39, %dma_wait3A_40, %dma_wait3A_41] : memref<16x576x64xf32, #tpu.memory_space<vmem>> -> memref<16x272x64xf32, #tpu.memory_space<vmem>>
      tpu.wait_dma2 semaphore(%dma_wait3A_34 : memref<!tpu.dma_semaphore, #tpu.memory_space<semaphore_mem>>) src(%dma_wait3A_42 : memref<16x272x64xf32, #tpu.memory_space<vmem>>) dst(%dma_wait3A_38 : memref<16x272x64xf32, #tpu.memory_space<hbm>>)
      %dma_wait3A_43 = arith.constant 2 : i32
      %dma_wait3A_44 = tpu.memref_slice %arg4[%dma_wait3A_43] : memref<8x!tpu.dma_semaphore, #tpu.memory_space<semaphore_mem>> -> memref<1x!tpu.dma_semaphore, #tpu.memory_space<semaphore_mem>>
      %dma_wait3A_45 = tpu.memref_squeeze %dma_wait3A_44 : memref<1x!tpu.dma_semaphore, #tpu.memory_space<semaphore_mem>> -> memref<!tpu.dma_semaphore, #tpu.memory_space<semaphore_mem>>
      %dma_wait3A_46 = arith.constant 0 : i32
      %dma_wait3A_47 = arith.constant 0 : i32
      %dma_wait3A_48 = arith.constant 0 : i32
      %dma_wait3A_49 = tpu.memref_slice %arg3[%dma_wait3A_46, %dma_wait3A_47, %dma_wait3A_48] : memref<2048x2048x64xf32, #tpu.memory_space<hbm>> -> memref<16x272x64xf32, #tpu.memory_space<hbm>>
      %dma_wait3A_50 = arith.constant 0 : i32
      %dma_wait3A_51 = arith.constant 0 : i32
      %dma_wait3A_52 = arith.constant 0 : i32
      %dma_wait3A_53 = tpu.memref_slice %arg1[%dma_wait3A_50, %dma_wait3A_51, %dma_wait3A_52] : memref<16x576x64xf32, #tpu.memory_space<vmem>> -> memref<16x272x64xf32, #tpu.memory_space<vmem>>
      tpu.wait_dma2 semaphore(%dma_wait3A_45 : memref<!tpu.dma_semaphore, #tpu.memory_space<semaphore_mem>>) src(%dma_wait3A_53 : memref<16x272x64xf32, #tpu.memory_space<vmem>>) dst(%dma_wait3A_49 : memref<16x272x64xf32, #tpu.memory_space<hbm>>)
      %dma_wait3A_54 = arith.constant 3 : i32
      %dma_wait3A_55 = tpu.memref_slice %arg4[%dma_wait3A_54] : memref<8x!tpu.dma_semaphore, #tpu.memory_space<semaphore_mem>> -> memref<1x!tpu.dma_semaphore, #tpu.memory_space<semaphore_mem>>
      %dma_wait3A_56 = tpu.memref_squeeze %dma_wait3A_55 : memref<1x!tpu.dma_semaphore, #tpu.memory_space<semaphore_mem>> -> memref<!tpu.dma_semaphore, #tpu.memory_space<semaphore_mem>>
      %dma_wait3A_57 = arith.constant 0 : i32
      %dma_wait3A_58 = arith.constant 0 : i32
      %dma_wait3A_59 = arith.constant 0 : i32
      %dma_wait3A_60 = tpu.memref_slice %arg3[%dma_wait3A_57, %dma_wait3A_58, %dma_wait3A_59] : memref<2048x2048x64xf32, #tpu.memory_space<hbm>> -> memref<16x272x64xf32, #tpu.memory_space<hbm>>
      %dma_wait3A_61 = arith.constant 0 : i32
      %dma_wait3A_62 = arith.constant 0 : i32
      %dma_wait3A_63 = arith.constant 0 : i32
      %dma_wait3A_64 = tpu.memref_slice %arg1[%dma_wait3A_61, %dma_wait3A_62, %dma_wait3A_63] : memref<16x576x64xf32, #tpu.memory_space<vmem>> -> memref<16x272x64xf32, #tpu.memory_space<vmem>>
      tpu.wait_dma2 semaphore(%dma_wait3A_56 : memref<!tpu.dma_semaphore, #tpu.memory_space<semaphore_mem>>) src(%dma_wait3A_64 : memref<16x272x64xf32, #tpu.memory_space<vmem>>) dst(%dma_wait3A_60 : memref<16x272x64xf32, #tpu.memory_space<hbm>>)
      %dma_wait3A_65 = arith.constant 4 : i32
      %dma_wait3A_66 = tpu.memref_slice %arg4[%dma_wait3A_65] : memref<8x!tpu.dma_semaphore, #tpu.memory_space<semaphore_mem>> -> memref<1x!tpu.dma_semaphore, #tpu.memory_space<semaphore_mem>>
      %dma_wait3A_67 = tpu.memref_squeeze %dma_wait3A_66 : memref<1x!tpu.dma_semaphore, #tpu.memory_space<semaphore_mem>> -> memref<!tpu.dma_semaphore, #tpu.memory_space<semaphore_mem>>
      %dma_wait3A_68 = arith.constant 0 : i32
      %dma_wait3A_69 = arith.constant 0 : i32
      %dma_wait3A_70 = arith.constant 0 : i32
      %dma_wait3A_71 = tpu.memref_slice %arg3[%dma_wait3A_68, %dma_wait3A_69, %dma_wait3A_70] : memref<2048x2048x64xf32, #tpu.memory_space<hbm>> -> memref<16x272x64xf32, #tpu.memory_space<hbm>>
      %dma_wait3A_72 = arith.constant 0 : i32
      %dma_wait3A_73 = arith.constant 0 : i32
      %dma_wait3A_74 = arith.constant 0 : i32
      %dma_wait3A_75 = tpu.memref_slice %arg1[%dma_wait3A_72, %dma_wait3A_73, %dma_wait3A_74] : memref<16x576x64xf32, #tpu.memory_space<vmem>> -> memref<16x272x64xf32, #tpu.memory_space<vmem>>
      tpu.wait_dma2 semaphore(%dma_wait3A_67 : memref<!tpu.dma_semaphore, #tpu.memory_space<semaphore_mem>>) src(%dma_wait3A_75 : memref<16x272x64xf32, #tpu.memory_space<vmem>>) dst(%dma_wait3A_71 : memref<16x272x64xf32, #tpu.memory_space<hbm>>)
      %dma_wait3A_76 = arith.constant 5 : i32
      %dma_wait3A_77 = tpu.memref_slice %arg4[%dma_wait3A_76] : memref<8x!tpu.dma_semaphore, #tpu.memory_space<semaphore_mem>> -> memref<1x!tpu.dma_semaphore, #tpu.memory_space<semaphore_mem>>
      %dma_wait3A_78 = tpu.memref_squeeze %dma_wait3A_77 : memref<1x!tpu.dma_semaphore, #tpu.memory_space<semaphore_mem>> -> memref<!tpu.dma_semaphore, #tpu.memory_space<semaphore_mem>>
      %dma_wait3A_79 = arith.constant 0 : i32
      %dma_wait3A_80 = arith.constant 0 : i32
      %dma_wait3A_81 = arith.constant 0 : i32
      %dma_wait3A_82 = tpu.memref_slice %arg3[%dma_wait3A_79, %dma_wait3A_80, %dma_wait3A_81] : memref<2048x2048x64xf32, #tpu.memory_space<hbm>> -> memref<16x272x64xf32, #tpu.memory_space<hbm>>
      %dma_wait3A_83 = arith.constant 0 : i32
      %dma_wait3A_84 = arith.constant 0 : i32
      %dma_wait3A_85 = arith.constant 0 : i32
      %dma_wait3A_86 = tpu.memref_slice %arg1[%dma_wait3A_83, %dma_wait3A_84, %dma_wait3A_85] : memref<16x576x64xf32, #tpu.memory_space<vmem>> -> memref<16x272x64xf32, #tpu.memory_space<vmem>>
      tpu.wait_dma2 semaphore(%dma_wait3A_78 : memref<!tpu.dma_semaphore, #tpu.memory_space<semaphore_mem>>) src(%dma_wait3A_86 : memref<16x272x64xf32, #tpu.memory_space<vmem>>) dst(%dma_wait3A_82 : memref<16x272x64xf32, #tpu.memory_space<hbm>>)
      %dma_wait3A_87 = arith.constant 6 : i32
      %dma_wait3A_88 = tpu.memref_slice %arg4[%dma_wait3A_87] : memref<8x!tpu.dma_semaphore, #tpu.memory_space<semaphore_mem>> -> memref<1x!tpu.dma_semaphore, #tpu.memory_space<semaphore_mem>>
      %dma_wait3A_89 = tpu.memref_squeeze %dma_wait3A_88 : memref<1x!tpu.dma_semaphore, #tpu.memory_space<semaphore_mem>> -> memref<!tpu.dma_semaphore, #tpu.memory_space<semaphore_mem>>
      %dma_wait3A_90 = arith.constant 0 : i32
      %dma_wait3A_91 = arith.constant 0 : i32
      %dma_wait3A_92 = arith.constant 0 : i32
      %dma_wait3A_93 = tpu.memref_slice %arg3[%dma_wait3A_90, %dma_wait3A_91, %dma_wait3A_92] : memref<2048x2048x64xf32, #tpu.memory_space<hbm>> -> memref<16x272x64xf32, #tpu.memory_space<hbm>>
      %dma_wait3A_94 = arith.constant 0 : i32
      %dma_wait3A_95 = arith.constant 0 : i32
      %dma_wait3A_96 = arith.constant 0 : i32
      %dma_wait3A_97 = tpu.memref_slice %arg1[%dma_wait3A_94, %dma_wait3A_95, %dma_wait3A_96] : memref<16x576x64xf32, #tpu.memory_space<vmem>> -> memref<16x272x64xf32, #tpu.memory_space<vmem>>
      tpu.wait_dma2 semaphore(%dma_wait3A_89 : memref<!tpu.dma_semaphore, #tpu.memory_space<semaphore_mem>>) src(%dma_wait3A_97 : memref<16x272x64xf32, #tpu.memory_space<vmem>>) dst(%dma_wait3A_93 : memref<16x272x64xf32, #tpu.memory_space<hbm>>)
      %dma_wait3A_98 = arith.constant 7 : i32
      %dma_wait3A_99 = tpu.memref_slice %arg4[%dma_wait3A_98] : memref<8x!tpu.dma_semaphore, #tpu.memory_space<semaphore_mem>> -> memref<1x!tpu.dma_semaphore, #tpu.memory_space<semaphore_mem>>
      %dma_wait3A_100 = tpu.memref_squeeze %dma_wait3A_99 : memref<1x!tpu.dma_semaphore, #tpu.memory_space<semaphore_mem>> -> memref<!tpu.dma_semaphore, #tpu.memory_space<semaphore_mem>>
      %dma_wait3A_101 = arith.constant 0 : i32
      %dma_wait3A_102 = arith.constant 0 : i32
      %dma_wait3A_103 = arith.constant 0 : i32
      %dma_wait3A_104 = tpu.memref_slice %arg3[%dma_wait3A_101, %dma_wait3A_102, %dma_wait3A_103] : memref<2048x2048x64xf32, #tpu.memory_space<hbm>> -> memref<16x272x64xf32, #tpu.memory_space<hbm>>
      %dma_wait3A_105 = arith.constant 0 : i32
      %dma_wait3A_106 = arith.constant 0 : i32
      %dma_wait3A_107 = arith.constant 0 : i32
      %dma_wait3A_108 = tpu.memref_slice %arg1[%dma_wait3A_105, %dma_wait3A_106, %dma_wait3A_107] : memref<16x576x64xf32, #tpu.memory_space<vmem>> -> memref<16x272x64xf32, #tpu.memory_space<vmem>>
      tpu.wait_dma2 semaphore(%dma_wait3A_100 : memref<!tpu.dma_semaphore, #tpu.memory_space<semaphore_mem>>) src(%dma_wait3A_108 : memref<16x272x64xf32, #tpu.memory_space<vmem>>) dst(%dma_wait3A_104 : memref<16x272x64xf32, #tpu.memory_space<hbm>>)
    } else {
    }
    return
  }
  func.func @transform_0(%arg0: i32) -> (i32, i32, i32) {
    %c0_i32 = arith.constant 0 : i32
    %c0_i32_0 = arith.constant 0 : i32
    %c0_i32_1 = arith.constant 0 : i32
    %c0_i32_2 = arith.constant 0 : i32
    return %c0_i32, %c0_i32_0, %c0_i32_1 : i32, i32, i32
  }
}

module attributes {stable_mosaic.version = 14 : i64} {
  func.func @_const_kernel(%arg0: i32, %arg1: memref<264x64xf32, #tpu.memory_space<vmem>>, %arg2: memref<2048x2048x64xf32, #tpu.memory_space<hbm>>, %arg3: memref<16x1024x64xf32, #tpu.memory_space<vmem>>, %arg4: memref<16x1024x64xf32, #tpu.memory_space<vmem>>, %arg5: memref<4x!tpu.dma_semaphore, #tpu.memory_space<semaphore_mem>>) attributes {dimension_semantics = [#tpu.dimension_semantics<arbitrary>], iteration_bounds = array<i64: 128>, scalar_prefetch = 0 : i64, scratch_operands = 3 : i64, tpu.core_type = #tpu.core_type<tc>, window_params = [{pipeline_mode = #tpu.pipeline_mode<synchronous>, transform_indices = @transform_0, window_bounds = array<i64: 264, 64>}, {}]} {
    %eq3A = arith.constant 0 : i32
    %eq3A_0 = arith.cmpi eq, %arg0, %eq3A : i32
    %convert_element_type3A = arith.extui %eq3A_0 : i1 to i32
    %cond3A = arith.constant 0 : i32
    %cond3A_1 = arith.cmpi ne, %convert_element_type3A, %cond3A : i32
    scf.if %cond3A_1 {
      %get3A = arith.constant 0 : index
      %get3A_154 = arith.constant 0 : index
      %get3A_155 = vector.load %arg1[%get3A, %get3A_154] : memref<264x64xf32, #tpu.memory_space<vmem>>, vector<264x64xf32>
      %slice3A = vector.extract_strided_slice %get3A_155 {offsets = [256, 0], sizes = [1, 64], strides = [1, 1]} : vector<264x64xf32> to vector<1x64xf32>
      %squeeze3A = vector.shape_cast %slice3A : vector<1x64xf32> to vector<64xf32>
      %broadcast_in_dim3A = vector.shape_cast %squeeze3A : vector<64xf32> to vector<1x1x64xf32>
      %broadcast_in_dim3A_156 = vector.broadcast %broadcast_in_dim3A : vector<1x1x64xf32> to vector<16x1024x64xf32>
      %swap3A = arith.constant 0 : index
      %swap3A_157 = arith.constant 0 : index
      %swap3A_158 = arith.constant 0 : index
      %swap3A_159 = vector.load %arg3[%swap3A, %swap3A_157, %swap3A_158] : memref<16x1024x64xf32, #tpu.memory_space<vmem>>, vector<16x1024x64xf32>
      tpu.vector_store %arg3[%swap3A, %swap3A_157, %swap3A_158], %broadcast_in_dim3A_156 {strides = array<i32>} : memref<16x1024x64xf32, #tpu.memory_space<vmem>>, vector<16x1024x64xf32>,
      %slice3A_160 = vector.extract_strided_slice %get3A_155 {offsets = [0, 0], sizes = [1, 64], strides = [1, 1]} : vector<264x64xf32> to vector<1x64xf32>
      %squeeze3A_161 = vector.shape_cast %slice3A_160 : vector<1x64xf32> to vector<64xf32>
      %broadcast_in_dim3A_162 = vector.shape_cast %squeeze3A_161 : vector<64xf32> to vector<1x1x64xf32>
      %broadcast_in_dim3A_163 = vector.broadcast %broadcast_in_dim3A_162 : vector<1x1x64xf32> to vector<16x1024x64xf32>
      %swap3A_164 = arith.constant 0 : index
      %swap3A_165 = arith.constant 0 : index
      %swap3A_166 = arith.constant 0 : index
      %swap3A_167 = vector.load %arg4[%swap3A_164, %swap3A_165, %swap3A_166] : memref<16x1024x64xf32, #tpu.memory_space<vmem>>, vector<16x1024x64xf32>
      tpu.vector_store %arg4[%swap3A_164, %swap3A_165, %swap3A_166], %broadcast_in_dim3A_163 {strides = array<i32>} : memref<16x1024x64xf32, #tpu.memory_space<vmem>>, vector<16x1024x64xf32>,
    } else {
    }
    %ge3A = arith.constant 4 : i32
    %ge3A_2 = arith.cmpi sge, %arg0, %ge3A : i32
    %convert_element_type3A_3 = arith.extui %ge3A_2 : i1 to i32
    %cond3A_4 = arith.constant 0 : i32
    %cond3A_5 = arith.cmpi ne, %convert_element_type3A_3, %cond3A_4 : i32
    scf.if %cond3A_5 {
      %sub3A_154 = arith.constant 4 : i32
      %sub3A_155 = arith.subi %arg0, %sub3A_154 : i32
      %rem3A_156 = arith.constant 4 : i32
      %rem3A_157 = arith.remsi %arg0, %rem3A_156 : i32
      %mul3A_158 = arith.constant 16 : i32
      %mul3A_159 = arith.muli %mul3A_158, %sub3A_155 : i32
      %mul3A_160 = arith.constant 16 : i32
      %mul3A_161 = arith.muli %mul3A_160, %sub3A_155 : i32
      %sub3A_162 = arith.constant 128 : i32
      %sub3A_163 = arith.subi %mul3A_161, %sub3A_162 : i32
      %jit3A_164 = arith.constant 0 : i32
      %jit3A_165 = arith.constant 1776 : i32
      %max3A_166 = arith.maxsi %jit3A_164, %sub3A_163 : i32
      %min3A_167 = arith.minsi %jit3A_165, %max3A_166 : i32
      %and3A_168 = arith.constant 1024 : i32
      %and3A_169 = arith.andi %min3A_167, %and3A_168 : i32
      %ne3A_170 = arith.constant 0 : i32
      %ne3A_171 = arith.cmpi ne, %and3A_169, %ne3A_170 : i32
      %convert_element_type3A_172 = arith.extui %ne3A_171 : i1 to i32
      %cond3A_173 = arith.constant 0 : i32
      %cond3A_174 = arith.constant 0 : i32
      %cond3A_175 = arith.cmpi ne, %convert_element_type3A_172, %cond3A_174 : i32
      scf.if %cond3A_175 {
        %dma_wait3A = tpu.memref_slice %arg5[%rem3A_157] : memref<4x!tpu.dma_semaphore, #tpu.memory_space<semaphore_mem>> -> memref<1x!tpu.dma_semaphore, #tpu.memory_space<semaphore_mem>>
        %dma_wait3A_309 = tpu.memref_squeeze %dma_wait3A : memref<1x!tpu.dma_semaphore, #tpu.memory_space<semaphore_mem>> -> memref<!tpu.dma_semaphore, #tpu.memory_space<semaphore_mem>>
        %dma_wait3A_310 = arith.constant 0 : i32
        %dma_wait3A_311 = tpu.memref_slice %arg2[%mul3A_159, %cond3A_173, %dma_wait3A_310] : memref<2048x2048x64xf32, #tpu.memory_space<hbm>> -> memref<16x1024x64xf32, #tpu.memory_space<hbm>>
        %dma_wait3A_312 = arith.constant 0 : i32
        %dma_wait3A_313 = arith.constant 0 : i32
        %dma_wait3A_314 = arith.constant 0 : i32
        %dma_wait3A_315 = tpu.memref_slice %arg3[%dma_wait3A_312, %dma_wait3A_313, %dma_wait3A_314] : memref<16x1024x64xf32, #tpu.memory_space<vmem>> -> memref<16x1024x64xf32, #tpu.memory_space<vmem>>
        tpu.wait_dma2 semaphore(%dma_wait3A_309 : memref<!tpu.dma_semaphore, #tpu.memory_space<semaphore_mem>>) src(%dma_wait3A_315 : memref<16x1024x64xf32, #tpu.memory_space<vmem>>) dst(%dma_wait3A_311 : memref<16x1024x64xf32, #tpu.memory_space<hbm>>)
      } else {
      }
      %add3A_176 = arith.constant 0 : i32
      %add3A_177 = arith.constant 1024 : i32
      %add3A_178 = arith.addi %add3A_176, %add3A_177 : i32
      %jit3A_179 = arith.constant 0 : i32
      %select_n3A_180 = arith.select %ne3A_171, %add3A_178, %jit3A_179 : i32
      %and3A_181 = arith.constant 512 : i32
      %and3A_182 = arith.andi %min3A_167, %and3A_181 : i32
      %ne3A_183 = arith.constant 0 : i32
      %ne3A_184 = arith.cmpi ne, %and3A_182, %ne3A_183 : i32
      %convert_element_type3A_185 = arith.extui %ne3A_184 : i1 to i32
      %cond3A_186 = arith.constant 0 : i32
      %cond3A_187 = arith.cmpi ne, %convert_element_type3A_185, %cond3A_186 : i32
      scf.if %cond3A_187 {
        %dma_wait3A = tpu.memref_slice %arg5[%rem3A_157] : memref<4x!tpu.dma_semaphore, #tpu.memory_space<semaphore_mem>> -> memref<1x!tpu.dma_semaphore, #tpu.memory_space<semaphore_mem>>
        %dma_wait3A_309 = tpu.memref_squeeze %dma_wait3A : memref<1x!tpu.dma_semaphore, #tpu.memory_space<semaphore_mem>> -> memref<!tpu.dma_semaphore, #tpu.memory_space<semaphore_mem>>
        %dma_wait3A_310 = arith.constant 0 : i32
        %dma_wait3A_311 = tpu.memref_slice %arg2[%mul3A_159, %select_n3A_180, %dma_wait3A_310] : memref<2048x2048x64xf32, #tpu.memory_space<hbm>> -> memref<16x512x64xf32, #tpu.memory_space<hbm>>
        %dma_wait3A_312 = arith.constant 0 : i32
        %dma_wait3A_313 = arith.constant 0 : i32
        %dma_wait3A_314 = arith.constant 0 : i32
        %dma_wait3A_315 = tpu.memref_slice %arg3[%dma_wait3A_312, %dma_wait3A_313, %dma_wait3A_314] : memref<16x1024x64xf32, #tpu.memory_space<vmem>> -> memref<16x512x64xf32, #tpu.memory_space<vmem>>
        tpu.wait_dma2 semaphore(%dma_wait3A_309 : memref<!tpu.dma_semaphore, #tpu.memory_space<semaphore_mem>>) src(%dma_wait3A_315 : memref<16x512x64xf32, #tpu.memory_space<vmem>>) dst(%dma_wait3A_311 : memref<16x512x64xf32, #tpu.memory_space<hbm>>)
      } else {
      }
      %add3A_188 = arith.constant 512 : i32
      %add3A_189 = arith.addi %select_n3A_180, %add3A_188 : i32
      %select_n3A_190 = arith.select %ne3A_184, %add3A_189, %select_n3A_180 : i32
      %and3A_191 = arith.constant 256 : i32
      %and3A_192 = arith.andi %min3A_167, %and3A_191 : i32
      %ne3A_193 = arith.constant 0 : i32
      %ne3A_194 = arith.cmpi ne, %and3A_192, %ne3A_193 : i32
      %convert_element_type3A_195 = arith.extui %ne3A_194 : i1 to i32
      %cond3A_196 = arith.constant 0 : i32
      %cond3A_197 = arith.cmpi ne, %convert_element_type3A_195, %cond3A_196 : i32
      scf.if %cond3A_197 {
        %dma_wait3A = tpu.memref_slice %arg5[%rem3A_157] : memref<4x!tpu.dma_semaphore, #tpu.memory_space<semaphore_mem>> -> memref<1x!tpu.dma_semaphore, #tpu.memory_space<semaphore_mem>>
        %dma_wait3A_309 = tpu.memref_squeeze %dma_wait3A : memref<1x!tpu.dma_semaphore, #tpu.memory_space<semaphore_mem>> -> memref<!tpu.dma_semaphore, #tpu.memory_space<semaphore_mem>>
        %dma_wait3A_310 = arith.constant 0 : i32
        %dma_wait3A_311 = tpu.memref_slice %arg2[%mul3A_159, %select_n3A_190, %dma_wait3A_310] : memref<2048x2048x64xf32, #tpu.memory_space<hbm>> -> memref<16x256x64xf32, #tpu.memory_space<hbm>>
        %dma_wait3A_312 = arith.constant 0 : i32
        %dma_wait3A_313 = arith.constant 0 : i32
        %dma_wait3A_314 = arith.constant 0 : i32
        %dma_wait3A_315 = tpu.memref_slice %arg3[%dma_wait3A_312, %dma_wait3A_313, %dma_wait3A_314] : memref<16x1024x64xf32, #tpu.memory_space<vmem>> -> memref<16x256x64xf32, #tpu.memory_space<vmem>>
        tpu.wait_dma2 semaphore(%dma_wait3A_309 : memref<!tpu.dma_semaphore, #tpu.memory_space<semaphore_mem>>) src(%dma_wait3A_315 : memref<16x256x64xf32, #tpu.memory_space<vmem>>) dst(%dma_wait3A_311 : memref<16x256x64xf32, #tpu.memory_space<hbm>>)
      } else {
      }
      %add3A_198 = arith.constant 256 : i32
      %add3A_199 = arith.addi %select_n3A_190, %add3A_198 : i32
      %select_n3A_200 = arith.select %ne3A_194, %add3A_199, %select_n3A_190 : i32
      %and3A_201 = arith.constant 128 : i32
      %and3A_202 = arith.andi %min3A_167, %and3A_201 : i32
      %ne3A_203 = arith.constant 0 : i32
      %ne3A_204 = arith.cmpi ne, %and3A_202, %ne3A_203 : i32
      %convert_element_type3A_205 = arith.extui %ne3A_204 : i1 to i32
      %cond3A_206 = arith.constant 0 : i32
      %cond3A_207 = arith.cmpi ne, %convert_element_type3A_205, %cond3A_206 : i32
      scf.if %cond3A_207 {
        %dma_wait3A = tpu.memref_slice %arg5[%rem3A_157] : memref<4x!tpu.dma_semaphore, #tpu.memory_space<semaphore_mem>> -> memref<1x!tpu.dma_semaphore, #tpu.memory_space<semaphore_mem>>
        %dma_wait3A_309 = tpu.memref_squeeze %dma_wait3A : memref<1x!tpu.dma_semaphore, #tpu.memory_space<semaphore_mem>> -> memref<!tpu.dma_semaphore, #tpu.memory_space<semaphore_mem>>
        %dma_wait3A_310 = arith.constant 0 : i32
        %dma_wait3A_311 = tpu.memref_slice %arg2[%mul3A_159, %select_n3A_200, %dma_wait3A_310] : memref<2048x2048x64xf32, #tpu.memory_space<hbm>> -> memref<16x128x64xf32, #tpu.memory_space<hbm>>
        %dma_wait3A_312 = arith.constant 0 : i32
        %dma_wait3A_313 = arith.constant 0 : i32
        %dma_wait3A_314 = arith.constant 0 : i32
        %dma_wait3A_315 = tpu.memref_slice %arg3[%dma_wait3A_312, %dma_wait3A_313, %dma_wait3A_314] : memref<16x1024x64xf32, #tpu.memory_space<vmem>> -> memref<16x128x64xf32, #tpu.memory_space<vmem>>
        tpu.wait_dma2 semaphore(%dma_wait3A_309 : memref<!tpu.dma_semaphore, #tpu.memory_space<semaphore_mem>>) src(%dma_wait3A_315 : memref<16x128x64xf32, #tpu.memory_space<vmem>>) dst(%dma_wait3A_311 : memref<16x128x64xf32, #tpu.memory_space<hbm>>)
      } else {
      }
      %add3A_208 = arith.constant 128 : i32
      %add3A_209 = arith.addi %select_n3A_200, %add3A_208 : i32
      %select_n3A_210 = arith.select %ne3A_204, %add3A_209, %select_n3A_200 : i32
      %and3A_211 = arith.constant 64 : i32
      %and3A_212 = arith.andi %min3A_167, %and3A_211 : i32
      %ne3A_213 = arith.constant 0 : i32
      %ne3A_214 = arith.cmpi ne, %and3A_212, %ne3A_213 : i32
      %convert_element_type3A_215 = arith.extui %ne3A_214 : i1 to i32
      %cond3A_216 = arith.constant 0 : i32
      %cond3A_217 = arith.cmpi ne, %convert_element_type3A_215, %cond3A_216 : i32
      scf.if %cond3A_217 {
        %dma_wait3A = tpu.memref_slice %arg5[%rem3A_157] : memref<4x!tpu.dma_semaphore, #tpu.memory_space<semaphore_mem>> -> memref<1x!tpu.dma_semaphore, #tpu.memory_space<semaphore_mem>>
        %dma_wait3A_309 = tpu.memref_squeeze %dma_wait3A : memref<1x!tpu.dma_semaphore, #tpu.memory_space<semaphore_mem>> -> memref<!tpu.dma_semaphore, #tpu.memory_space<semaphore_mem>>
        %dma_wait3A_310 = arith.constant 0 : i32
        %dma_wait3A_311 = tpu.memref_slice %arg2[%mul3A_159, %select_n3A_210, %dma_wait3A_310] : memref<2048x2048x64xf32, #tpu.memory_space<hbm>> -> memref<16x64x64xf32, #tpu.memory_space<hbm>>
        %dma_wait3A_312 = arith.constant 0 : i32
        %dma_wait3A_313 = arith.constant 0 : i32
        %dma_wait3A_314 = arith.constant 0 : i32
        %dma_wait3A_315 = tpu.memref_slice %arg3[%dma_wait3A_312, %dma_wait3A_313, %dma_wait3A_314] : memref<16x1024x64xf32, #tpu.memory_space<vmem>> -> memref<16x64x64xf32, #tpu.memory_space<vmem>>
        tpu.wait_dma2 semaphore(%dma_wait3A_309 : memref<!tpu.dma_semaphore, #tpu.memory_space<semaphore_mem>>) src(%dma_wait3A_315 : memref<16x64x64xf32, #tpu.memory_space<vmem>>) dst(%dma_wait3A_311 : memref<16x64x64xf32, #tpu.memory_space<hbm>>)
      } else {
      }
      %add3A_218 = arith.constant 64 : i32
      %add3A_219 = arith.addi %select_n3A_210, %add3A_218 : i32
      %select_n3A_220 = arith.select %ne3A_214, %add3A_219, %select_n3A_210 : i32
      %and3A_221 = arith.constant 32 : i32
      %and3A_222 = arith.andi %min3A_167, %and3A_221 : i32
      %ne3A_223 = arith.constant 0 : i32
      %ne3A_224 = arith.cmpi ne, %and3A_222, %ne3A_223 : i32
      %convert_element_type3A_225 = arith.extui %ne3A_224 : i1 to i32
      %cond3A_226 = arith.constant 0 : i32
      %cond3A_227 = arith.cmpi ne, %convert_element_type3A_225, %cond3A_226 : i32
      scf.if %cond3A_227 {
        %dma_wait3A = tpu.memref_slice %arg5[%rem3A_157] : memref<4x!tpu.dma_semaphore, #tpu.memory_space<semaphore_mem>> -> memref<1x!tpu.dma_semaphore, #tpu.memory_space<semaphore_mem>>
        %dma_wait3A_309 = tpu.memref_squeeze %dma_wait3A : memref<1x!tpu.dma_semaphore, #tpu.memory_space<semaphore_mem>> -> memref<!tpu.dma_semaphore, #tpu.memory_space<semaphore_mem>>
        %dma_wait3A_310 = arith.constant 0 : i32
        %dma_wait3A_311 = tpu.memref_slice %arg2[%mul3A_159, %select_n3A_220, %dma_wait3A_310] : memref<2048x2048x64xf32, #tpu.memory_space<hbm>> -> memref<16x32x64xf32, #tpu.memory_space<hbm>>
        %dma_wait3A_312 = arith.constant 0 : i32
        %dma_wait3A_313 = arith.constant 0 : i32
        %dma_wait3A_314 = arith.constant 0 : i32
        %dma_wait3A_315 = tpu.memref_slice %arg3[%dma_wait3A_312, %dma_wait3A_313, %dma_wait3A_314] : memref<16x1024x64xf32, #tpu.memory_space<vmem>> -> memref<16x32x64xf32, #tpu.memory_space<vmem>>
        tpu.wait_dma2 semaphore(%dma_wait3A_309 : memref<!tpu.dma_semaphore, #tpu.memory_space<semaphore_mem>>) src(%dma_wait3A_315 : memref<16x32x64xf32, #tpu.memory_space<vmem>>) dst(%dma_wait3A_311 : memref<16x32x64xf32, #tpu.memory_space<hbm>>)
      } else {
      }
      %add3A_228 = arith.constant 32 : i32
      %add3A_229 = arith.addi %select_n3A_220, %add3A_228 : i32
      %select_n3A_230 = arith.select %ne3A_224, %add3A_229, %select_n3A_220 : i32
      %and3A_231 = arith.constant 16 : i32
      %and3A_232 = arith.andi %min3A_167, %and3A_231 : i32
      %ne3A_233 = arith.constant 0 : i32
      %ne3A_234 = arith.cmpi ne, %and3A_232, %ne3A_233 : i32
      %convert_element_type3A_235 = arith.extui %ne3A_234 : i1 to i32
      %cond3A_236 = arith.constant 0 : i32
      %cond3A_237 = arith.cmpi ne, %convert_element_type3A_235, %cond3A_236 : i32
      scf.if %cond3A_237 {
        %dma_wait3A = tpu.memref_slice %arg5[%rem3A_157] : memref<4x!tpu.dma_semaphore, #tpu.memory_space<semaphore_mem>> -> memref<1x!tpu.dma_semaphore, #tpu.memory_space<semaphore_mem>>
        %dma_wait3A_309 = tpu.memref_squeeze %dma_wait3A : memref<1x!tpu.dma_semaphore, #tpu.memory_space<semaphore_mem>> -> memref<!tpu.dma_semaphore, #tpu.memory_space<semaphore_mem>>
        %dma_wait3A_310 = arith.constant 0 : i32
        %dma_wait3A_311 = tpu.memref_slice %arg2[%mul3A_159, %select_n3A_230, %dma_wait3A_310] : memref<2048x2048x64xf32, #tpu.memory_space<hbm>> -> memref<16x16x64xf32, #tpu.memory_space<hbm>>
        %dma_wait3A_312 = arith.constant 0 : i32
        %dma_wait3A_313 = arith.constant 0 : i32
        %dma_wait3A_314 = arith.constant 0 : i32
        %dma_wait3A_315 = tpu.memref_slice %arg3[%dma_wait3A_312, %dma_wait3A_313, %dma_wait3A_314] : memref<16x1024x64xf32, #tpu.memory_space<vmem>> -> memref<16x16x64xf32, #tpu.memory_space<vmem>>
        tpu.wait_dma2 semaphore(%dma_wait3A_309 : memref<!tpu.dma_semaphore, #tpu.memory_space<semaphore_mem>>) src(%dma_wait3A_315 : memref<16x16x64xf32, #tpu.memory_space<vmem>>) dst(%dma_wait3A_311 : memref<16x16x64xf32, #tpu.memory_space<hbm>>)
      } else {
      }
      %add3A_238 = arith.constant 272 : i32
      %add3A_239 = arith.addi %min3A_167, %add3A_238 : i32
      %sub3A_240 = arith.constant 2048 : i32
      %sub3A_241 = arith.subi %sub3A_240, %add3A_239 : i32
      %and3A_242 = arith.constant 1024 : i32
      %and3A_243 = arith.andi %sub3A_241, %and3A_242 : i32
      %ne3A_244 = arith.constant 0 : i32
      %ne3A_245 = arith.cmpi ne, %and3A_243, %ne3A_244 : i32
      %convert_element_type3A_246 = arith.extui %ne3A_245 : i1 to i32
      %cond3A_247 = arith.constant 0 : i32
      %cond3A_248 = arith.cmpi ne, %convert_element_type3A_246, %cond3A_247 : i32
      scf.if %cond3A_248 {
        %dma_wait3A = tpu.memref_slice %arg5[%rem3A_157] : memref<4x!tpu.dma_semaphore, #tpu.memory_space<semaphore_mem>> -> memref<1x!tpu.dma_semaphore, #tpu.memory_space<semaphore_mem>>
        %dma_wait3A_309 = tpu.memref_squeeze %dma_wait3A : memref<1x!tpu.dma_semaphore, #tpu.memory_space<semaphore_mem>> -> memref<!tpu.dma_semaphore, #tpu.memory_space<semaphore_mem>>
        %dma_wait3A_310 = arith.constant 0 : i32
        %dma_wait3A_311 = tpu.memref_slice %arg2[%mul3A_159, %add3A_239, %dma_wait3A_310] : memref<2048x2048x64xf32, #tpu.memory_space<hbm>> -> memref<16x1024x64xf32, #tpu.memory_space<hbm>>
        %dma_wait3A_312 = arith.constant 0 : i32
        %dma_wait3A_313 = arith.constant 0 : i32
        %dma_wait3A_314 = arith.constant 0 : i32
        %dma_wait3A_315 = tpu.memref_slice %arg4[%dma_wait3A_312, %dma_wait3A_313, %dma_wait3A_314] : memref<16x1024x64xf32, #tpu.memory_space<vmem>> -> memref<16x1024x64xf32, #tpu.memory_space<vmem>>
        tpu.wait_dma2 semaphore(%dma_wait3A_309 : memref<!tpu.dma_semaphore, #tpu.memory_space<semaphore_mem>>) src(%dma_wait3A_315 : memref<16x1024x64xf32, #tpu.memory_space<vmem>>) dst(%dma_wait3A_311 : memref<16x1024x64xf32, #tpu.memory_space<hbm>>)
      } else {
      }
      %add3A_249 = arith.constant 1024 : i32
      %add3A_250 = arith.addi %add3A_239, %add3A_249 : i32
      %select_n3A_251 = arith.select %ne3A_245, %add3A_250, %add3A_239 : i32
      %and3A_252 = arith.constant 512 : i32
      %and3A_253 = arith.andi %sub3A_241, %and3A_252 : i32
      %ne3A_254 = arith.constant 0 : i32
      %ne3A_255 = arith.cmpi ne, %and3A_253, %ne3A_254 : i32
      %convert_element_type3A_256 = arith.extui %ne3A_255 : i1 to i32
      %cond3A_257 = arith.constant 0 : i32
      %cond3A_258 = arith.cmpi ne, %convert_element_type3A_256, %cond3A_257 : i32
      scf.if %cond3A_258 {
        %dma_wait3A = tpu.memref_slice %arg5[%rem3A_157] : memref<4x!tpu.dma_semaphore, #tpu.memory_space<semaphore_mem>> -> memref<1x!tpu.dma_semaphore, #tpu.memory_space<semaphore_mem>>
        %dma_wait3A_309 = tpu.memref_squeeze %dma_wait3A : memref<1x!tpu.dma_semaphore, #tpu.memory_space<semaphore_mem>> -> memref<!tpu.dma_semaphore, #tpu.memory_space<semaphore_mem>>
        %dma_wait3A_310 = arith.constant 0 : i32
        %dma_wait3A_311 = tpu.memref_slice %arg2[%mul3A_159, %select_n3A_251, %dma_wait3A_310] : memref<2048x2048x64xf32, #tpu.memory_space<hbm>> -> memref<16x512x64xf32, #tpu.memory_space<hbm>>
        %dma_wait3A_312 = arith.constant 0 : i32
        %dma_wait3A_313 = arith.constant 0 : i32
        %dma_wait3A_314 = arith.constant 0 : i32
        %dma_wait3A_315 = tpu.memref_slice %arg4[%dma_wait3A_312, %dma_wait3A_313, %dma_wait3A_314] : memref<16x1024x64xf32, #tpu.memory_space<vmem>> -> memref<16x512x64xf32, #tpu.memory_space<vmem>>
        tpu.wait_dma2 semaphore(%dma_wait3A_309 : memref<!tpu.dma_semaphore, #tpu.memory_space<semaphore_mem>>) src(%dma_wait3A_315 : memref<16x512x64xf32, #tpu.memory_space<vmem>>) dst(%dma_wait3A_311 : memref<16x512x64xf32, #tpu.memory_space<hbm>>)
      } else {
      }
      %add3A_259 = arith.constant 512 : i32
      %add3A_260 = arith.addi %select_n3A_251, %add3A_259 : i32
      %select_n3A_261 = arith.select %ne3A_255, %add3A_260, %select_n3A_251 : i32
      %and3A_262 = arith.constant 256 : i32
      %and3A_263 = arith.andi %sub3A_241, %and3A_262 : i32
      %ne3A_264 = arith.constant 0 : i32
      %ne3A_265 = arith.cmpi ne, %and3A_263, %ne3A_264 : i32
      %convert_element_type3A_266 = arith.extui %ne3A_265 : i1 to i32
      %cond3A_267 = arith.constant 0 : i32
      %cond3A_268 = arith.cmpi ne, %convert_element_type3A_266, %cond3A_267 : i32
      scf.if %cond3A_268 {
        %dma_wait3A = tpu.memref_slice %arg5[%rem3A_157] : memref<4x!tpu.dma_semaphore, #tpu.memory_space<semaphore_mem>> -> memref<1x!tpu.dma_semaphore, #tpu.memory_space<semaphore_mem>>
        %dma_wait3A_309 = tpu.memref_squeeze %dma_wait3A : memref<1x!tpu.dma_semaphore, #tpu.memory_space<semaphore_mem>> -> memref<!tpu.dma_semaphore, #tpu.memory_space<semaphore_mem>>
        %dma_wait3A_310 = arith.constant 0 : i32
        %dma_wait3A_311 = tpu.memref_slice %arg2[%mul3A_159, %select_n3A_261, %dma_wait3A_310] : memref<2048x2048x64xf32, #tpu.memory_space<hbm>> -> memref<16x256x64xf32, #tpu.memory_space<hbm>>
        %dma_wait3A_312 = arith.constant 0 : i32
        %dma_wait3A_313 = arith.constant 0 : i32
        %dma_wait3A_314 = arith.constant 0 : i32
        %dma_wait3A_315 = tpu.memref_slice %arg4[%dma_wait3A_312, %dma_wait3A_313, %dma_wait3A_314] : memref<16x1024x64xf32, #tpu.memory_space<vmem>> -> memref<16x256x64xf32, #tpu.memory_space<vmem>>
        tpu.wait_dma2 semaphore(%dma_wait3A_309 : memref<!tpu.dma_semaphore, #tpu.memory_space<semaphore_mem>>) src(%dma_wait3A_315 : memref<16x256x64xf32, #tpu.memory_space<vmem>>) dst(%dma_wait3A_311 : memref<16x256x64xf32, #tpu.memory_space<hbm>>)
      } else {
      }
      %add3A_269 = arith.constant 256 : i32
      %add3A_270 = arith.addi %select_n3A_261, %add3A_269 : i32
      %select_n3A_271 = arith.select %ne3A_265, %add3A_270, %select_n3A_261 : i32
      %and3A_272 = arith.constant 128 : i32
      %and3A_273 = arith.andi %sub3A_241, %and3A_272 : i32
      %ne3A_274 = arith.constant 0 : i32
      %ne3A_275 = arith.cmpi ne, %and3A_273, %ne3A_274 : i32
      %convert_element_type3A_276 = arith.extui %ne3A_275 : i1 to i32
      %cond3A_277 = arith.constant 0 : i32
      %cond3A_278 = arith.cmpi ne, %convert_element_type3A_276, %cond3A_277 : i32
      scf.if %cond3A_278 {
        %dma_wait3A = tpu.memref_slice %arg5[%rem3A_157] : memref<4x!tpu.dma_semaphore, #tpu.memory_space<semaphore_mem>> -> memref<1x!tpu.dma_semaphore, #tpu.memory_space<semaphore_mem>>
        %dma_wait3A_309 = tpu.memref_squeeze %dma_wait3A : memref<1x!tpu.dma_semaphore, #tpu.memory_space<semaphore_mem>> -> memref<!tpu.dma_semaphore, #tpu.memory_space<semaphore_mem>>
        %dma_wait3A_310 = arith.constant 0 : i32
        %dma_wait3A_311 = tpu.memref_slice %arg2[%mul3A_159, %select_n3A_271, %dma_wait3A_310] : memref<2048x2048x64xf32, #tpu.memory_space<hbm>> -> memref<16x128x64xf32, #tpu.memory_space<hbm>>
        %dma_wait3A_312 = arith.constant 0 : i32
        %dma_wait3A_313 = arith.constant 0 : i32
        %dma_wait3A_314 = arith.constant 0 : i32
        %dma_wait3A_315 = tpu.memref_slice %arg4[%dma_wait3A_312, %dma_wait3A_313, %dma_wait3A_314] : memref<16x1024x64xf32, #tpu.memory_space<vmem>> -> memref<16x128x64xf32, #tpu.memory_space<vmem>>
        tpu.wait_dma2 semaphore(%dma_wait3A_309 : memref<!tpu.dma_semaphore, #tpu.memory_space<semaphore_mem>>) src(%dma_wait3A_315 : memref<16x128x64xf32, #tpu.memory_space<vmem>>) dst(%dma_wait3A_311 : memref<16x128x64xf32, #tpu.memory_space<hbm>>)
      } else {
      }
      %add3A_279 = arith.constant 128 : i32
      %add3A_280 = arith.addi %select_n3A_271, %add3A_279 : i32
      %select_n3A_281 = arith.select %ne3A_275, %add3A_280, %select_n3A_271 : i32
      %and3A_282 = arith.constant 64 : i32
      %and3A_283 = arith.andi %sub3A_241, %and3A_282 : i32
      %ne3A_284 = arith.constant 0 : i32
      %ne3A_285 = arith.cmpi ne, %and3A_283, %ne3A_284 : i32
      %convert_element_type3A_286 = arith.extui %ne3A_285 : i1 to i32
      %cond3A_287 = arith.constant 0 : i32
      %cond3A_288 = arith.cmpi ne, %convert_element_type3A_286, %cond3A_287 : i32
      scf.if %cond3A_288 {
        %dma_wait3A = tpu.memref_slice %arg5[%rem3A_157] : memref<4x!tpu.dma_semaphore, #tpu.memory_space<semaphore_mem>> -> memref<1x!tpu.dma_semaphore, #tpu.memory_space<semaphore_mem>>
        %dma_wait3A_309 = tpu.memref_squeeze %dma_wait3A : memref<1x!tpu.dma_semaphore, #tpu.memory_space<semaphore_mem>> -> memref<!tpu.dma_semaphore, #tpu.memory_space<semaphore_mem>>
        %dma_wait3A_310 = arith.constant 0 : i32
        %dma_wait3A_311 = tpu.memref_slice %arg2[%mul3A_159, %select_n3A_281, %dma_wait3A_310] : memref<2048x2048x64xf32, #tpu.memory_space<hbm>> -> memref<16x64x64xf32, #tpu.memory_space<hbm>>
        %dma_wait3A_312 = arith.constant 0 : i32
        %dma_wait3A_313 = arith.constant 0 : i32
        %dma_wait3A_314 = arith.constant 0 : i32
        %dma_wait3A_315 = tpu.memref_slice %arg4[%dma_wait3A_312, %dma_wait3A_313, %dma_wait3A_314] : memref<16x1024x64xf32, #tpu.memory_space<vmem>> -> memref<16x64x64xf32, #tpu.memory_space<vmem>>
        tpu.wait_dma2 semaphore(%dma_wait3A_309 : memref<!tpu.dma_semaphore, #tpu.memory_space<semaphore_mem>>) src(%dma_wait3A_315 : memref<16x64x64xf32, #tpu.memory_space<vmem>>) dst(%dma_wait3A_311 : memref<16x64x64xf32, #tpu.memory_space<hbm>>)
      } else {
      }
      %add3A_289 = arith.constant 64 : i32
      %add3A_290 = arith.addi %select_n3A_281, %add3A_289 : i32
      %select_n3A_291 = arith.select %ne3A_285, %add3A_290, %select_n3A_281 : i32
      %and3A_292 = arith.constant 32 : i32
      %and3A_293 = arith.andi %sub3A_241, %and3A_292 : i32
      %ne3A_294 = arith.constant 0 : i32
      %ne3A_295 = arith.cmpi ne, %and3A_293, %ne3A_294 : i32
      %convert_element_type3A_296 = arith.extui %ne3A_295 : i1 to i32
      %cond3A_297 = arith.constant 0 : i32
      %cond3A_298 = arith.cmpi ne, %convert_element_type3A_296, %cond3A_297 : i32
      scf.if %cond3A_298 {
        %dma_wait3A = tpu.memref_slice %arg5[%rem3A_157] : memref<4x!tpu.dma_semaphore, #tpu.memory_space<semaphore_mem>> -> memref<1x!tpu.dma_semaphore, #tpu.memory_space<semaphore_mem>>
        %dma_wait3A_309 = tpu.memref_squeeze %dma_wait3A : memref<1x!tpu.dma_semaphore, #tpu.memory_space<semaphore_mem>> -> memref<!tpu.dma_semaphore, #tpu.memory_space<semaphore_mem>>
        %dma_wait3A_310 = arith.constant 0 : i32
        %dma_wait3A_311 = tpu.memref_slice %arg2[%mul3A_159, %select_n3A_291, %dma_wait3A_310] : memref<2048x2048x64xf32, #tpu.memory_space<hbm>> -> memref<16x32x64xf32, #tpu.memory_space<hbm>>
        %dma_wait3A_312 = arith.constant 0 : i32
        %dma_wait3A_313 = arith.constant 0 : i32
        %dma_wait3A_314 = arith.constant 0 : i32
        %dma_wait3A_315 = tpu.memref_slice %arg4[%dma_wait3A_312, %dma_wait3A_313, %dma_wait3A_314] : memref<16x1024x64xf32, #tpu.memory_space<vmem>> -> memref<16x32x64xf32, #tpu.memory_space<vmem>>
        tpu.wait_dma2 semaphore(%dma_wait3A_309 : memref<!tpu.dma_semaphore, #tpu.memory_space<semaphore_mem>>) src(%dma_wait3A_315 : memref<16x32x64xf32, #tpu.memory_space<vmem>>) dst(%dma_wait3A_311 : memref<16x32x64xf32, #tpu.memory_space<hbm>>)
      } else {
      }
      %add3A_299 = arith.constant 32 : i32
      %add3A_300 = arith.addi %select_n3A_291, %add3A_299 : i32
      %select_n3A_301 = arith.select %ne3A_295, %add3A_300, %select_n3A_291 : i32
      %and3A_302 = arith.constant 16 : i32
      %and3A_303 = arith.andi %sub3A_241, %and3A_302 : i32
      %ne3A_304 = arith.constant 0 : i32
      %ne3A_305 = arith.cmpi ne, %and3A_303, %ne3A_304 : i32
      %convert_element_type3A_306 = arith.extui %ne3A_305 : i1 to i32
      %cond3A_307 = arith.constant 0 : i32
      %cond3A_308 = arith.cmpi ne, %convert_element_type3A_306, %cond3A_307 : i32
      scf.if %cond3A_308 {
        %dma_wait3A = tpu.memref_slice %arg5[%rem3A_157] : memref<4x!tpu.dma_semaphore, #tpu.memory_space<semaphore_mem>> -> memref<1x!tpu.dma_semaphore, #tpu.memory_space<semaphore_mem>>
        %dma_wait3A_309 = tpu.memref_squeeze %dma_wait3A : memref<1x!tpu.dma_semaphore, #tpu.memory_space<semaphore_mem>> -> memref<!tpu.dma_semaphore, #tpu.memory_space<semaphore_mem>>
        %dma_wait3A_310 = arith.constant 0 : i32
        %dma_wait3A_311 = tpu.memref_slice %arg2[%mul3A_159, %select_n3A_301, %dma_wait3A_310] : memref<2048x2048x64xf32, #tpu.memory_space<hbm>> -> memref<16x16x64xf32, #tpu.memory_space<hbm>>
        %dma_wait3A_312 = arith.constant 0 : i32
        %dma_wait3A_313 = arith.constant 0 : i32
        %dma_wait3A_314 = arith.constant 0 : i32
        %dma_wait3A_315 = tpu.memref_slice %arg4[%dma_wait3A_312, %dma_wait3A_313, %dma_wait3A_314] : memref<16x1024x64xf32, #tpu.memory_space<vmem>> -> memref<16x16x64xf32, #tpu.memory_space<vmem>>
        tpu.wait_dma2 semaphore(%dma_wait3A_309 : memref<!tpu.dma_semaphore, #tpu.memory_space<semaphore_mem>>) src(%dma_wait3A_315 : memref<16x16x64xf32, #tpu.memory_space<vmem>>) dst(%dma_wait3A_311 : memref<16x16x64xf32, #tpu.memory_space<hbm>>)
      } else {
      }
    } else {
    }
    %rem3A = arith.constant 4 : i32
    %rem3A_6 = arith.remsi %arg0, %rem3A : i32
    %mul3A = arith.constant 16 : i32
    %mul3A_7 = arith.muli %mul3A, %arg0 : i32
    %mul3A_8 = arith.constant 16 : i32
    %mul3A_9 = arith.muli %mul3A_8, %arg0 : i32
    %sub3A = arith.constant 128 : i32
    %sub3A_10 = arith.subi %mul3A_9, %sub3A : i32
    %jit3A = arith.constant 0 : i32
    %jit3A_11 = arith.constant 1776 : i32
    %max3A = arith.maxsi %jit3A, %sub3A_10 : i32
    %min3A = arith.minsi %jit3A_11, %max3A : i32
    %and3A = arith.constant 1024 : i32
    %and3A_12 = arith.andi %min3A, %and3A : i32
    %ne3A = arith.constant 0 : i32
    %ne3A_13 = arith.cmpi ne, %and3A_12, %ne3A : i32
    %convert_element_type3A_14 = arith.extui %ne3A_13 : i1 to i32
    %cond3A_15 = arith.constant 0 : i32
    %cond3A_16 = arith.constant 0 : i32
    %cond3A_17 = arith.cmpi ne, %convert_element_type3A_14, %cond3A_16 : i32
    scf.if %cond3A_17 {
      %dma_start3A = tpu.memref_slice %arg5[%rem3A_6] : memref<4x!tpu.dma_semaphore, #tpu.memory_space<semaphore_mem>> -> memref<1x!tpu.dma_semaphore, #tpu.memory_space<semaphore_mem>>
      %dma_start3A_154 = tpu.memref_squeeze %dma_start3A : memref<1x!tpu.dma_semaphore, #tpu.memory_space<semaphore_mem>> -> memref<!tpu.dma_semaphore, #tpu.memory_space<semaphore_mem>>
      %dma_start3A_155 = arith.constant 0 : i32
      %dma_start3A_156 = tpu.memref_slice %arg2[%mul3A_7, %cond3A_15, %dma_start3A_155] : memref<2048x2048x64xf32, #tpu.memory_space<hbm>> -> memref<16x1024x64xf32, #tpu.memory_space<hbm>>
      %dma_start3A_157 = arith.constant 0 : i32
      %dma_start3A_158 = arith.constant 0 : i32
      %dma_start3A_159 = arith.constant 0 : i32
      %dma_start3A_160 = tpu.memref_slice %arg3[%dma_start3A_157, %dma_start3A_158, %dma_start3A_159] : memref<16x1024x64xf32, #tpu.memory_space<vmem>> -> memref<16x1024x64xf32, #tpu.memory_space<vmem>>
      tpu.enqueue_dma source(%dma_start3A_160 : memref<16x1024x64xf32, #tpu.memory_space<vmem>>) target(%dma_start3A_156 : memref<16x1024x64xf32, #tpu.memory_space<hbm>>) target_semaphore(%dma_start3A_154 : memref<!tpu.dma_semaphore, #tpu.memory_space<semaphore_mem>>)
    } else {
    }
    %add3A = arith.constant 0 : i32
    %add3A_18 = arith.constant 1024 : i32
    %add3A_19 = arith.addi %add3A, %add3A_18 : i32
    %jit3A_20 = arith.constant 0 : i32
    %select_n3A = arith.select %ne3A_13, %add3A_19, %jit3A_20 : i32
    %and3A_21 = arith.constant 512 : i32
    %and3A_22 = arith.andi %min3A, %and3A_21 : i32
    %ne3A_23 = arith.constant 0 : i32
    %ne3A_24 = arith.cmpi ne, %and3A_22, %ne3A_23 : i32
    %convert_element_type3A_25 = arith.extui %ne3A_24 : i1 to i32
    %cond3A_26 = arith.constant 0 : i32
    %cond3A_27 = arith.cmpi ne, %convert_element_type3A_25, %cond3A_26 : i32
    scf.if %cond3A_27 {
      %dma_start3A = tpu.memref_slice %arg5[%rem3A_6] : memref<4x!tpu.dma_semaphore, #tpu.memory_space<semaphore_mem>> -> memref<1x!tpu.dma_semaphore, #tpu.memory_space<semaphore_mem>>
      %dma_start3A_154 = tpu.memref_squeeze %dma_start3A : memref<1x!tpu.dma_semaphore, #tpu.memory_space<semaphore_mem>> -> memref<!tpu.dma_semaphore, #tpu.memory_space<semaphore_mem>>
      %dma_start3A_155 = arith.constant 0 : i32
      %dma_start3A_156 = tpu.memref_slice %arg2[%mul3A_7, %select_n3A, %dma_start3A_155] : memref<2048x2048x64xf32, #tpu.memory_space<hbm>> -> memref<16x512x64xf32, #tpu.memory_space<hbm>>
      %dma_start3A_157 = arith.constant 0 : i32
      %dma_start3A_158 = arith.constant 0 : i32
      %dma_start3A_159 = arith.constant 0 : i32
      %dma_start3A_160 = tpu.memref_slice %arg3[%dma_start3A_157, %dma_start3A_158, %dma_start3A_159] : memref<16x1024x64xf32, #tpu.memory_space<vmem>> -> memref<16x512x64xf32, #tpu.memory_space<vmem>>
      tpu.enqueue_dma source(%dma_start3A_160 : memref<16x512x64xf32, #tpu.memory_space<vmem>>) target(%dma_start3A_156 : memref<16x512x64xf32, #tpu.memory_space<hbm>>) target_semaphore(%dma_start3A_154 : memref<!tpu.dma_semaphore, #tpu.memory_space<semaphore_mem>>)
    } else {
    }
    %add3A_28 = arith.constant 512 : i32
    %add3A_29 = arith.addi %select_n3A, %add3A_28 : i32
    %select_n3A_30 = arith.select %ne3A_24, %add3A_29, %select_n3A : i32
    %and3A_31 = arith.constant 256 : i32
    %and3A_32 = arith.andi %min3A, %and3A_31 : i32
    %ne3A_33 = arith.constant 0 : i32
    %ne3A_34 = arith.cmpi ne, %and3A_32, %ne3A_33 : i32
    %convert_element_type3A_35 = arith.extui %ne3A_34 : i1 to i32
    %cond3A_36 = arith.constant 0 : i32
    %cond3A_37 = arith.cmpi ne, %convert_element_type3A_35, %cond3A_36 : i32
    scf.if %cond3A_37 {
      %dma_start3A = tpu.memref_slice %arg5[%rem3A_6] : memref<4x!tpu.dma_semaphore, #tpu.memory_space<semaphore_mem>> -> memref<1x!tpu.dma_semaphore, #tpu.memory_space<semaphore_mem>>
      %dma_start3A_154 = tpu.memref_squeeze %dma_start3A : memref<1x!tpu.dma_semaphore, #tpu.memory_space<semaphore_mem>> -> memref<!tpu.dma_semaphore, #tpu.memory_space<semaphore_mem>>
      %dma_start3A_155 = arith.constant 0 : i32
      %dma_start3A_156 = tpu.memref_slice %arg2[%mul3A_7, %select_n3A_30, %dma_start3A_155] : memref<2048x2048x64xf32, #tpu.memory_space<hbm>> -> memref<16x256x64xf32, #tpu.memory_space<hbm>>
      %dma_start3A_157 = arith.constant 0 : i32
      %dma_start3A_158 = arith.constant 0 : i32
      %dma_start3A_159 = arith.constant 0 : i32
      %dma_start3A_160 = tpu.memref_slice %arg3[%dma_start3A_157, %dma_start3A_158, %dma_start3A_159] : memref<16x1024x64xf32, #tpu.memory_space<vmem>> -> memref<16x256x64xf32, #tpu.memory_space<vmem>>
      tpu.enqueue_dma source(%dma_start3A_160 : memref<16x256x64xf32, #tpu.memory_space<vmem>>) target(%dma_start3A_156 : memref<16x256x64xf32, #tpu.memory_space<hbm>>) target_semaphore(%dma_start3A_154 : memref<!tpu.dma_semaphore, #tpu.memory_space<semaphore_mem>>)
    } else {
    }
    %add3A_38 = arith.constant 256 : i32
    %add3A_39 = arith.addi %select_n3A_30, %add3A_38 : i32
    %select_n3A_40 = arith.select %ne3A_34, %add3A_39, %select_n3A_30 : i32
    %and3A_41 = arith.constant 128 : i32
    %and3A_42 = arith.andi %min3A, %and3A_41 : i32
    %ne3A_43 = arith.constant 0 : i32
    %ne3A_44 = arith.cmpi ne, %and3A_42, %ne3A_43 : i32
    %convert_element_type3A_45 = arith.extui %ne3A_44 : i1 to i32
    %cond3A_46 = arith.constant 0 : i32
    %cond3A_47 = arith.cmpi ne, %convert_element_type3A_45, %cond3A_46 : i32
    scf.if %cond3A_47 {
      %dma_start3A = tpu.memref_slice %arg5[%rem3A_6] : memref<4x!tpu.dma_semaphore, #tpu.memory_space<semaphore_mem>> -> memref<1x!tpu.dma_semaphore, #tpu.memory_space<semaphore_mem>>
      %dma_start3A_154 = tpu.memref_squeeze %dma_start3A : memref<1x!tpu.dma_semaphore, #tpu.memory_space<semaphore_mem>> -> memref<!tpu.dma_semaphore, #tpu.memory_space<semaphore_mem>>
      %dma_start3A_155 = arith.constant 0 : i32
      %dma_start3A_156 = tpu.memref_slice %arg2[%mul3A_7, %select_n3A_40, %dma_start3A_155] : memref<2048x2048x64xf32, #tpu.memory_space<hbm>> -> memref<16x128x64xf32, #tpu.memory_space<hbm>>
      %dma_start3A_157 = arith.constant 0 : i32
      %dma_start3A_158 = arith.constant 0 : i32
      %dma_start3A_159 = arith.constant 0 : i32
      %dma_start3A_160 = tpu.memref_slice %arg3[%dma_start3A_157, %dma_start3A_158, %dma_start3A_159] : memref<16x1024x64xf32, #tpu.memory_space<vmem>> -> memref<16x128x64xf32, #tpu.memory_space<vmem>>
      tpu.enqueue_dma source(%dma_start3A_160 : memref<16x128x64xf32, #tpu.memory_space<vmem>>) target(%dma_start3A_156 : memref<16x128x64xf32, #tpu.memory_space<hbm>>) target_semaphore(%dma_start3A_154 : memref<!tpu.dma_semaphore, #tpu.memory_space<semaphore_mem>>)
    } else {
    }
    %add3A_48 = arith.constant 128 : i32
    %add3A_49 = arith.addi %select_n3A_40, %add3A_48 : i32
    %select_n3A_50 = arith.select %ne3A_44, %add3A_49, %select_n3A_40 : i32
    %and3A_51 = arith.constant 64 : i32
    %and3A_52 = arith.andi %min3A, %and3A_51 : i32
    %ne3A_53 = arith.constant 0 : i32
    %ne3A_54 = arith.cmpi ne, %and3A_52, %ne3A_53 : i32
    %convert_element_type3A_55 = arith.extui %ne3A_54 : i1 to i32
    %cond3A_56 = arith.constant 0 : i32
    %cond3A_57 = arith.cmpi ne, %convert_element_type3A_55, %cond3A_56 : i32
    scf.if %cond3A_57 {
      %dma_start3A = tpu.memref_slice %arg5[%rem3A_6] : memref<4x!tpu.dma_semaphore, #tpu.memory_space<semaphore_mem>> -> memref<1x!tpu.dma_semaphore, #tpu.memory_space<semaphore_mem>>
      %dma_start3A_154 = tpu.memref_squeeze %dma_start3A : memref<1x!tpu.dma_semaphore, #tpu.memory_space<semaphore_mem>> -> memref<!tpu.dma_semaphore, #tpu.memory_space<semaphore_mem>>
      %dma_start3A_155 = arith.constant 0 : i32
      %dma_start3A_156 = tpu.memref_slice %arg2[%mul3A_7, %select_n3A_50, %dma_start3A_155] : memref<2048x2048x64xf32, #tpu.memory_space<hbm>> -> memref<16x64x64xf32, #tpu.memory_space<hbm>>
      %dma_start3A_157 = arith.constant 0 : i32
      %dma_start3A_158 = arith.constant 0 : i32
      %dma_start3A_159 = arith.constant 0 : i32
      %dma_start3A_160 = tpu.memref_slice %arg3[%dma_start3A_157, %dma_start3A_158, %dma_start3A_159] : memref<16x1024x64xf32, #tpu.memory_space<vmem>> -> memref<16x64x64xf32, #tpu.memory_space<vmem>>
      tpu.enqueue_dma source(%dma_start3A_160 : memref<16x64x64xf32, #tpu.memory_space<vmem>>) target(%dma_start3A_156 : memref<16x64x64xf32, #tpu.memory_space<hbm>>) target_semaphore(%dma_start3A_154 : memref<!tpu.dma_semaphore, #tpu.memory_space<semaphore_mem>>)
    } else {
    }
    %add3A_58 = arith.constant 64 : i32
    %add3A_59 = arith.addi %select_n3A_50, %add3A_58 : i32
    %select_n3A_60 = arith.select %ne3A_54, %add3A_59, %select_n3A_50 : i32
    %and3A_61 = arith.constant 32 : i32
    %and3A_62 = arith.andi %min3A, %and3A_61 : i32
    %ne3A_63 = arith.constant 0 : i32
    %ne3A_64 = arith.cmpi ne, %and3A_62, %ne3A_63 : i32
    %convert_element_type3A_65 = arith.extui %ne3A_64 : i1 to i32
    %cond3A_66 = arith.constant 0 : i32
    %cond3A_67 = arith.cmpi ne, %convert_element_type3A_65, %cond3A_66 : i32
    scf.if %cond3A_67 {
      %dma_start3A = tpu.memref_slice %arg5[%rem3A_6] : memref<4x!tpu.dma_semaphore, #tpu.memory_space<semaphore_mem>> -> memref<1x!tpu.dma_semaphore, #tpu.memory_space<semaphore_mem>>
      %dma_start3A_154 = tpu.memref_squeeze %dma_start3A : memref<1x!tpu.dma_semaphore, #tpu.memory_space<semaphore_mem>> -> memref<!tpu.dma_semaphore, #tpu.memory_space<semaphore_mem>>
      %dma_start3A_155 = arith.constant 0 : i32
      %dma_start3A_156 = tpu.memref_slice %arg2[%mul3A_7, %select_n3A_60, %dma_start3A_155] : memref<2048x2048x64xf32, #tpu.memory_space<hbm>> -> memref<16x32x64xf32, #tpu.memory_space<hbm>>
      %dma_start3A_157 = arith.constant 0 : i32
      %dma_start3A_158 = arith.constant 0 : i32
      %dma_start3A_159 = arith.constant 0 : i32
      %dma_start3A_160 = tpu.memref_slice %arg3[%dma_start3A_157, %dma_start3A_158, %dma_start3A_159] : memref<16x1024x64xf32, #tpu.memory_space<vmem>> -> memref<16x32x64xf32, #tpu.memory_space<vmem>>
      tpu.enqueue_dma source(%dma_start3A_160 : memref<16x32x64xf32, #tpu.memory_space<vmem>>) target(%dma_start3A_156 : memref<16x32x64xf32, #tpu.memory_space<hbm>>) target_semaphore(%dma_start3A_154 : memref<!tpu.dma_semaphore, #tpu.memory_space<semaphore_mem>>)
    } else {
    }
    %add3A_68 = arith.constant 32 : i32
    %add3A_69 = arith.addi %select_n3A_60, %add3A_68 : i32
    %select_n3A_70 = arith.select %ne3A_64, %add3A_69, %select_n3A_60 : i32
    %and3A_71 = arith.constant 16 : i32
    %and3A_72 = arith.andi %min3A, %and3A_71 : i32
    %ne3A_73 = arith.constant 0 : i32
    %ne3A_74 = arith.cmpi ne, %and3A_72, %ne3A_73 : i32
    %convert_element_type3A_75 = arith.extui %ne3A_74 : i1 to i32
    %cond3A_76 = arith.constant 0 : i32
    %cond3A_77 = arith.cmpi ne, %convert_element_type3A_75, %cond3A_76 : i32
    scf.if %cond3A_77 {
      %dma_start3A = tpu.memref_slice %arg5[%rem3A_6] : memref<4x!tpu.dma_semaphore, #tpu.memory_space<semaphore_mem>> -> memref<1x!tpu.dma_semaphore, #tpu.memory_space<semaphore_mem>>
      %dma_start3A_154 = tpu.memref_squeeze %dma_start3A : memref<1x!tpu.dma_semaphore, #tpu.memory_space<semaphore_mem>> -> memref<!tpu.dma_semaphore, #tpu.memory_space<semaphore_mem>>
      %dma_start3A_155 = arith.constant 0 : i32
      %dma_start3A_156 = tpu.memref_slice %arg2[%mul3A_7, %select_n3A_70, %dma_start3A_155] : memref<2048x2048x64xf32, #tpu.memory_space<hbm>> -> memref<16x16x64xf32, #tpu.memory_space<hbm>>
      %dma_start3A_157 = arith.constant 0 : i32
      %dma_start3A_158 = arith.constant 0 : i32
      %dma_start3A_159 = arith.constant 0 : i32
      %dma_start3A_160 = tpu.memref_slice %arg3[%dma_start3A_157, %dma_start3A_158, %dma_start3A_159] : memref<16x1024x64xf32, #tpu.memory_space<vmem>> -> memref<16x16x64xf32, #tpu.memory_space<vmem>>
      tpu.enqueue_dma source(%dma_start3A_160 : memref<16x16x64xf32, #tpu.memory_space<vmem>>) target(%dma_start3A_156 : memref<16x16x64xf32, #tpu.memory_space<hbm>>) target_semaphore(%dma_start3A_154 : memref<!tpu.dma_semaphore, #tpu.memory_space<semaphore_mem>>)
    } else {
    }
    %add3A_78 = arith.constant 272 : i32
    %add3A_79 = arith.addi %min3A, %add3A_78 : i32
    %sub3A_80 = arith.constant 2048 : i32
    %sub3A_81 = arith.subi %sub3A_80, %add3A_79 : i32
    %and3A_82 = arith.constant 1024 : i32
    %and3A_83 = arith.andi %sub3A_81, %and3A_82 : i32
    %ne3A_84 = arith.constant 0 : i32
    %ne3A_85 = arith.cmpi ne, %and3A_83, %ne3A_84 : i32
    %convert_element_type3A_86 = arith.extui %ne3A_85 : i1 to i32
    %cond3A_87 = arith.constant 0 : i32
    %cond3A_88 = arith.cmpi ne, %convert_element_type3A_86, %cond3A_87 : i32
    scf.if %cond3A_88 {
      %dma_start3A = tpu.memref_slice %arg5[%rem3A_6] : memref<4x!tpu.dma_semaphore, #tpu.memory_space<semaphore_mem>> -> memref<1x!tpu.dma_semaphore, #tpu.memory_space<semaphore_mem>>
      %dma_start3A_154 = tpu.memref_squeeze %dma_start3A : memref<1x!tpu.dma_semaphore, #tpu.memory_space<semaphore_mem>> -> memref<!tpu.dma_semaphore, #tpu.memory_space<semaphore_mem>>
      %dma_start3A_155 = arith.constant 0 : i32
      %dma_start3A_156 = tpu.memref_slice %arg2[%mul3A_7, %add3A_79, %dma_start3A_155] : memref<2048x2048x64xf32, #tpu.memory_space<hbm>> -> memref<16x1024x64xf32, #tpu.memory_space<hbm>>
      %dma_start3A_157 = arith.constant 0 : i32
      %dma_start3A_158 = arith.constant 0 : i32
      %dma_start3A_159 = arith.constant 0 : i32
      %dma_start3A_160 = tpu.memref_slice %arg4[%dma_start3A_157, %dma_start3A_158, %dma_start3A_159] : memref<16x1024x64xf32, #tpu.memory_space<vmem>> -> memref<16x1024x64xf32, #tpu.memory_space<vmem>>
      tpu.enqueue_dma source(%dma_start3A_160 : memref<16x1024x64xf32, #tpu.memory_space<vmem>>) target(%dma_start3A_156 : memref<16x1024x64xf32, #tpu.memory_space<hbm>>) target_semaphore(%dma_start3A_154 : memref<!tpu.dma_semaphore, #tpu.memory_space<semaphore_mem>>)
    } else {
    }
    %add3A_89 = arith.constant 1024 : i32
    %add3A_90 = arith.addi %add3A_79, %add3A_89 : i32
    %select_n3A_91 = arith.select %ne3A_85, %add3A_90, %add3A_79 : i32
    %and3A_92 = arith.constant 512 : i32
    %and3A_93 = arith.andi %sub3A_81, %and3A_92 : i32
    %ne3A_94 = arith.constant 0 : i32
    %ne3A_95 = arith.cmpi ne, %and3A_93, %ne3A_94 : i32
    %convert_element_type3A_96 = arith.extui %ne3A_95 : i1 to i32
    %cond3A_97 = arith.constant 0 : i32
    %cond3A_98 = arith.cmpi ne, %convert_element_type3A_96, %cond3A_97 : i32
    scf.if %cond3A_98 {
      %dma_start3A = tpu.memref_slice %arg5[%rem3A_6] : memref<4x!tpu.dma_semaphore, #tpu.memory_space<semaphore_mem>> -> memref<1x!tpu.dma_semaphore, #tpu.memory_space<semaphore_mem>>
      %dma_start3A_154 = tpu.memref_squeeze %dma_start3A : memref<1x!tpu.dma_semaphore, #tpu.memory_space<semaphore_mem>> -> memref<!tpu.dma_semaphore, #tpu.memory_space<semaphore_mem>>
      %dma_start3A_155 = arith.constant 0 : i32
      %dma_start3A_156 = tpu.memref_slice %arg2[%mul3A_7, %select_n3A_91, %dma_start3A_155] : memref<2048x2048x64xf32, #tpu.memory_space<hbm>> -> memref<16x512x64xf32, #tpu.memory_space<hbm>>
      %dma_start3A_157 = arith.constant 0 : i32
      %dma_start3A_158 = arith.constant 0 : i32
      %dma_start3A_159 = arith.constant 0 : i32
      %dma_start3A_160 = tpu.memref_slice %arg4[%dma_start3A_157, %dma_start3A_158, %dma_start3A_159] : memref<16x1024x64xf32, #tpu.memory_space<vmem>> -> memref<16x512x64xf32, #tpu.memory_space<vmem>>
      tpu.enqueue_dma source(%dma_start3A_160 : memref<16x512x64xf32, #tpu.memory_space<vmem>>) target(%dma_start3A_156 : memref<16x512x64xf32, #tpu.memory_space<hbm>>) target_semaphore(%dma_start3A_154 : memref<!tpu.dma_semaphore, #tpu.memory_space<semaphore_mem>>)
    } else {
    }
    %add3A_99 = arith.constant 512 : i32
    %add3A_100 = arith.addi %select_n3A_91, %add3A_99 : i32
    %select_n3A_101 = arith.select %ne3A_95, %add3A_100, %select_n3A_91 : i32
    %and3A_102 = arith.constant 256 : i32
    %and3A_103 = arith.andi %sub3A_81, %and3A_102 : i32
    %ne3A_104 = arith.constant 0 : i32
    %ne3A_105 = arith.cmpi ne, %and3A_103, %ne3A_104 : i32
    %convert_element_type3A_106 = arith.extui %ne3A_105 : i1 to i32
    %cond3A_107 = arith.constant 0 : i32
    %cond3A_108 = arith.cmpi ne, %convert_element_type3A_106, %cond3A_107 : i32
    scf.if %cond3A_108 {
      %dma_start3A = tpu.memref_slice %arg5[%rem3A_6] : memref<4x!tpu.dma_semaphore, #tpu.memory_space<semaphore_mem>> -> memref<1x!tpu.dma_semaphore, #tpu.memory_space<semaphore_mem>>
      %dma_start3A_154 = tpu.memref_squeeze %dma_start3A : memref<1x!tpu.dma_semaphore, #tpu.memory_space<semaphore_mem>> -> memref<!tpu.dma_semaphore, #tpu.memory_space<semaphore_mem>>
      %dma_start3A_155 = arith.constant 0 : i32
      %dma_start3A_156 = tpu.memref_slice %arg2[%mul3A_7, %select_n3A_101, %dma_start3A_155] : memref<2048x2048x64xf32, #tpu.memory_space<hbm>> -> memref<16x256x64xf32, #tpu.memory_space<hbm>>
      %dma_start3A_157 = arith.constant 0 : i32
      %dma_start3A_158 = arith.constant 0 : i32
      %dma_start3A_159 = arith.constant 0 : i32
      %dma_start3A_160 = tpu.memref_slice %arg4[%dma_start3A_157, %dma_start3A_158, %dma_start3A_159] : memref<16x1024x64xf32, #tpu.memory_space<vmem>> -> memref<16x256x64xf32, #tpu.memory_space<vmem>>
      tpu.enqueue_dma source(%dma_start3A_160 : memref<16x256x64xf32, #tpu.memory_space<vmem>>) target(%dma_start3A_156 : memref<16x256x64xf32, #tpu.memory_space<hbm>>) target_semaphore(%dma_start3A_154 : memref<!tpu.dma_semaphore, #tpu.memory_space<semaphore_mem>>)
    } else {
    }
    %add3A_109 = arith.constant 256 : i32
    %add3A_110 = arith.addi %select_n3A_101, %add3A_109 : i32
    %select_n3A_111 = arith.select %ne3A_105, %add3A_110, %select_n3A_101 : i32
    %and3A_112 = arith.constant 128 : i32
    %and3A_113 = arith.andi %sub3A_81, %and3A_112 : i32
    %ne3A_114 = arith.constant 0 : i32
    %ne3A_115 = arith.cmpi ne, %and3A_113, %ne3A_114 : i32
    %convert_element_type3A_116 = arith.extui %ne3A_115 : i1 to i32
    %cond3A_117 = arith.constant 0 : i32
    %cond3A_118 = arith.cmpi ne, %convert_element_type3A_116, %cond3A_117 : i32
    scf.if %cond3A_118 {
      %dma_start3A = tpu.memref_slice %arg5[%rem3A_6] : memref<4x!tpu.dma_semaphore, #tpu.memory_space<semaphore_mem>> -> memref<1x!tpu.dma_semaphore, #tpu.memory_space<semaphore_mem>>
      %dma_start3A_154 = tpu.memref_squeeze %dma_start3A : memref<1x!tpu.dma_semaphore, #tpu.memory_space<semaphore_mem>> -> memref<!tpu.dma_semaphore, #tpu.memory_space<semaphore_mem>>
      %dma_start3A_155 = arith.constant 0 : i32
      %dma_start3A_156 = tpu.memref_slice %arg2[%mul3A_7, %select_n3A_111, %dma_start3A_155] : memref<2048x2048x64xf32, #tpu.memory_space<hbm>> -> memref<16x128x64xf32, #tpu.memory_space<hbm>>
      %dma_start3A_157 = arith.constant 0 : i32
      %dma_start3A_158 = arith.constant 0 : i32
      %dma_start3A_159 = arith.constant 0 : i32
      %dma_start3A_160 = tpu.memref_slice %arg4[%dma_start3A_157, %dma_start3A_158, %dma_start3A_159] : memref<16x1024x64xf32, #tpu.memory_space<vmem>> -> memref<16x128x64xf32, #tpu.memory_space<vmem>>
      tpu.enqueue_dma source(%dma_start3A_160 : memref<16x128x64xf32, #tpu.memory_space<vmem>>) target(%dma_start3A_156 : memref<16x128x64xf32, #tpu.memory_space<hbm>>) target_semaphore(%dma_start3A_154 : memref<!tpu.dma_semaphore, #tpu.memory_space<semaphore_mem>>)
    } else {
    }
    %add3A_119 = arith.constant 128 : i32
    %add3A_120 = arith.addi %select_n3A_111, %add3A_119 : i32
    %select_n3A_121 = arith.select %ne3A_115, %add3A_120, %select_n3A_111 : i32
    %and3A_122 = arith.constant 64 : i32
    %and3A_123 = arith.andi %sub3A_81, %and3A_122 : i32
    %ne3A_124 = arith.constant 0 : i32
    %ne3A_125 = arith.cmpi ne, %and3A_123, %ne3A_124 : i32
    %convert_element_type3A_126 = arith.extui %ne3A_125 : i1 to i32
    %cond3A_127 = arith.constant 0 : i32
    %cond3A_128 = arith.cmpi ne, %convert_element_type3A_126, %cond3A_127 : i32
    scf.if %cond3A_128 {
      %dma_start3A = tpu.memref_slice %arg5[%rem3A_6] : memref<4x!tpu.dma_semaphore, #tpu.memory_space<semaphore_mem>> -> memref<1x!tpu.dma_semaphore, #tpu.memory_space<semaphore_mem>>
      %dma_start3A_154 = tpu.memref_squeeze %dma_start3A : memref<1x!tpu.dma_semaphore, #tpu.memory_space<semaphore_mem>> -> memref<!tpu.dma_semaphore, #tpu.memory_space<semaphore_mem>>
      %dma_start3A_155 = arith.constant 0 : i32
      %dma_start3A_156 = tpu.memref_slice %arg2[%mul3A_7, %select_n3A_121, %dma_start3A_155] : memref<2048x2048x64xf32, #tpu.memory_space<hbm>> -> memref<16x64x64xf32, #tpu.memory_space<hbm>>
      %dma_start3A_157 = arith.constant 0 : i32
      %dma_start3A_158 = arith.constant 0 : i32
      %dma_start3A_159 = arith.constant 0 : i32
      %dma_start3A_160 = tpu.memref_slice %arg4[%dma_start3A_157, %dma_start3A_158, %dma_start3A_159] : memref<16x1024x64xf32, #tpu.memory_space<vmem>> -> memref<16x64x64xf32, #tpu.memory_space<vmem>>
      tpu.enqueue_dma source(%dma_start3A_160 : memref<16x64x64xf32, #tpu.memory_space<vmem>>) target(%dma_start3A_156 : memref<16x64x64xf32, #tpu.memory_space<hbm>>) target_semaphore(%dma_start3A_154 : memref<!tpu.dma_semaphore, #tpu.memory_space<semaphore_mem>>)
    } else {
    }
    %add3A_129 = arith.constant 64 : i32
    %add3A_130 = arith.addi %select_n3A_121, %add3A_129 : i32
    %select_n3A_131 = arith.select %ne3A_125, %add3A_130, %select_n3A_121 : i32
    %and3A_132 = arith.constant 32 : i32
    %and3A_133 = arith.andi %sub3A_81, %and3A_132 : i32
    %ne3A_134 = arith.constant 0 : i32
    %ne3A_135 = arith.cmpi ne, %and3A_133, %ne3A_134 : i32
    %convert_element_type3A_136 = arith.extui %ne3A_135 : i1 to i32
    %cond3A_137 = arith.constant 0 : i32
    %cond3A_138 = arith.cmpi ne, %convert_element_type3A_136, %cond3A_137 : i32
    scf.if %cond3A_138 {
      %dma_start3A = tpu.memref_slice %arg5[%rem3A_6] : memref<4x!tpu.dma_semaphore, #tpu.memory_space<semaphore_mem>> -> memref<1x!tpu.dma_semaphore, #tpu.memory_space<semaphore_mem>>
      %dma_start3A_154 = tpu.memref_squeeze %dma_start3A : memref<1x!tpu.dma_semaphore, #tpu.memory_space<semaphore_mem>> -> memref<!tpu.dma_semaphore, #tpu.memory_space<semaphore_mem>>
      %dma_start3A_155 = arith.constant 0 : i32
      %dma_start3A_156 = tpu.memref_slice %arg2[%mul3A_7, %select_n3A_131, %dma_start3A_155] : memref<2048x2048x64xf32, #tpu.memory_space<hbm>> -> memref<16x32x64xf32, #tpu.memory_space<hbm>>
      %dma_start3A_157 = arith.constant 0 : i32
      %dma_start3A_158 = arith.constant 0 : i32
      %dma_start3A_159 = arith.constant 0 : i32
      %dma_start3A_160 = tpu.memref_slice %arg4[%dma_start3A_157, %dma_start3A_158, %dma_start3A_159] : memref<16x1024x64xf32, #tpu.memory_space<vmem>> -> memref<16x32x64xf32, #tpu.memory_space<vmem>>
      tpu.enqueue_dma source(%dma_start3A_160 : memref<16x32x64xf32, #tpu.memory_space<vmem>>) target(%dma_start3A_156 : memref<16x32x64xf32, #tpu.memory_space<hbm>>) target_semaphore(%dma_start3A_154 : memref<!tpu.dma_semaphore, #tpu.memory_space<semaphore_mem>>)
    } else {
    }
    %add3A_139 = arith.constant 32 : i32
    %add3A_140 = arith.addi %select_n3A_131, %add3A_139 : i32
    %select_n3A_141 = arith.select %ne3A_135, %add3A_140, %select_n3A_131 : i32
    %and3A_142 = arith.constant 16 : i32
    %and3A_143 = arith.andi %sub3A_81, %and3A_142 : i32
    %ne3A_144 = arith.constant 0 : i32
    %ne3A_145 = arith.cmpi ne, %and3A_143, %ne3A_144 : i32
    %convert_element_type3A_146 = arith.extui %ne3A_145 : i1 to i32
    %cond3A_147 = arith.constant 0 : i32
    %cond3A_148 = arith.cmpi ne, %convert_element_type3A_146, %cond3A_147 : i32
    scf.if %cond3A_148 {
      %dma_start3A = tpu.memref_slice %arg5[%rem3A_6] : memref<4x!tpu.dma_semaphore, #tpu.memory_space<semaphore_mem>> -> memref<1x!tpu.dma_semaphore, #tpu.memory_space<semaphore_mem>>
      %dma_start3A_154 = tpu.memref_squeeze %dma_start3A : memref<1x!tpu.dma_semaphore, #tpu.memory_space<semaphore_mem>> -> memref<!tpu.dma_semaphore, #tpu.memory_space<semaphore_mem>>
      %dma_start3A_155 = arith.constant 0 : i32
      %dma_start3A_156 = tpu.memref_slice %arg2[%mul3A_7, %select_n3A_141, %dma_start3A_155] : memref<2048x2048x64xf32, #tpu.memory_space<hbm>> -> memref<16x16x64xf32, #tpu.memory_space<hbm>>
      %dma_start3A_157 = arith.constant 0 : i32
      %dma_start3A_158 = arith.constant 0 : i32
      %dma_start3A_159 = arith.constant 0 : i32
      %dma_start3A_160 = tpu.memref_slice %arg4[%dma_start3A_157, %dma_start3A_158, %dma_start3A_159] : memref<16x1024x64xf32, #tpu.memory_space<vmem>> -> memref<16x16x64xf32, #tpu.memory_space<vmem>>
      tpu.enqueue_dma source(%dma_start3A_160 : memref<16x16x64xf32, #tpu.memory_space<vmem>>) target(%dma_start3A_156 : memref<16x16x64xf32, #tpu.memory_space<hbm>>) target_semaphore(%dma_start3A_154 : memref<!tpu.dma_semaphore, #tpu.memory_space<semaphore_mem>>)
    } else {
    }
    %eq3A_149 = arith.constant 127 : i32
    %eq3A_150 = arith.cmpi eq, %arg0, %eq3A_149 : i32
    %convert_element_type3A_151 = arith.extui %eq3A_150 : i1 to i32
    %cond3A_152 = arith.constant 0 : i32
    %cond3A_153 = arith.cmpi ne, %convert_element_type3A_151, %cond3A_152 : i32
    scf.if %cond3A_153 {
      %sub3A_154 = arith.constant 3 : i32
      %sub3A_155 = arith.subi %arg0, %sub3A_154 : i32
      %sub3A_156 = arith.constant 3 : i32
      %sub3A_157 = arith.subi %arg0, %sub3A_156 : i32
      %rem3A_158 = arith.constant 4 : i32
      %rem3A_159 = arith.remsi %sub3A_157, %rem3A_158 : i32
      %mul3A_160 = arith.constant 16 : i32
      %mul3A_161 = arith.muli %mul3A_160, %sub3A_155 : i32
      %mul3A_162 = arith.constant 16 : i32
      %mul3A_163 = arith.muli %mul3A_162, %sub3A_155 : i32
      %sub3A_164 = arith.constant 128 : i32
      %sub3A_165 = arith.subi %mul3A_163, %sub3A_164 : i32
      %jit3A_166 = arith.constant 0 : i32
      %jit3A_167 = arith.constant 1776 : i32
      %max3A_168 = arith.maxsi %jit3A_166, %sub3A_165 : i32
      %min3A_169 = arith.minsi %jit3A_167, %max3A_168 : i32
      %and3A_170 = arith.constant 1024 : i32
      %and3A_171 = arith.andi %min3A_169, %and3A_170 : i32
      %ne3A_172 = arith.constant 0 : i32
      %ne3A_173 = arith.cmpi ne, %and3A_171, %ne3A_172 : i32
      %convert_element_type3A_174 = arith.extui %ne3A_173 : i1 to i32
      %cond3A_175 = arith.constant 0 : i32
      %cond3A_176 = arith.constant 0 : i32
      %cond3A_177 = arith.cmpi ne, %convert_element_type3A_174, %cond3A_176 : i32
      scf.if %cond3A_177 {
        %dma_wait3A = tpu.memref_slice %arg5[%rem3A_159] : memref<4x!tpu.dma_semaphore, #tpu.memory_space<semaphore_mem>> -> memref<1x!tpu.dma_semaphore, #tpu.memory_space<semaphore_mem>>
        %dma_wait3A_782 = tpu.memref_squeeze %dma_wait3A : memref<1x!tpu.dma_semaphore, #tpu.memory_space<semaphore_mem>> -> memref<!tpu.dma_semaphore, #tpu.memory_space<semaphore_mem>>
        %dma_wait3A_783 = arith.constant 0 : i32
        %dma_wait3A_784 = tpu.memref_slice %arg2[%mul3A_161, %cond3A_175, %dma_wait3A_783] : memref<2048x2048x64xf32, #tpu.memory_space<hbm>> -> memref<16x1024x64xf32, #tpu.memory_space<hbm>>
        %dma_wait3A_785 = arith.constant 0 : i32
        %dma_wait3A_786 = arith.constant 0 : i32
        %dma_wait3A_787 = arith.constant 0 : i32
        %dma_wait3A_788 = tpu.memref_slice %arg3[%dma_wait3A_785, %dma_wait3A_786, %dma_wait3A_787] : memref<16x1024x64xf32, #tpu.memory_space<vmem>> -> memref<16x1024x64xf32, #tpu.memory_space<vmem>>
        tpu.wait_dma2 semaphore(%dma_wait3A_782 : memref<!tpu.dma_semaphore, #tpu.memory_space<semaphore_mem>>) src(%dma_wait3A_788 : memref<16x1024x64xf32, #tpu.memory_space<vmem>>) dst(%dma_wait3A_784 : memref<16x1024x64xf32, #tpu.memory_space<hbm>>)
      } else {
      }
      %add3A_178 = arith.constant 0 : i32
      %add3A_179 = arith.constant 1024 : i32
      %add3A_180 = arith.addi %add3A_178, %add3A_179 : i32
      %jit3A_181 = arith.constant 0 : i32
      %select_n3A_182 = arith.select %ne3A_173, %add3A_180, %jit3A_181 : i32
      %and3A_183 = arith.constant 512 : i32
      %and3A_184 = arith.andi %min3A_169, %and3A_183 : i32
      %ne3A_185 = arith.constant 0 : i32
      %ne3A_186 = arith.cmpi ne, %and3A_184, %ne3A_185 : i32
      %convert_element_type3A_187 = arith.extui %ne3A_186 : i1 to i32
      %cond3A_188 = arith.constant 0 : i32
      %cond3A_189 = arith.cmpi ne, %convert_element_type3A_187, %cond3A_188 : i32
      scf.if %cond3A_189 {
        %dma_wait3A = tpu.memref_slice %arg5[%rem3A_159] : memref<4x!tpu.dma_semaphore, #tpu.memory_space<semaphore_mem>> -> memref<1x!tpu.dma_semaphore, #tpu.memory_space<semaphore_mem>>
        %dma_wait3A_782 = tpu.memref_squeeze %dma_wait3A : memref<1x!tpu.dma_semaphore, #tpu.memory_space<semaphore_mem>> -> memref<!tpu.dma_semaphore, #tpu.memory_space<semaphore_mem>>
        %dma_wait3A_783 = arith.constant 0 : i32
        %dma_wait3A_784 = tpu.memref_slice %arg2[%mul3A_161, %select_n3A_182, %dma_wait3A_783] : memref<2048x2048x64xf32, #tpu.memory_space<hbm>> -> memref<16x512x64xf32, #tpu.memory_space<hbm>>
        %dma_wait3A_785 = arith.constant 0 : i32
        %dma_wait3A_786 = arith.constant 0 : i32
        %dma_wait3A_787 = arith.constant 0 : i32
        %dma_wait3A_788 = tpu.memref_slice %arg3[%dma_wait3A_785, %dma_wait3A_786, %dma_wait3A_787] : memref<16x1024x64xf32, #tpu.memory_space<vmem>> -> memref<16x512x64xf32, #tpu.memory_space<vmem>>
        tpu.wait_dma2 semaphore(%dma_wait3A_782 : memref<!tpu.dma_semaphore, #tpu.memory_space<semaphore_mem>>) src(%dma_wait3A_788 : memref<16x512x64xf32, #tpu.memory_space<vmem>>) dst(%dma_wait3A_784 : memref<16x512x64xf32, #tpu.memory_space<hbm>>)
      } else {
      }
      %add3A_190 = arith.constant 512 : i32
      %add3A_191 = arith.addi %select_n3A_182, %add3A_190 : i32
      %select_n3A_192 = arith.select %ne3A_186, %add3A_191, %select_n3A_182 : i32
      %and3A_193 = arith.constant 256 : i32
      %and3A_194 = arith.andi %min3A_169, %and3A_193 : i32
      %ne3A_195 = arith.constant 0 : i32
      %ne3A_196 = arith.cmpi ne, %and3A_194, %ne3A_195 : i32
      %convert_element_type3A_197 = arith.extui %ne3A_196 : i1 to i32
      %cond3A_198 = arith.constant 0 : i32
      %cond3A_199 = arith.cmpi ne, %convert_element_type3A_197, %cond3A_198 : i32
      scf.if %cond3A_199 {
        %dma_wait3A = tpu.memref_slice %arg5[%rem3A_159] : memref<4x!tpu.dma_semaphore, #tpu.memory_space<semaphore_mem>> -> memref<1x!tpu.dma_semaphore, #tpu.memory_space<semaphore_mem>>
        %dma_wait3A_782 = tpu.memref_squeeze %dma_wait3A : memref<1x!tpu.dma_semaphore, #tpu.memory_space<semaphore_mem>> -> memref<!tpu.dma_semaphore, #tpu.memory_space<semaphore_mem>>
        %dma_wait3A_783 = arith.constant 0 : i32
        %dma_wait3A_784 = tpu.memref_slice %arg2[%mul3A_161, %select_n3A_192, %dma_wait3A_783] : memref<2048x2048x64xf32, #tpu.memory_space<hbm>> -> memref<16x256x64xf32, #tpu.memory_space<hbm>>
        %dma_wait3A_785 = arith.constant 0 : i32
        %dma_wait3A_786 = arith.constant 0 : i32
        %dma_wait3A_787 = arith.constant 0 : i32
        %dma_wait3A_788 = tpu.memref_slice %arg3[%dma_wait3A_785, %dma_wait3A_786, %dma_wait3A_787] : memref<16x1024x64xf32, #tpu.memory_space<vmem>> -> memref<16x256x64xf32, #tpu.memory_space<vmem>>
        tpu.wait_dma2 semaphore(%dma_wait3A_782 : memref<!tpu.dma_semaphore, #tpu.memory_space<semaphore_mem>>) src(%dma_wait3A_788 : memref<16x256x64xf32, #tpu.memory_space<vmem>>) dst(%dma_wait3A_784 : memref<16x256x64xf32, #tpu.memory_space<hbm>>)
      } else {
      }
      %add3A_200 = arith.constant 256 : i32
      %add3A_201 = arith.addi %select_n3A_192, %add3A_200 : i32
      %select_n3A_202 = arith.select %ne3A_196, %add3A_201, %select_n3A_192 : i32
      %and3A_203 = arith.constant 128 : i32
      %and3A_204 = arith.andi %min3A_169, %and3A_203 : i32
      %ne3A_205 = arith.constant 0 : i32
      %ne3A_206 = arith.cmpi ne, %and3A_204, %ne3A_205 : i32
      %convert_element_type3A_207 = arith.extui %ne3A_206 : i1 to i32
      %cond3A_208 = arith.constant 0 : i32
      %cond3A_209 = arith.cmpi ne, %convert_element_type3A_207, %cond3A_208 : i32
      scf.if %cond3A_209 {
        %dma_wait3A = tpu.memref_slice %arg5[%rem3A_159] : memref<4x!tpu.dma_semaphore, #tpu.memory_space<semaphore_mem>> -> memref<1x!tpu.dma_semaphore, #tpu.memory_space<semaphore_mem>>
        %dma_wait3A_782 = tpu.memref_squeeze %dma_wait3A : memref<1x!tpu.dma_semaphore, #tpu.memory_space<semaphore_mem>> -> memref<!tpu.dma_semaphore, #tpu.memory_space<semaphore_mem>>
        %dma_wait3A_783 = arith.constant 0 : i32
        %dma_wait3A_784 = tpu.memref_slice %arg2[%mul3A_161, %select_n3A_202, %dma_wait3A_783] : memref<2048x2048x64xf32, #tpu.memory_space<hbm>> -> memref<16x128x64xf32, #tpu.memory_space<hbm>>
        %dma_wait3A_785 = arith.constant 0 : i32
        %dma_wait3A_786 = arith.constant 0 : i32
        %dma_wait3A_787 = arith.constant 0 : i32
        %dma_wait3A_788 = tpu.memref_slice %arg3[%dma_wait3A_785, %dma_wait3A_786, %dma_wait3A_787] : memref<16x1024x64xf32, #tpu.memory_space<vmem>> -> memref<16x128x64xf32, #tpu.memory_space<vmem>>
        tpu.wait_dma2 semaphore(%dma_wait3A_782 : memref<!tpu.dma_semaphore, #tpu.memory_space<semaphore_mem>>) src(%dma_wait3A_788 : memref<16x128x64xf32, #tpu.memory_space<vmem>>) dst(%dma_wait3A_784 : memref<16x128x64xf32, #tpu.memory_space<hbm>>)
      } else {
      }
      %add3A_210 = arith.constant 128 : i32
      %add3A_211 = arith.addi %select_n3A_202, %add3A_210 : i32
      %select_n3A_212 = arith.select %ne3A_206, %add3A_211, %select_n3A_202 : i32
      %and3A_213 = arith.constant 64 : i32
      %and3A_214 = arith.andi %min3A_169, %and3A_213 : i32
      %ne3A_215 = arith.constant 0 : i32
      %ne3A_216 = arith.cmpi ne, %and3A_214, %ne3A_215 : i32
      %convert_element_type3A_217 = arith.extui %ne3A_216 : i1 to i32
      %cond3A_218 = arith.constant 0 : i32
      %cond3A_219 = arith.cmpi ne, %convert_element_type3A_217, %cond3A_218 : i32
      scf.if %cond3A_219 {
        %dma_wait3A = tpu.memref_slice %arg5[%rem3A_159] : memref<4x!tpu.dma_semaphore, #tpu.memory_space<semaphore_mem>> -> memref<1x!tpu.dma_semaphore, #tpu.memory_space<semaphore_mem>>
        %dma_wait3A_782 = tpu.memref_squeeze %dma_wait3A : memref<1x!tpu.dma_semaphore, #tpu.memory_space<semaphore_mem>> -> memref<!tpu.dma_semaphore, #tpu.memory_space<semaphore_mem>>
        %dma_wait3A_783 = arith.constant 0 : i32
        %dma_wait3A_784 = tpu.memref_slice %arg2[%mul3A_161, %select_n3A_212, %dma_wait3A_783] : memref<2048x2048x64xf32, #tpu.memory_space<hbm>> -> memref<16x64x64xf32, #tpu.memory_space<hbm>>
        %dma_wait3A_785 = arith.constant 0 : i32
        %dma_wait3A_786 = arith.constant 0 : i32
        %dma_wait3A_787 = arith.constant 0 : i32
        %dma_wait3A_788 = tpu.memref_slice %arg3[%dma_wait3A_785, %dma_wait3A_786, %dma_wait3A_787] : memref<16x1024x64xf32, #tpu.memory_space<vmem>> -> memref<16x64x64xf32, #tpu.memory_space<vmem>>
        tpu.wait_dma2 semaphore(%dma_wait3A_782 : memref<!tpu.dma_semaphore, #tpu.memory_space<semaphore_mem>>) src(%dma_wait3A_788 : memref<16x64x64xf32, #tpu.memory_space<vmem>>) dst(%dma_wait3A_784 : memref<16x64x64xf32, #tpu.memory_space<hbm>>)
      } else {
      }
      %add3A_220 = arith.constant 64 : i32
      %add3A_221 = arith.addi %select_n3A_212, %add3A_220 : i32
      %select_n3A_222 = arith.select %ne3A_216, %add3A_221, %select_n3A_212 : i32
      %and3A_223 = arith.constant 32 : i32
      %and3A_224 = arith.andi %min3A_169, %and3A_223 : i32
      %ne3A_225 = arith.constant 0 : i32
      %ne3A_226 = arith.cmpi ne, %and3A_224, %ne3A_225 : i32
      %convert_element_type3A_227 = arith.extui %ne3A_226 : i1 to i32
      %cond3A_228 = arith.constant 0 : i32
      %cond3A_229 = arith.cmpi ne, %convert_element_type3A_227, %cond3A_228 : i32
      scf.if %cond3A_229 {
        %dma_wait3A = tpu.memref_slice %arg5[%rem3A_159] : memref<4x!tpu.dma_semaphore, #tpu.memory_space<semaphore_mem>> -> memref<1x!tpu.dma_semaphore, #tpu.memory_space<semaphore_mem>>
        %dma_wait3A_782 = tpu.memref_squeeze %dma_wait3A : memref<1x!tpu.dma_semaphore, #tpu.memory_space<semaphore_mem>> -> memref<!tpu.dma_semaphore, #tpu.memory_space<semaphore_mem>>
        %dma_wait3A_783 = arith.constant 0 : i32
        %dma_wait3A_784 = tpu.memref_slice %arg2[%mul3A_161, %select_n3A_222, %dma_wait3A_783] : memref<2048x2048x64xf32, #tpu.memory_space<hbm>> -> memref<16x32x64xf32, #tpu.memory_space<hbm>>
        %dma_wait3A_785 = arith.constant 0 : i32
        %dma_wait3A_786 = arith.constant 0 : i32
        %dma_wait3A_787 = arith.constant 0 : i32
        %dma_wait3A_788 = tpu.memref_slice %arg3[%dma_wait3A_785, %dma_wait3A_786, %dma_wait3A_787] : memref<16x1024x64xf32, #tpu.memory_space<vmem>> -> memref<16x32x64xf32, #tpu.memory_space<vmem>>
        tpu.wait_dma2 semaphore(%dma_wait3A_782 : memref<!tpu.dma_semaphore, #tpu.memory_space<semaphore_mem>>) src(%dma_wait3A_788 : memref<16x32x64xf32, #tpu.memory_space<vmem>>) dst(%dma_wait3A_784 : memref<16x32x64xf32, #tpu.memory_space<hbm>>)
      } else {
      }
      %add3A_230 = arith.constant 32 : i32
      %add3A_231 = arith.addi %select_n3A_222, %add3A_230 : i32
      %select_n3A_232 = arith.select %ne3A_226, %add3A_231, %select_n3A_222 : i32
      %and3A_233 = arith.constant 16 : i32
      %and3A_234 = arith.andi %min3A_169, %and3A_233 : i32
      %ne3A_235 = arith.constant 0 : i32
      %ne3A_236 = arith.cmpi ne, %and3A_234, %ne3A_235 : i32
      %convert_element_type3A_237 = arith.extui %ne3A_236 : i1 to i32
      %cond3A_238 = arith.constant 0 : i32
      %cond3A_239 = arith.cmpi ne, %convert_element_type3A_237, %cond3A_238 : i32
      scf.if %cond3A_239 {
        %dma_wait3A = tpu.memref_slice %arg5[%rem3A_159] : memref<4x!tpu.dma_semaphore, #tpu.memory_space<semaphore_mem>> -> memref<1x!tpu.dma_semaphore, #tpu.memory_space<semaphore_mem>>
        %dma_wait3A_782 = tpu.memref_squeeze %dma_wait3A : memref<1x!tpu.dma_semaphore, #tpu.memory_space<semaphore_mem>> -> memref<!tpu.dma_semaphore, #tpu.memory_space<semaphore_mem>>
        %dma_wait3A_783 = arith.constant 0 : i32
        %dma_wait3A_784 = tpu.memref_slice %arg2[%mul3A_161, %select_n3A_232, %dma_wait3A_783] : memref<2048x2048x64xf32, #tpu.memory_space<hbm>> -> memref<16x16x64xf32, #tpu.memory_space<hbm>>
        %dma_wait3A_785 = arith.constant 0 : i32
        %dma_wait3A_786 = arith.constant 0 : i32
        %dma_wait3A_787 = arith.constant 0 : i32
        %dma_wait3A_788 = tpu.memref_slice %arg3[%dma_wait3A_785, %dma_wait3A_786, %dma_wait3A_787] : memref<16x1024x64xf32, #tpu.memory_space<vmem>> -> memref<16x16x64xf32, #tpu.memory_space<vmem>>
        tpu.wait_dma2 semaphore(%dma_wait3A_782 : memref<!tpu.dma_semaphore, #tpu.memory_space<semaphore_mem>>) src(%dma_wait3A_788 : memref<16x16x64xf32, #tpu.memory_space<vmem>>) dst(%dma_wait3A_784 : memref<16x16x64xf32, #tpu.memory_space<hbm>>)
      } else {
      }
      %add3A_240 = arith.constant 272 : i32
      %add3A_241 = arith.addi %min3A_169, %add3A_240 : i32
      %sub3A_242 = arith.constant 2048 : i32
      %sub3A_243 = arith.subi %sub3A_242, %add3A_241 : i32
      %and3A_244 = arith.constant 1024 : i32
      %and3A_245 = arith.andi %sub3A_243, %and3A_244 : i32
      %ne3A_246 = arith.constant 0 : i32
      %ne3A_247 = arith.cmpi ne, %and3A_245, %ne3A_246 : i32
      %convert_element_type3A_248 = arith.extui %ne3A_247 : i1 to i32
      %cond3A_249 = arith.constant 0 : i32
      %cond3A_250 = arith.cmpi ne, %convert_element_type3A_248, %cond3A_249 : i32
      scf.if %cond3A_250 {
        %dma_wait3A = tpu.memref_slice %arg5[%rem3A_159] : memref<4x!tpu.dma_semaphore, #tpu.memory_space<semaphore_mem>> -> memref<1x!tpu.dma_semaphore, #tpu.memory_space<semaphore_mem>>
        %dma_wait3A_782 = tpu.memref_squeeze %dma_wait3A : memref<1x!tpu.dma_semaphore, #tpu.memory_space<semaphore_mem>> -> memref<!tpu.dma_semaphore, #tpu.memory_space<semaphore_mem>>
        %dma_wait3A_783 = arith.constant 0 : i32
        %dma_wait3A_784 = tpu.memref_slice %arg2[%mul3A_161, %add3A_241, %dma_wait3A_783] : memref<2048x2048x64xf32, #tpu.memory_space<hbm>> -> memref<16x1024x64xf32, #tpu.memory_space<hbm>>
        %dma_wait3A_785 = arith.constant 0 : i32
        %dma_wait3A_786 = arith.constant 0 : i32
        %dma_wait3A_787 = arith.constant 0 : i32
        %dma_wait3A_788 = tpu.memref_slice %arg4[%dma_wait3A_785, %dma_wait3A_786, %dma_wait3A_787] : memref<16x1024x64xf32, #tpu.memory_space<vmem>> -> memref<16x1024x64xf32, #tpu.memory_space<vmem>>
        tpu.wait_dma2 semaphore(%dma_wait3A_782 : memref<!tpu.dma_semaphore, #tpu.memory_space<semaphore_mem>>) src(%dma_wait3A_788 : memref<16x1024x64xf32, #tpu.memory_space<vmem>>) dst(%dma_wait3A_784 : memref<16x1024x64xf32, #tpu.memory_space<hbm>>)
      } else {
      }
      %add3A_251 = arith.constant 1024 : i32
      %add3A_252 = arith.addi %add3A_241, %add3A_251 : i32
      %select_n3A_253 = arith.select %ne3A_247, %add3A_252, %add3A_241 : i32
      %and3A_254 = arith.constant 512 : i32
      %and3A_255 = arith.andi %sub3A_243, %and3A_254 : i32
      %ne3A_256 = arith.constant 0 : i32
      %ne3A_257 = arith.cmpi ne, %and3A_255, %ne3A_256 : i32
      %convert_element_type3A_258 = arith.extui %ne3A_257 : i1 to i32
      %cond3A_259 = arith.constant 0 : i32
      %cond3A_260 = arith.cmpi ne, %convert_element_type3A_258, %cond3A_259 : i32
      scf.if %cond3A_260 {
        %dma_wait3A = tpu.memref_slice %arg5[%rem3A_159] : memref<4x!tpu.dma_semaphore, #tpu.memory_space<semaphore_mem>> -> memref<1x!tpu.dma_semaphore, #tpu.memory_space<semaphore_mem>>
        %dma_wait3A_782 = tpu.memref_squeeze %dma_wait3A : memref<1x!tpu.dma_semaphore, #tpu.memory_space<semaphore_mem>> -> memref<!tpu.dma_semaphore, #tpu.memory_space<semaphore_mem>>
        %dma_wait3A_783 = arith.constant 0 : i32
        %dma_wait3A_784 = tpu.memref_slice %arg2[%mul3A_161, %select_n3A_253, %dma_wait3A_783] : memref<2048x2048x64xf32, #tpu.memory_space<hbm>> -> memref<16x512x64xf32, #tpu.memory_space<hbm>>
        %dma_wait3A_785 = arith.constant 0 : i32
        %dma_wait3A_786 = arith.constant 0 : i32
        %dma_wait3A_787 = arith.constant 0 : i32
        %dma_wait3A_788 = tpu.memref_slice %arg4[%dma_wait3A_785, %dma_wait3A_786, %dma_wait3A_787] : memref<16x1024x64xf32, #tpu.memory_space<vmem>> -> memref<16x512x64xf32, #tpu.memory_space<vmem>>
        tpu.wait_dma2 semaphore(%dma_wait3A_782 : memref<!tpu.dma_semaphore, #tpu.memory_space<semaphore_mem>>) src(%dma_wait3A_788 : memref<16x512x64xf32, #tpu.memory_space<vmem>>) dst(%dma_wait3A_784 : memref<16x512x64xf32, #tpu.memory_space<hbm>>)
      } else {
      }
      %add3A_261 = arith.constant 512 : i32
      %add3A_262 = arith.addi %select_n3A_253, %add3A_261 : i32
      %select_n3A_263 = arith.select %ne3A_257, %add3A_262, %select_n3A_253 : i32
      %and3A_264 = arith.constant 256 : i32
      %and3A_265 = arith.andi %sub3A_243, %and3A_264 : i32
      %ne3A_266 = arith.constant 0 : i32
      %ne3A_267 = arith.cmpi ne, %and3A_265, %ne3A_266 : i32
      %convert_element_type3A_268 = arith.extui %ne3A_267 : i1 to i32
      %cond3A_269 = arith.constant 0 : i32
      %cond3A_270 = arith.cmpi ne, %convert_element_type3A_268, %cond3A_269 : i32
      scf.if %cond3A_270 {
        %dma_wait3A = tpu.memref_slice %arg5[%rem3A_159] : memref<4x!tpu.dma_semaphore, #tpu.memory_space<semaphore_mem>> -> memref<1x!tpu.dma_semaphore, #tpu.memory_space<semaphore_mem>>
        %dma_wait3A_782 = tpu.memref_squeeze %dma_wait3A : memref<1x!tpu.dma_semaphore, #tpu.memory_space<semaphore_mem>> -> memref<!tpu.dma_semaphore, #tpu.memory_space<semaphore_mem>>
        %dma_wait3A_783 = arith.constant 0 : i32
        %dma_wait3A_784 = tpu.memref_slice %arg2[%mul3A_161, %select_n3A_263, %dma_wait3A_783] : memref<2048x2048x64xf32, #tpu.memory_space<hbm>> -> memref<16x256x64xf32, #tpu.memory_space<hbm>>
        %dma_wait3A_785 = arith.constant 0 : i32
        %dma_wait3A_786 = arith.constant 0 : i32
        %dma_wait3A_787 = arith.constant 0 : i32
        %dma_wait3A_788 = tpu.memref_slice %arg4[%dma_wait3A_785, %dma_wait3A_786, %dma_wait3A_787] : memref<16x1024x64xf32, #tpu.memory_space<vmem>> -> memref<16x256x64xf32, #tpu.memory_space<vmem>>
        tpu.wait_dma2 semaphore(%dma_wait3A_782 : memref<!tpu.dma_semaphore, #tpu.memory_space<semaphore_mem>>) src(%dma_wait3A_788 : memref<16x256x64xf32, #tpu.memory_space<vmem>>) dst(%dma_wait3A_784 : memref<16x256x64xf32, #tpu.memory_space<hbm>>)
      } else {
      }
      %add3A_271 = arith.constant 256 : i32
      %add3A_272 = arith.addi %select_n3A_263, %add3A_271 : i32
      %select_n3A_273 = arith.select %ne3A_267, %add3A_272, %select_n3A_263 : i32
      %and3A_274 = arith.constant 128 : i32
      %and3A_275 = arith.andi %sub3A_243, %and3A_274 : i32
      %ne3A_276 = arith.constant 0 : i32
      %ne3A_277 = arith.cmpi ne, %and3A_275, %ne3A_276 : i32
      %convert_element_type3A_278 = arith.extui %ne3A_277 : i1 to i32
      %cond3A_279 = arith.constant 0 : i32
      %cond3A_280 = arith.cmpi ne, %convert_element_type3A_278, %cond3A_279 : i32
      scf.if %cond3A_280 {
        %dma_wait3A = tpu.memref_slice %arg5[%rem3A_159] : memref<4x!tpu.dma_semaphore, #tpu.memory_space<semaphore_mem>> -> memref<1x!tpu.dma_semaphore, #tpu.memory_space<semaphore_mem>>
        %dma_wait3A_782 = tpu.memref_squeeze %dma_wait3A : memref<1x!tpu.dma_semaphore, #tpu.memory_space<semaphore_mem>> -> memref<!tpu.dma_semaphore, #tpu.memory_space<semaphore_mem>>
        %dma_wait3A_783 = arith.constant 0 : i32
        %dma_wait3A_784 = tpu.memref_slice %arg2[%mul3A_161, %select_n3A_273, %dma_wait3A_783] : memref<2048x2048x64xf32, #tpu.memory_space<hbm>> -> memref<16x128x64xf32, #tpu.memory_space<hbm>>
        %dma_wait3A_785 = arith.constant 0 : i32
        %dma_wait3A_786 = arith.constant 0 : i32
        %dma_wait3A_787 = arith.constant 0 : i32
        %dma_wait3A_788 = tpu.memref_slice %arg4[%dma_wait3A_785, %dma_wait3A_786, %dma_wait3A_787] : memref<16x1024x64xf32, #tpu.memory_space<vmem>> -> memref<16x128x64xf32, #tpu.memory_space<vmem>>
        tpu.wait_dma2 semaphore(%dma_wait3A_782 : memref<!tpu.dma_semaphore, #tpu.memory_space<semaphore_mem>>) src(%dma_wait3A_788 : memref<16x128x64xf32, #tpu.memory_space<vmem>>) dst(%dma_wait3A_784 : memref<16x128x64xf32, #tpu.memory_space<hbm>>)
      } else {
      }
      %add3A_281 = arith.constant 128 : i32
      %add3A_282 = arith.addi %select_n3A_273, %add3A_281 : i32
      %select_n3A_283 = arith.select %ne3A_277, %add3A_282, %select_n3A_273 : i32
      %and3A_284 = arith.constant 64 : i32
      %and3A_285 = arith.andi %sub3A_243, %and3A_284 : i32
      %ne3A_286 = arith.constant 0 : i32
      %ne3A_287 = arith.cmpi ne, %and3A_285, %ne3A_286 : i32
      %convert_element_type3A_288 = arith.extui %ne3A_287 : i1 to i32
      %cond3A_289 = arith.constant 0 : i32
      %cond3A_290 = arith.cmpi ne, %convert_element_type3A_288, %cond3A_289 : i32
      scf.if %cond3A_290 {
        %dma_wait3A = tpu.memref_slice %arg5[%rem3A_159] : memref<4x!tpu.dma_semaphore, #tpu.memory_space<semaphore_mem>> -> memref<1x!tpu.dma_semaphore, #tpu.memory_space<semaphore_mem>>
        %dma_wait3A_782 = tpu.memref_squeeze %dma_wait3A : memref<1x!tpu.dma_semaphore, #tpu.memory_space<semaphore_mem>> -> memref<!tpu.dma_semaphore, #tpu.memory_space<semaphore_mem>>
        %dma_wait3A_783 = arith.constant 0 : i32
        %dma_wait3A_784 = tpu.memref_slice %arg2[%mul3A_161, %select_n3A_283, %dma_wait3A_783] : memref<2048x2048x64xf32, #tpu.memory_space<hbm>> -> memref<16x64x64xf32, #tpu.memory_space<hbm>>
        %dma_wait3A_785 = arith.constant 0 : i32
        %dma_wait3A_786 = arith.constant 0 : i32
        %dma_wait3A_787 = arith.constant 0 : i32
        %dma_wait3A_788 = tpu.memref_slice %arg4[%dma_wait3A_785, %dma_wait3A_786, %dma_wait3A_787] : memref<16x1024x64xf32, #tpu.memory_space<vmem>> -> memref<16x64x64xf32, #tpu.memory_space<vmem>>
        tpu.wait_dma2 semaphore(%dma_wait3A_782 : memref<!tpu.dma_semaphore, #tpu.memory_space<semaphore_mem>>) src(%dma_wait3A_788 : memref<16x64x64xf32, #tpu.memory_space<vmem>>) dst(%dma_wait3A_784 : memref<16x64x64xf32, #tpu.memory_space<hbm>>)
      } else {
      }
      %add3A_291 = arith.constant 64 : i32
      %add3A_292 = arith.addi %select_n3A_283, %add3A_291 : i32
      %select_n3A_293 = arith.select %ne3A_287, %add3A_292, %select_n3A_283 : i32
      %and3A_294 = arith.constant 32 : i32
      %and3A_295 = arith.andi %sub3A_243, %and3A_294 : i32
      %ne3A_296 = arith.constant 0 : i32
      %ne3A_297 = arith.cmpi ne, %and3A_295, %ne3A_296 : i32
      %convert_element_type3A_298 = arith.extui %ne3A_297 : i1 to i32
      %cond3A_299 = arith.constant 0 : i32
      %cond3A_300 = arith.cmpi ne, %convert_element_type3A_298, %cond3A_299 : i32
      scf.if %cond3A_300 {
        %dma_wait3A = tpu.memref_slice %arg5[%rem3A_159] : memref<4x!tpu.dma_semaphore, #tpu.memory_space<semaphore_mem>> -> memref<1x!tpu.dma_semaphore, #tpu.memory_space<semaphore_mem>>
        %dma_wait3A_782 = tpu.memref_squeeze %dma_wait3A : memref<1x!tpu.dma_semaphore, #tpu.memory_space<semaphore_mem>> -> memref<!tpu.dma_semaphore, #tpu.memory_space<semaphore_mem>>
        %dma_wait3A_783 = arith.constant 0 : i32
        %dma_wait3A_784 = tpu.memref_slice %arg2[%mul3A_161, %select_n3A_293, %dma_wait3A_783] : memref<2048x2048x64xf32, #tpu.memory_space<hbm>> -> memref<16x32x64xf32, #tpu.memory_space<hbm>>
        %dma_wait3A_785 = arith.constant 0 : i32
        %dma_wait3A_786 = arith.constant 0 : i32
        %dma_wait3A_787 = arith.constant 0 : i32
        %dma_wait3A_788 = tpu.memref_slice %arg4[%dma_wait3A_785, %dma_wait3A_786, %dma_wait3A_787] : memref<16x1024x64xf32, #tpu.memory_space<vmem>> -> memref<16x32x64xf32, #tpu.memory_space<vmem>>
        tpu.wait_dma2 semaphore(%dma_wait3A_782 : memref<!tpu.dma_semaphore, #tpu.memory_space<semaphore_mem>>) src(%dma_wait3A_788 : memref<16x32x64xf32, #tpu.memory_space<vmem>>) dst(%dma_wait3A_784 : memref<16x32x64xf32, #tpu.memory_space<hbm>>)
      } else {
      }
      %add3A_301 = arith.constant 32 : i32
      %add3A_302 = arith.addi %select_n3A_293, %add3A_301 : i32
      %select_n3A_303 = arith.select %ne3A_297, %add3A_302, %select_n3A_293 : i32
      %and3A_304 = arith.constant 16 : i32
      %and3A_305 = arith.andi %sub3A_243, %and3A_304 : i32
      %ne3A_306 = arith.constant 0 : i32
      %ne3A_307 = arith.cmpi ne, %and3A_305, %ne3A_306 : i32
      %convert_element_type3A_308 = arith.extui %ne3A_307 : i1 to i32
      %cond3A_309 = arith.constant 0 : i32
      %cond3A_310 = arith.cmpi ne, %convert_element_type3A_308, %cond3A_309 : i32
      scf.if %cond3A_310 {
        %dma_wait3A = tpu.memref_slice %arg5[%rem3A_159] : memref<4x!tpu.dma_semaphore, #tpu.memory_space<semaphore_mem>> -> memref<1x!tpu.dma_semaphore, #tpu.memory_space<semaphore_mem>>
        %dma_wait3A_782 = tpu.memref_squeeze %dma_wait3A : memref<1x!tpu.dma_semaphore, #tpu.memory_space<semaphore_mem>> -> memref<!tpu.dma_semaphore, #tpu.memory_space<semaphore_mem>>
        %dma_wait3A_783 = arith.constant 0 : i32
        %dma_wait3A_784 = tpu.memref_slice %arg2[%mul3A_161, %select_n3A_303, %dma_wait3A_783] : memref<2048x2048x64xf32, #tpu.memory_space<hbm>> -> memref<16x16x64xf32, #tpu.memory_space<hbm>>
        %dma_wait3A_785 = arith.constant 0 : i32
        %dma_wait3A_786 = arith.constant 0 : i32
        %dma_wait3A_787 = arith.constant 0 : i32
        %dma_wait3A_788 = tpu.memref_slice %arg4[%dma_wait3A_785, %dma_wait3A_786, %dma_wait3A_787] : memref<16x1024x64xf32, #tpu.memory_space<vmem>> -> memref<16x16x64xf32, #tpu.memory_space<vmem>>
        tpu.wait_dma2 semaphore(%dma_wait3A_782 : memref<!tpu.dma_semaphore, #tpu.memory_space<semaphore_mem>>) src(%dma_wait3A_788 : memref<16x16x64xf32, #tpu.memory_space<vmem>>) dst(%dma_wait3A_784 : memref<16x16x64xf32, #tpu.memory_space<hbm>>)
      } else {
      }
      %sub3A_311 = arith.constant 2 : i32
      %sub3A_312 = arith.subi %arg0, %sub3A_311 : i32
      %sub3A_313 = arith.constant 2 : i32
      %sub3A_314 = arith.subi %arg0, %sub3A_313 : i32
      %rem3A_315 = arith.constant 4 : i32
      %rem3A_316 = arith.remsi %sub3A_314, %rem3A_315 : i32
      %mul3A_317 = arith.constant 16 : i32
      %mul3A_318 = arith.muli %mul3A_317, %sub3A_312 : i32
      %mul3A_319 = arith.constant 16 : i32
      %mul3A_320 = arith.muli %mul3A_319, %sub3A_312 : i32
      %sub3A_321 = arith.constant 128 : i32
      %sub3A_322 = arith.subi %mul3A_320, %sub3A_321 : i32
      %jit3A_323 = arith.constant 0 : i32
      %jit3A_324 = arith.constant 1776 : i32
      %max3A_325 = arith.maxsi %jit3A_323, %sub3A_322 : i32
      %min3A_326 = arith.minsi %jit3A_324, %max3A_325 : i32
      %and3A_327 = arith.constant 1024 : i32
      %and3A_328 = arith.andi %min3A_326, %and3A_327 : i32
      %ne3A_329 = arith.constant 0 : i32
      %ne3A_330 = arith.cmpi ne, %and3A_328, %ne3A_329 : i32
      %convert_element_type3A_331 = arith.extui %ne3A_330 : i1 to i32
      %cond3A_332 = arith.constant 0 : i32
      %cond3A_333 = arith.constant 0 : i32
      %cond3A_334 = arith.cmpi ne, %convert_element_type3A_331, %cond3A_333 : i32
      scf.if %cond3A_334 {
        %dma_wait3A = tpu.memref_slice %arg5[%rem3A_316] : memref<4x!tpu.dma_semaphore, #tpu.memory_space<semaphore_mem>> -> memref<1x!tpu.dma_semaphore, #tpu.memory_space<semaphore_mem>>
        %dma_wait3A_782 = tpu.memref_squeeze %dma_wait3A : memref<1x!tpu.dma_semaphore, #tpu.memory_space<semaphore_mem>> -> memref<!tpu.dma_semaphore, #tpu.memory_space<semaphore_mem>>
        %dma_wait3A_783 = arith.constant 0 : i32
        %dma_wait3A_784 = tpu.memref_slice %arg2[%mul3A_318, %cond3A_332, %dma_wait3A_783] : memref<2048x2048x64xf32, #tpu.memory_space<hbm>> -> memref<16x1024x64xf32, #tpu.memory_space<hbm>>
        %dma_wait3A_785 = arith.constant 0 : i32
        %dma_wait3A_786 = arith.constant 0 : i32
        %dma_wait3A_787 = arith.constant 0 : i32
        %dma_wait3A_788 = tpu.memref_slice %arg3[%dma_wait3A_785, %dma_wait3A_786, %dma_wait3A_787] : memref<16x1024x64xf32, #tpu.memory_space<vmem>> -> memref<16x1024x64xf32, #tpu.memory_space<vmem>>
        tpu.wait_dma2 semaphore(%dma_wait3A_782 : memref<!tpu.dma_semaphore, #tpu.memory_space<semaphore_mem>>) src(%dma_wait3A_788 : memref<16x1024x64xf32, #tpu.memory_space<vmem>>) dst(%dma_wait3A_784 : memref<16x1024x64xf32, #tpu.memory_space<hbm>>)
      } else {
      }
      %add3A_335 = arith.constant 0 : i32
      %add3A_336 = arith.constant 1024 : i32
      %add3A_337 = arith.addi %add3A_335, %add3A_336 : i32
      %jit3A_338 = arith.constant 0 : i32
      %select_n3A_339 = arith.select %ne3A_330, %add3A_337, %jit3A_338 : i32
      %and3A_340 = arith.constant 512 : i32
      %and3A_341 = arith.andi %min3A_326, %and3A_340 : i32
      %ne3A_342 = arith.constant 0 : i32
      %ne3A_343 = arith.cmpi ne, %and3A_341, %ne3A_342 : i32
      %convert_element_type3A_344 = arith.extui %ne3A_343 : i1 to i32
      %cond3A_345 = arith.constant 0 : i32
      %cond3A_346 = arith.cmpi ne, %convert_element_type3A_344, %cond3A_345 : i32
      scf.if %cond3A_346 {
        %dma_wait3A = tpu.memref_slice %arg5[%rem3A_316] : memref<4x!tpu.dma_semaphore, #tpu.memory_space<semaphore_mem>> -> memref<1x!tpu.dma_semaphore, #tpu.memory_space<semaphore_mem>>
        %dma_wait3A_782 = tpu.memref_squeeze %dma_wait3A : memref<1x!tpu.dma_semaphore, #tpu.memory_space<semaphore_mem>> -> memref<!tpu.dma_semaphore, #tpu.memory_space<semaphore_mem>>
        %dma_wait3A_783 = arith.constant 0 : i32
        %dma_wait3A_784 = tpu.memref_slice %arg2[%mul3A_318, %select_n3A_339, %dma_wait3A_783] : memref<2048x2048x64xf32, #tpu.memory_space<hbm>> -> memref<16x512x64xf32, #tpu.memory_space<hbm>>
        %dma_wait3A_785 = arith.constant 0 : i32
        %dma_wait3A_786 = arith.constant 0 : i32
        %dma_wait3A_787 = arith.constant 0 : i32
        %dma_wait3A_788 = tpu.memref_slice %arg3[%dma_wait3A_785, %dma_wait3A_786, %dma_wait3A_787] : memref<16x1024x64xf32, #tpu.memory_space<vmem>> -> memref<16x512x64xf32, #tpu.memory_space<vmem>>
        tpu.wait_dma2 semaphore(%dma_wait3A_782 : memref<!tpu.dma_semaphore, #tpu.memory_space<semaphore_mem>>) src(%dma_wait3A_788 : memref<16x512x64xf32, #tpu.memory_space<vmem>>) dst(%dma_wait3A_784 : memref<16x512x64xf32, #tpu.memory_space<hbm>>)
      } else {
      }
      %add3A_347 = arith.constant 512 : i32
      %add3A_348 = arith.addi %select_n3A_339, %add3A_347 : i32
      %select_n3A_349 = arith.select %ne3A_343, %add3A_348, %select_n3A_339 : i32
      %and3A_350 = arith.constant 256 : i32
      %and3A_351 = arith.andi %min3A_326, %and3A_350 : i32
      %ne3A_352 = arith.constant 0 : i32
      %ne3A_353 = arith.cmpi ne, %and3A_351, %ne3A_352 : i32
      %convert_element_type3A_354 = arith.extui %ne3A_353 : i1 to i32
      %cond3A_355 = arith.constant 0 : i32
      %cond3A_356 = arith.cmpi ne, %convert_element_type3A_354, %cond3A_355 : i32
      scf.if %cond3A_356 {
        %dma_wait3A = tpu.memref_slice %arg5[%rem3A_316] : memref<4x!tpu.dma_semaphore, #tpu.memory_space<semaphore_mem>> -> memref<1x!tpu.dma_semaphore, #tpu.memory_space<semaphore_mem>>
        %dma_wait3A_782 = tpu.memref_squeeze %dma_wait3A : memref<1x!tpu.dma_semaphore, #tpu.memory_space<semaphore_mem>> -> memref<!tpu.dma_semaphore, #tpu.memory_space<semaphore_mem>>
        %dma_wait3A_783 = arith.constant 0 : i32
        %dma_wait3A_784 = tpu.memref_slice %arg2[%mul3A_318, %select_n3A_349, %dma_wait3A_783] : memref<2048x2048x64xf32, #tpu.memory_space<hbm>> -> memref<16x256x64xf32, #tpu.memory_space<hbm>>
        %dma_wait3A_785 = arith.constant 0 : i32
        %dma_wait3A_786 = arith.constant 0 : i32
        %dma_wait3A_787 = arith.constant 0 : i32
        %dma_wait3A_788 = tpu.memref_slice %arg3[%dma_wait3A_785, %dma_wait3A_786, %dma_wait3A_787] : memref<16x1024x64xf32, #tpu.memory_space<vmem>> -> memref<16x256x64xf32, #tpu.memory_space<vmem>>
        tpu.wait_dma2 semaphore(%dma_wait3A_782 : memref<!tpu.dma_semaphore, #tpu.memory_space<semaphore_mem>>) src(%dma_wait3A_788 : memref<16x256x64xf32, #tpu.memory_space<vmem>>) dst(%dma_wait3A_784 : memref<16x256x64xf32, #tpu.memory_space<hbm>>)
      } else {
      }
      %add3A_357 = arith.constant 256 : i32
      %add3A_358 = arith.addi %select_n3A_349, %add3A_357 : i32
      %select_n3A_359 = arith.select %ne3A_353, %add3A_358, %select_n3A_349 : i32
      %and3A_360 = arith.constant 128 : i32
      %and3A_361 = arith.andi %min3A_326, %and3A_360 : i32
      %ne3A_362 = arith.constant 0 : i32
      %ne3A_363 = arith.cmpi ne, %and3A_361, %ne3A_362 : i32
      %convert_element_type3A_364 = arith.extui %ne3A_363 : i1 to i32
      %cond3A_365 = arith.constant 0 : i32
      %cond3A_366 = arith.cmpi ne, %convert_element_type3A_364, %cond3A_365 : i32
      scf.if %cond3A_366 {
        %dma_wait3A = tpu.memref_slice %arg5[%rem3A_316] : memref<4x!tpu.dma_semaphore, #tpu.memory_space<semaphore_mem>> -> memref<1x!tpu.dma_semaphore, #tpu.memory_space<semaphore_mem>>
        %dma_wait3A_782 = tpu.memref_squeeze %dma_wait3A : memref<1x!tpu.dma_semaphore, #tpu.memory_space<semaphore_mem>> -> memref<!tpu.dma_semaphore, #tpu.memory_space<semaphore_mem>>
        %dma_wait3A_783 = arith.constant 0 : i32
        %dma_wait3A_784 = tpu.memref_slice %arg2[%mul3A_318, %select_n3A_359, %dma_wait3A_783] : memref<2048x2048x64xf32, #tpu.memory_space<hbm>> -> memref<16x128x64xf32, #tpu.memory_space<hbm>>
        %dma_wait3A_785 = arith.constant 0 : i32
        %dma_wait3A_786 = arith.constant 0 : i32
        %dma_wait3A_787 = arith.constant 0 : i32
        %dma_wait3A_788 = tpu.memref_slice %arg3[%dma_wait3A_785, %dma_wait3A_786, %dma_wait3A_787] : memref<16x1024x64xf32, #tpu.memory_space<vmem>> -> memref<16x128x64xf32, #tpu.memory_space<vmem>>
        tpu.wait_dma2 semaphore(%dma_wait3A_782 : memref<!tpu.dma_semaphore, #tpu.memory_space<semaphore_mem>>) src(%dma_wait3A_788 : memref<16x128x64xf32, #tpu.memory_space<vmem>>) dst(%dma_wait3A_784 : memref<16x128x64xf32, #tpu.memory_space<hbm>>)
      } else {
      }
      %add3A_367 = arith.constant 128 : i32
      %add3A_368 = arith.addi %select_n3A_359, %add3A_367 : i32
      %select_n3A_369 = arith.select %ne3A_363, %add3A_368, %select_n3A_359 : i32
      %and3A_370 = arith.constant 64 : i32
      %and3A_371 = arith.andi %min3A_326, %and3A_370 : i32
      %ne3A_372 = arith.constant 0 : i32
      %ne3A_373 = arith.cmpi ne, %and3A_371, %ne3A_372 : i32
      %convert_element_type3A_374 = arith.extui %ne3A_373 : i1 to i32
      %cond3A_375 = arith.constant 0 : i32
      %cond3A_376 = arith.cmpi ne, %convert_element_type3A_374, %cond3A_375 : i32
      scf.if %cond3A_376 {
        %dma_wait3A = tpu.memref_slice %arg5[%rem3A_316] : memref<4x!tpu.dma_semaphore, #tpu.memory_space<semaphore_mem>> -> memref<1x!tpu.dma_semaphore, #tpu.memory_space<semaphore_mem>>
        %dma_wait3A_782 = tpu.memref_squeeze %dma_wait3A : memref<1x!tpu.dma_semaphore, #tpu.memory_space<semaphore_mem>> -> memref<!tpu.dma_semaphore, #tpu.memory_space<semaphore_mem>>
        %dma_wait3A_783 = arith.constant 0 : i32
        %dma_wait3A_784 = tpu.memref_slice %arg2[%mul3A_318, %select_n3A_369, %dma_wait3A_783] : memref<2048x2048x64xf32, #tpu.memory_space<hbm>> -> memref<16x64x64xf32, #tpu.memory_space<hbm>>
        %dma_wait3A_785 = arith.constant 0 : i32
        %dma_wait3A_786 = arith.constant 0 : i32
        %dma_wait3A_787 = arith.constant 0 : i32
        %dma_wait3A_788 = tpu.memref_slice %arg3[%dma_wait3A_785, %dma_wait3A_786, %dma_wait3A_787] : memref<16x1024x64xf32, #tpu.memory_space<vmem>> -> memref<16x64x64xf32, #tpu.memory_space<vmem>>
        tpu.wait_dma2 semaphore(%dma_wait3A_782 : memref<!tpu.dma_semaphore, #tpu.memory_space<semaphore_mem>>) src(%dma_wait3A_788 : memref<16x64x64xf32, #tpu.memory_space<vmem>>) dst(%dma_wait3A_784 : memref<16x64x64xf32, #tpu.memory_space<hbm>>)
      } else {
      }
      %add3A_377 = arith.constant 64 : i32
      %add3A_378 = arith.addi %select_n3A_369, %add3A_377 : i32
      %select_n3A_379 = arith.select %ne3A_373, %add3A_378, %select_n3A_369 : i32
      %and3A_380 = arith.constant 32 : i32
      %and3A_381 = arith.andi %min3A_326, %and3A_380 : i32
      %ne3A_382 = arith.constant 0 : i32
      %ne3A_383 = arith.cmpi ne, %and3A_381, %ne3A_382 : i32
      %convert_element_type3A_384 = arith.extui %ne3A_383 : i1 to i32
      %cond3A_385 = arith.constant 0 : i32
      %cond3A_386 = arith.cmpi ne, %convert_element_type3A_384, %cond3A_385 : i32
      scf.if %cond3A_386 {
        %dma_wait3A = tpu.memref_slice %arg5[%rem3A_316] : memref<4x!tpu.dma_semaphore, #tpu.memory_space<semaphore_mem>> -> memref<1x!tpu.dma_semaphore, #tpu.memory_space<semaphore_mem>>
        %dma_wait3A_782 = tpu.memref_squeeze %dma_wait3A : memref<1x!tpu.dma_semaphore, #tpu.memory_space<semaphore_mem>> -> memref<!tpu.dma_semaphore, #tpu.memory_space<semaphore_mem>>
        %dma_wait3A_783 = arith.constant 0 : i32
        %dma_wait3A_784 = tpu.memref_slice %arg2[%mul3A_318, %select_n3A_379, %dma_wait3A_783] : memref<2048x2048x64xf32, #tpu.memory_space<hbm>> -> memref<16x32x64xf32, #tpu.memory_space<hbm>>
        %dma_wait3A_785 = arith.constant 0 : i32
        %dma_wait3A_786 = arith.constant 0 : i32
        %dma_wait3A_787 = arith.constant 0 : i32
        %dma_wait3A_788 = tpu.memref_slice %arg3[%dma_wait3A_785, %dma_wait3A_786, %dma_wait3A_787] : memref<16x1024x64xf32, #tpu.memory_space<vmem>> -> memref<16x32x64xf32, #tpu.memory_space<vmem>>
        tpu.wait_dma2 semaphore(%dma_wait3A_782 : memref<!tpu.dma_semaphore, #tpu.memory_space<semaphore_mem>>) src(%dma_wait3A_788 : memref<16x32x64xf32, #tpu.memory_space<vmem>>) dst(%dma_wait3A_784 : memref<16x32x64xf32, #tpu.memory_space<hbm>>)
      } else {
      }
      %add3A_387 = arith.constant 32 : i32
      %add3A_388 = arith.addi %select_n3A_379, %add3A_387 : i32
      %select_n3A_389 = arith.select %ne3A_383, %add3A_388, %select_n3A_379 : i32
      %and3A_390 = arith.constant 16 : i32
      %and3A_391 = arith.andi %min3A_326, %and3A_390 : i32
      %ne3A_392 = arith.constant 0 : i32
      %ne3A_393 = arith.cmpi ne, %and3A_391, %ne3A_392 : i32
      %convert_element_type3A_394 = arith.extui %ne3A_393 : i1 to i32
      %cond3A_395 = arith.constant 0 : i32
      %cond3A_396 = arith.cmpi ne, %convert_element_type3A_394, %cond3A_395 : i32
      scf.if %cond3A_396 {
        %dma_wait3A = tpu.memref_slice %arg5[%rem3A_316] : memref<4x!tpu.dma_semaphore, #tpu.memory_space<semaphore_mem>> -> memref<1x!tpu.dma_semaphore, #tpu.memory_space<semaphore_mem>>
        %dma_wait3A_782 = tpu.memref_squeeze %dma_wait3A : memref<1x!tpu.dma_semaphore, #tpu.memory_space<semaphore_mem>> -> memref<!tpu.dma_semaphore, #tpu.memory_space<semaphore_mem>>
        %dma_wait3A_783 = arith.constant 0 : i32
        %dma_wait3A_784 = tpu.memref_slice %arg2[%mul3A_318, %select_n3A_389, %dma_wait3A_783] : memref<2048x2048x64xf32, #tpu.memory_space<hbm>> -> memref<16x16x64xf32, #tpu.memory_space<hbm>>
        %dma_wait3A_785 = arith.constant 0 : i32
        %dma_wait3A_786 = arith.constant 0 : i32
        %dma_wait3A_787 = arith.constant 0 : i32
        %dma_wait3A_788 = tpu.memref_slice %arg3[%dma_wait3A_785, %dma_wait3A_786, %dma_wait3A_787] : memref<16x1024x64xf32, #tpu.memory_space<vmem>> -> memref<16x16x64xf32, #tpu.memory_space<vmem>>
        tpu.wait_dma2 semaphore(%dma_wait3A_782 : memref<!tpu.dma_semaphore, #tpu.memory_space<semaphore_mem>>) src(%dma_wait3A_788 : memref<16x16x64xf32, #tpu.memory_space<vmem>>) dst(%dma_wait3A_784 : memref<16x16x64xf32, #tpu.memory_space<hbm>>)
      } else {
      }
      %add3A_397 = arith.constant 272 : i32
      %add3A_398 = arith.addi %min3A_326, %add3A_397 : i32
      %sub3A_399 = arith.constant 2048 : i32
      %sub3A_400 = arith.subi %sub3A_399, %add3A_398 : i32
      %and3A_401 = arith.constant 1024 : i32
      %and3A_402 = arith.andi %sub3A_400, %and3A_401 : i32
      %ne3A_403 = arith.constant 0 : i32
      %ne3A_404 = arith.cmpi ne, %and3A_402, %ne3A_403 : i32
      %convert_element_type3A_405 = arith.extui %ne3A_404 : i1 to i32
      %cond3A_406 = arith.constant 0 : i32
      %cond3A_407 = arith.cmpi ne, %convert_element_type3A_405, %cond3A_406 : i32
      scf.if %cond3A_407 {
        %dma_wait3A = tpu.memref_slice %arg5[%rem3A_316] : memref<4x!tpu.dma_semaphore, #tpu.memory_space<semaphore_mem>> -> memref<1x!tpu.dma_semaphore, #tpu.memory_space<semaphore_mem>>
        %dma_wait3A_782 = tpu.memref_squeeze %dma_wait3A : memref<1x!tpu.dma_semaphore, #tpu.memory_space<semaphore_mem>> -> memref<!tpu.dma_semaphore, #tpu.memory_space<semaphore_mem>>
        %dma_wait3A_783 = arith.constant 0 : i32
        %dma_wait3A_784 = tpu.memref_slice %arg2[%mul3A_318, %add3A_398, %dma_wait3A_783] : memref<2048x2048x64xf32, #tpu.memory_space<hbm>> -> memref<16x1024x64xf32, #tpu.memory_space<hbm>>
        %dma_wait3A_785 = arith.constant 0 : i32
        %dma_wait3A_786 = arith.constant 0 : i32
        %dma_wait3A_787 = arith.constant 0 : i32
        %dma_wait3A_788 = tpu.memref_slice %arg4[%dma_wait3A_785, %dma_wait3A_786, %dma_wait3A_787] : memref<16x1024x64xf32, #tpu.memory_space<vmem>> -> memref<16x1024x64xf32, #tpu.memory_space<vmem>>
        tpu.wait_dma2 semaphore(%dma_wait3A_782 : memref<!tpu.dma_semaphore, #tpu.memory_space<semaphore_mem>>) src(%dma_wait3A_788 : memref<16x1024x64xf32, #tpu.memory_space<vmem>>) dst(%dma_wait3A_784 : memref<16x1024x64xf32, #tpu.memory_space<hbm>>)
      } else {
      }
      %add3A_408 = arith.constant 1024 : i32
      %add3A_409 = arith.addi %add3A_398, %add3A_408 : i32
      %select_n3A_410 = arith.select %ne3A_404, %add3A_409, %add3A_398 : i32
      %and3A_411 = arith.constant 512 : i32
      %and3A_412 = arith.andi %sub3A_400, %and3A_411 : i32
      %ne3A_413 = arith.constant 0 : i32
      %ne3A_414 = arith.cmpi ne, %and3A_412, %ne3A_413 : i32
      %convert_element_type3A_415 = arith.extui %ne3A_414 : i1 to i32
      %cond3A_416 = arith.constant 0 : i32
      %cond3A_417 = arith.cmpi ne, %convert_element_type3A_415, %cond3A_416 : i32
      scf.if %cond3A_417 {
        %dma_wait3A = tpu.memref_slice %arg5[%rem3A_316] : memref<4x!tpu.dma_semaphore, #tpu.memory_space<semaphore_mem>> -> memref<1x!tpu.dma_semaphore, #tpu.memory_space<semaphore_mem>>
        %dma_wait3A_782 = tpu.memref_squeeze %dma_wait3A : memref<1x!tpu.dma_semaphore, #tpu.memory_space<semaphore_mem>> -> memref<!tpu.dma_semaphore, #tpu.memory_space<semaphore_mem>>
        %dma_wait3A_783 = arith.constant 0 : i32
        %dma_wait3A_784 = tpu.memref_slice %arg2[%mul3A_318, %select_n3A_410, %dma_wait3A_783] : memref<2048x2048x64xf32, #tpu.memory_space<hbm>> -> memref<16x512x64xf32, #tpu.memory_space<hbm>>
        %dma_wait3A_785 = arith.constant 0 : i32
        %dma_wait3A_786 = arith.constant 0 : i32
        %dma_wait3A_787 = arith.constant 0 : i32
        %dma_wait3A_788 = tpu.memref_slice %arg4[%dma_wait3A_785, %dma_wait3A_786, %dma_wait3A_787] : memref<16x1024x64xf32, #tpu.memory_space<vmem>> -> memref<16x512x64xf32, #tpu.memory_space<vmem>>
        tpu.wait_dma2 semaphore(%dma_wait3A_782 : memref<!tpu.dma_semaphore, #tpu.memory_space<semaphore_mem>>) src(%dma_wait3A_788 : memref<16x512x64xf32, #tpu.memory_space<vmem>>) dst(%dma_wait3A_784 : memref<16x512x64xf32, #tpu.memory_space<hbm>>)
      } else {
      }
      %add3A_418 = arith.constant 512 : i32
      %add3A_419 = arith.addi %select_n3A_410, %add3A_418 : i32
      %select_n3A_420 = arith.select %ne3A_414, %add3A_419, %select_n3A_410 : i32
      %and3A_421 = arith.constant 256 : i32
      %and3A_422 = arith.andi %sub3A_400, %and3A_421 : i32
      %ne3A_423 = arith.constant 0 : i32
      %ne3A_424 = arith.cmpi ne, %and3A_422, %ne3A_423 : i32
      %convert_element_type3A_425 = arith.extui %ne3A_424 : i1 to i32
      %cond3A_426 = arith.constant 0 : i32
      %cond3A_427 = arith.cmpi ne, %convert_element_type3A_425, %cond3A_426 : i32
      scf.if %cond3A_427 {
        %dma_wait3A = tpu.memref_slice %arg5[%rem3A_316] : memref<4x!tpu.dma_semaphore, #tpu.memory_space<semaphore_mem>> -> memref<1x!tpu.dma_semaphore, #tpu.memory_space<semaphore_mem>>
        %dma_wait3A_782 = tpu.memref_squeeze %dma_wait3A : memref<1x!tpu.dma_semaphore, #tpu.memory_space<semaphore_mem>> -> memref<!tpu.dma_semaphore, #tpu.memory_space<semaphore_mem>>
        %dma_wait3A_783 = arith.constant 0 : i32
        %dma_wait3A_784 = tpu.memref_slice %arg2[%mul3A_318, %select_n3A_420, %dma_wait3A_783] : memref<2048x2048x64xf32, #tpu.memory_space<hbm>> -> memref<16x256x64xf32, #tpu.memory_space<hbm>>
        %dma_wait3A_785 = arith.constant 0 : i32
        %dma_wait3A_786 = arith.constant 0 : i32
        %dma_wait3A_787 = arith.constant 0 : i32
        %dma_wait3A_788 = tpu.memref_slice %arg4[%dma_wait3A_785, %dma_wait3A_786, %dma_wait3A_787] : memref<16x1024x64xf32, #tpu.memory_space<vmem>> -> memref<16x256x64xf32, #tpu.memory_space<vmem>>
        tpu.wait_dma2 semaphore(%dma_wait3A_782 : memref<!tpu.dma_semaphore, #tpu.memory_space<semaphore_mem>>) src(%dma_wait3A_788 : memref<16x256x64xf32, #tpu.memory_space<vmem>>) dst(%dma_wait3A_784 : memref<16x256x64xf32, #tpu.memory_space<hbm>>)
      } else {
      }
      %add3A_428 = arith.constant 256 : i32
      %add3A_429 = arith.addi %select_n3A_420, %add3A_428 : i32
      %select_n3A_430 = arith.select %ne3A_424, %add3A_429, %select_n3A_420 : i32
      %and3A_431 = arith.constant 128 : i32
      %and3A_432 = arith.andi %sub3A_400, %and3A_431 : i32
      %ne3A_433 = arith.constant 0 : i32
      %ne3A_434 = arith.cmpi ne, %and3A_432, %ne3A_433 : i32
      %convert_element_type3A_435 = arith.extui %ne3A_434 : i1 to i32
      %cond3A_436 = arith.constant 0 : i32
      %cond3A_437 = arith.cmpi ne, %convert_element_type3A_435, %cond3A_436 : i32
      scf.if %cond3A_437 {
        %dma_wait3A = tpu.memref_slice %arg5[%rem3A_316] : memref<4x!tpu.dma_semaphore, #tpu.memory_space<semaphore_mem>> -> memref<1x!tpu.dma_semaphore, #tpu.memory_space<semaphore_mem>>
        %dma_wait3A_782 = tpu.memref_squeeze %dma_wait3A : memref<1x!tpu.dma_semaphore, #tpu.memory_space<semaphore_mem>> -> memref<!tpu.dma_semaphore, #tpu.memory_space<semaphore_mem>>
        %dma_wait3A_783 = arith.constant 0 : i32
        %dma_wait3A_784 = tpu.memref_slice %arg2[%mul3A_318, %select_n3A_430, %dma_wait3A_783] : memref<2048x2048x64xf32, #tpu.memory_space<hbm>> -> memref<16x128x64xf32, #tpu.memory_space<hbm>>
        %dma_wait3A_785 = arith.constant 0 : i32
        %dma_wait3A_786 = arith.constant 0 : i32
        %dma_wait3A_787 = arith.constant 0 : i32
        %dma_wait3A_788 = tpu.memref_slice %arg4[%dma_wait3A_785, %dma_wait3A_786, %dma_wait3A_787] : memref<16x1024x64xf32, #tpu.memory_space<vmem>> -> memref<16x128x64xf32, #tpu.memory_space<vmem>>
        tpu.wait_dma2 semaphore(%dma_wait3A_782 : memref<!tpu.dma_semaphore, #tpu.memory_space<semaphore_mem>>) src(%dma_wait3A_788 : memref<16x128x64xf32, #tpu.memory_space<vmem>>) dst(%dma_wait3A_784 : memref<16x128x64xf32, #tpu.memory_space<hbm>>)
      } else {
      }
      %add3A_438 = arith.constant 128 : i32
      %add3A_439 = arith.addi %select_n3A_430, %add3A_438 : i32
      %select_n3A_440 = arith.select %ne3A_434, %add3A_439, %select_n3A_430 : i32
      %and3A_441 = arith.constant 64 : i32
      %and3A_442 = arith.andi %sub3A_400, %and3A_441 : i32
      %ne3A_443 = arith.constant 0 : i32
      %ne3A_444 = arith.cmpi ne, %and3A_442, %ne3A_443 : i32
      %convert_element_type3A_445 = arith.extui %ne3A_444 : i1 to i32
      %cond3A_446 = arith.constant 0 : i32
      %cond3A_447 = arith.cmpi ne, %convert_element_type3A_445, %cond3A_446 : i32
      scf.if %cond3A_447 {
        %dma_wait3A = tpu.memref_slice %arg5[%rem3A_316] : memref<4x!tpu.dma_semaphore, #tpu.memory_space<semaphore_mem>> -> memref<1x!tpu.dma_semaphore, #tpu.memory_space<semaphore_mem>>
        %dma_wait3A_782 = tpu.memref_squeeze %dma_wait3A : memref<1x!tpu.dma_semaphore, #tpu.memory_space<semaphore_mem>> -> memref<!tpu.dma_semaphore, #tpu.memory_space<semaphore_mem>>
        %dma_wait3A_783 = arith.constant 0 : i32
        %dma_wait3A_784 = tpu.memref_slice %arg2[%mul3A_318, %select_n3A_440, %dma_wait3A_783] : memref<2048x2048x64xf32, #tpu.memory_space<hbm>> -> memref<16x64x64xf32, #tpu.memory_space<hbm>>
        %dma_wait3A_785 = arith.constant 0 : i32
        %dma_wait3A_786 = arith.constant 0 : i32
        %dma_wait3A_787 = arith.constant 0 : i32
        %dma_wait3A_788 = tpu.memref_slice %arg4[%dma_wait3A_785, %dma_wait3A_786, %dma_wait3A_787] : memref<16x1024x64xf32, #tpu.memory_space<vmem>> -> memref<16x64x64xf32, #tpu.memory_space<vmem>>
        tpu.wait_dma2 semaphore(%dma_wait3A_782 : memref<!tpu.dma_semaphore, #tpu.memory_space<semaphore_mem>>) src(%dma_wait3A_788 : memref<16x64x64xf32, #tpu.memory_space<vmem>>) dst(%dma_wait3A_784 : memref<16x64x64xf32, #tpu.memory_space<hbm>>)
      } else {
      }
      %add3A_448 = arith.constant 64 : i32
      %add3A_449 = arith.addi %select_n3A_440, %add3A_448 : i32
      %select_n3A_450 = arith.select %ne3A_444, %add3A_449, %select_n3A_440 : i32
      %and3A_451 = arith.constant 32 : i32
      %and3A_452 = arith.andi %sub3A_400, %and3A_451 : i32
      %ne3A_453 = arith.constant 0 : i32
      %ne3A_454 = arith.cmpi ne, %and3A_452, %ne3A_453 : i32
      %convert_element_type3A_455 = arith.extui %ne3A_454 : i1 to i32
      %cond3A_456 = arith.constant 0 : i32
      %cond3A_457 = arith.cmpi ne, %convert_element_type3A_455, %cond3A_456 : i32
      scf.if %cond3A_457 {
        %dma_wait3A = tpu.memref_slice %arg5[%rem3A_316] : memref<4x!tpu.dma_semaphore, #tpu.memory_space<semaphore_mem>> -> memref<1x!tpu.dma_semaphore, #tpu.memory_space<semaphore_mem>>
        %dma_wait3A_782 = tpu.memref_squeeze %dma_wait3A : memref<1x!tpu.dma_semaphore, #tpu.memory_space<semaphore_mem>> -> memref<!tpu.dma_semaphore, #tpu.memory_space<semaphore_mem>>
        %dma_wait3A_783 = arith.constant 0 : i32
        %dma_wait3A_784 = tpu.memref_slice %arg2[%mul3A_318, %select_n3A_450, %dma_wait3A_783] : memref<2048x2048x64xf32, #tpu.memory_space<hbm>> -> memref<16x32x64xf32, #tpu.memory_space<hbm>>
        %dma_wait3A_785 = arith.constant 0 : i32
        %dma_wait3A_786 = arith.constant 0 : i32
        %dma_wait3A_787 = arith.constant 0 : i32
        %dma_wait3A_788 = tpu.memref_slice %arg4[%dma_wait3A_785, %dma_wait3A_786, %dma_wait3A_787] : memref<16x1024x64xf32, #tpu.memory_space<vmem>> -> memref<16x32x64xf32, #tpu.memory_space<vmem>>
        tpu.wait_dma2 semaphore(%dma_wait3A_782 : memref<!tpu.dma_semaphore, #tpu.memory_space<semaphore_mem>>) src(%dma_wait3A_788 : memref<16x32x64xf32, #tpu.memory_space<vmem>>) dst(%dma_wait3A_784 : memref<16x32x64xf32, #tpu.memory_space<hbm>>)
      } else {
      }
      %add3A_458 = arith.constant 32 : i32
      %add3A_459 = arith.addi %select_n3A_450, %add3A_458 : i32
      %select_n3A_460 = arith.select %ne3A_454, %add3A_459, %select_n3A_450 : i32
      %and3A_461 = arith.constant 16 : i32
      %and3A_462 = arith.andi %sub3A_400, %and3A_461 : i32
      %ne3A_463 = arith.constant 0 : i32
      %ne3A_464 = arith.cmpi ne, %and3A_462, %ne3A_463 : i32
      %convert_element_type3A_465 = arith.extui %ne3A_464 : i1 to i32
      %cond3A_466 = arith.constant 0 : i32
      %cond3A_467 = arith.cmpi ne, %convert_element_type3A_465, %cond3A_466 : i32
      scf.if %cond3A_467 {
        %dma_wait3A = tpu.memref_slice %arg5[%rem3A_316] : memref<4x!tpu.dma_semaphore, #tpu.memory_space<semaphore_mem>> -> memref<1x!tpu.dma_semaphore, #tpu.memory_space<semaphore_mem>>
        %dma_wait3A_782 = tpu.memref_squeeze %dma_wait3A : memref<1x!tpu.dma_semaphore, #tpu.memory_space<semaphore_mem>> -> memref<!tpu.dma_semaphore, #tpu.memory_space<semaphore_mem>>
        %dma_wait3A_783 = arith.constant 0 : i32
        %dma_wait3A_784 = tpu.memref_slice %arg2[%mul3A_318, %select_n3A_460, %dma_wait3A_783] : memref<2048x2048x64xf32, #tpu.memory_space<hbm>> -> memref<16x16x64xf32, #tpu.memory_space<hbm>>
        %dma_wait3A_785 = arith.constant 0 : i32
        %dma_wait3A_786 = arith.constant 0 : i32
        %dma_wait3A_787 = arith.constant 0 : i32
        %dma_wait3A_788 = tpu.memref_slice %arg4[%dma_wait3A_785, %dma_wait3A_786, %dma_wait3A_787] : memref<16x1024x64xf32, #tpu.memory_space<vmem>> -> memref<16x16x64xf32, #tpu.memory_space<vmem>>
        tpu.wait_dma2 semaphore(%dma_wait3A_782 : memref<!tpu.dma_semaphore, #tpu.memory_space<semaphore_mem>>) src(%dma_wait3A_788 : memref<16x16x64xf32, #tpu.memory_space<vmem>>) dst(%dma_wait3A_784 : memref<16x16x64xf32, #tpu.memory_space<hbm>>)
      } else {
      }
      %sub3A_468 = arith.constant 1 : i32
      %sub3A_469 = arith.subi %arg0, %sub3A_468 : i32
      %sub3A_470 = arith.constant 1 : i32
      %sub3A_471 = arith.subi %arg0, %sub3A_470 : i32
      %rem3A_472 = arith.constant 4 : i32
      %rem3A_473 = arith.remsi %sub3A_471, %rem3A_472 : i32
      %mul3A_474 = arith.constant 16 : i32
      %mul3A_475 = arith.muli %mul3A_474, %sub3A_469 : i32
      %mul3A_476 = arith.constant 16 : i32
      %mul3A_477 = arith.muli %mul3A_476, %sub3A_469 : i32
      %sub3A_478 = arith.constant 128 : i32
      %sub3A_479 = arith.subi %mul3A_477, %sub3A_478 : i32
      %jit3A_480 = arith.constant 0 : i32
      %jit3A_481 = arith.constant 1776 : i32
      %max3A_482 = arith.maxsi %jit3A_480, %sub3A_479 : i32
      %min3A_483 = arith.minsi %jit3A_481, %max3A_482 : i32
      %and3A_484 = arith.constant 1024 : i32
      %and3A_485 = arith.andi %min3A_483, %and3A_484 : i32
      %ne3A_486 = arith.constant 0 : i32
      %ne3A_487 = arith.cmpi ne, %and3A_485, %ne3A_486 : i32
      %convert_element_type3A_488 = arith.extui %ne3A_487 : i1 to i32
      %cond3A_489 = arith.constant 0 : i32
      %cond3A_490 = arith.constant 0 : i32
      %cond3A_491 = arith.cmpi ne, %convert_element_type3A_488, %cond3A_490 : i32
      scf.if %cond3A_491 {
        %dma_wait3A = tpu.memref_slice %arg5[%rem3A_473] : memref<4x!tpu.dma_semaphore, #tpu.memory_space<semaphore_mem>> -> memref<1x!tpu.dma_semaphore, #tpu.memory_space<semaphore_mem>>
        %dma_wait3A_782 = tpu.memref_squeeze %dma_wait3A : memref<1x!tpu.dma_semaphore, #tpu.memory_space<semaphore_mem>> -> memref<!tpu.dma_semaphore, #tpu.memory_space<semaphore_mem>>
        %dma_wait3A_783 = arith.constant 0 : i32
        %dma_wait3A_784 = tpu.memref_slice %arg2[%mul3A_475, %cond3A_489, %dma_wait3A_783] : memref<2048x2048x64xf32, #tpu.memory_space<hbm>> -> memref<16x1024x64xf32, #tpu.memory_space<hbm>>
        %dma_wait3A_785 = arith.constant 0 : i32
        %dma_wait3A_786 = arith.constant 0 : i32
        %dma_wait3A_787 = arith.constant 0 : i32
        %dma_wait3A_788 = tpu.memref_slice %arg3[%dma_wait3A_785, %dma_wait3A_786, %dma_wait3A_787] : memref<16x1024x64xf32, #tpu.memory_space<vmem>> -> memref<16x1024x64xf32, #tpu.memory_space<vmem>>
        tpu.wait_dma2 semaphore(%dma_wait3A_782 : memref<!tpu.dma_semaphore, #tpu.memory_space<semaphore_mem>>) src(%dma_wait3A_788 : memref<16x1024x64xf32, #tpu.memory_space<vmem>>) dst(%dma_wait3A_784 : memref<16x1024x64xf32, #tpu.memory_space<hbm>>)
      } else {
      }
      %add3A_492 = arith.constant 0 : i32
      %add3A_493 = arith.constant 1024 : i32
      %add3A_494 = arith.addi %add3A_492, %add3A_493 : i32
      %jit3A_495 = arith.constant 0 : i32
      %select_n3A_496 = arith.select %ne3A_487, %add3A_494, %jit3A_495 : i32
      %and3A_497 = arith.constant 512 : i32
      %and3A_498 = arith.andi %min3A_483, %and3A_497 : i32
      %ne3A_499 = arith.constant 0 : i32
      %ne3A_500 = arith.cmpi ne, %and3A_498, %ne3A_499 : i32
      %convert_element_type3A_501 = arith.extui %ne3A_500 : i1 to i32
      %cond3A_502 = arith.constant 0 : i32
      %cond3A_503 = arith.cmpi ne, %convert_element_type3A_501, %cond3A_502 : i32
      scf.if %cond3A_503 {
        %dma_wait3A = tpu.memref_slice %arg5[%rem3A_473] : memref<4x!tpu.dma_semaphore, #tpu.memory_space<semaphore_mem>> -> memref<1x!tpu.dma_semaphore, #tpu.memory_space<semaphore_mem>>
        %dma_wait3A_782 = tpu.memref_squeeze %dma_wait3A : memref<1x!tpu.dma_semaphore, #tpu.memory_space<semaphore_mem>> -> memref<!tpu.dma_semaphore, #tpu.memory_space<semaphore_mem>>
        %dma_wait3A_783 = arith.constant 0 : i32
        %dma_wait3A_784 = tpu.memref_slice %arg2[%mul3A_475, %select_n3A_496, %dma_wait3A_783] : memref<2048x2048x64xf32, #tpu.memory_space<hbm>> -> memref<16x512x64xf32, #tpu.memory_space<hbm>>
        %dma_wait3A_785 = arith.constant 0 : i32
        %dma_wait3A_786 = arith.constant 0 : i32
        %dma_wait3A_787 = arith.constant 0 : i32
        %dma_wait3A_788 = tpu.memref_slice %arg3[%dma_wait3A_785, %dma_wait3A_786, %dma_wait3A_787] : memref<16x1024x64xf32, #tpu.memory_space<vmem>> -> memref<16x512x64xf32, #tpu.memory_space<vmem>>
        tpu.wait_dma2 semaphore(%dma_wait3A_782 : memref<!tpu.dma_semaphore, #tpu.memory_space<semaphore_mem>>) src(%dma_wait3A_788 : memref<16x512x64xf32, #tpu.memory_space<vmem>>) dst(%dma_wait3A_784 : memref<16x512x64xf32, #tpu.memory_space<hbm>>)
      } else {
      }
      %add3A_504 = arith.constant 512 : i32
      %add3A_505 = arith.addi %select_n3A_496, %add3A_504 : i32
      %select_n3A_506 = arith.select %ne3A_500, %add3A_505, %select_n3A_496 : i32
      %and3A_507 = arith.constant 256 : i32
      %and3A_508 = arith.andi %min3A_483, %and3A_507 : i32
      %ne3A_509 = arith.constant 0 : i32
      %ne3A_510 = arith.cmpi ne, %and3A_508, %ne3A_509 : i32
      %convert_element_type3A_511 = arith.extui %ne3A_510 : i1 to i32
      %cond3A_512 = arith.constant 0 : i32
      %cond3A_513 = arith.cmpi ne, %convert_element_type3A_511, %cond3A_512 : i32
      scf.if %cond3A_513 {
        %dma_wait3A = tpu.memref_slice %arg5[%rem3A_473] : memref<4x!tpu.dma_semaphore, #tpu.memory_space<semaphore_mem>> -> memref<1x!tpu.dma_semaphore, #tpu.memory_space<semaphore_mem>>
        %dma_wait3A_782 = tpu.memref_squeeze %dma_wait3A : memref<1x!tpu.dma_semaphore, #tpu.memory_space<semaphore_mem>> -> memref<!tpu.dma_semaphore, #tpu.memory_space<semaphore_mem>>
        %dma_wait3A_783 = arith.constant 0 : i32
        %dma_wait3A_784 = tpu.memref_slice %arg2[%mul3A_475, %select_n3A_506, %dma_wait3A_783] : memref<2048x2048x64xf32, #tpu.memory_space<hbm>> -> memref<16x256x64xf32, #tpu.memory_space<hbm>>
        %dma_wait3A_785 = arith.constant 0 : i32
        %dma_wait3A_786 = arith.constant 0 : i32
        %dma_wait3A_787 = arith.constant 0 : i32
        %dma_wait3A_788 = tpu.memref_slice %arg3[%dma_wait3A_785, %dma_wait3A_786, %dma_wait3A_787] : memref<16x1024x64xf32, #tpu.memory_space<vmem>> -> memref<16x256x64xf32, #tpu.memory_space<vmem>>
        tpu.wait_dma2 semaphore(%dma_wait3A_782 : memref<!tpu.dma_semaphore, #tpu.memory_space<semaphore_mem>>) src(%dma_wait3A_788 : memref<16x256x64xf32, #tpu.memory_space<vmem>>) dst(%dma_wait3A_784 : memref<16x256x64xf32, #tpu.memory_space<hbm>>)
      } else {
      }
      %add3A_514 = arith.constant 256 : i32
      %add3A_515 = arith.addi %select_n3A_506, %add3A_514 : i32
      %select_n3A_516 = arith.select %ne3A_510, %add3A_515, %select_n3A_506 : i32
      %and3A_517 = arith.constant 128 : i32
      %and3A_518 = arith.andi %min3A_483, %and3A_517 : i32
      %ne3A_519 = arith.constant 0 : i32
      %ne3A_520 = arith.cmpi ne, %and3A_518, %ne3A_519 : i32
      %convert_element_type3A_521 = arith.extui %ne3A_520 : i1 to i32
      %cond3A_522 = arith.constant 0 : i32
      %cond3A_523 = arith.cmpi ne, %convert_element_type3A_521, %cond3A_522 : i32
      scf.if %cond3A_523 {
        %dma_wait3A = tpu.memref_slice %arg5[%rem3A_473] : memref<4x!tpu.dma_semaphore, #tpu.memory_space<semaphore_mem>> -> memref<1x!tpu.dma_semaphore, #tpu.memory_space<semaphore_mem>>
        %dma_wait3A_782 = tpu.memref_squeeze %dma_wait3A : memref<1x!tpu.dma_semaphore, #tpu.memory_space<semaphore_mem>> -> memref<!tpu.dma_semaphore, #tpu.memory_space<semaphore_mem>>
        %dma_wait3A_783 = arith.constant 0 : i32
        %dma_wait3A_784 = tpu.memref_slice %arg2[%mul3A_475, %select_n3A_516, %dma_wait3A_783] : memref<2048x2048x64xf32, #tpu.memory_space<hbm>> -> memref<16x128x64xf32, #tpu.memory_space<hbm>>
        %dma_wait3A_785 = arith.constant 0 : i32
        %dma_wait3A_786 = arith.constant 0 : i32
        %dma_wait3A_787 = arith.constant 0 : i32
        %dma_wait3A_788 = tpu.memref_slice %arg3[%dma_wait3A_785, %dma_wait3A_786, %dma_wait3A_787] : memref<16x1024x64xf32, #tpu.memory_space<vmem>> -> memref<16x128x64xf32, #tpu.memory_space<vmem>>
        tpu.wait_dma2 semaphore(%dma_wait3A_782 : memref<!tpu.dma_semaphore, #tpu.memory_space<semaphore_mem>>) src(%dma_wait3A_788 : memref<16x128x64xf32, #tpu.memory_space<vmem>>) dst(%dma_wait3A_784 : memref<16x128x64xf32, #tpu.memory_space<hbm>>)
      } else {
      }
      %add3A_524 = arith.constant 128 : i32
      %add3A_525 = arith.addi %select_n3A_516, %add3A_524 : i32
      %select_n3A_526 = arith.select %ne3A_520, %add3A_525, %select_n3A_516 : i32
      %and3A_527 = arith.constant 64 : i32
      %and3A_528 = arith.andi %min3A_483, %and3A_527 : i32
      %ne3A_529 = arith.constant 0 : i32
      %ne3A_530 = arith.cmpi ne, %and3A_528, %ne3A_529 : i32
      %convert_element_type3A_531 = arith.extui %ne3A_530 : i1 to i32
      %cond3A_532 = arith.constant 0 : i32
      %cond3A_533 = arith.cmpi ne, %convert_element_type3A_531, %cond3A_532 : i32
      scf.if %cond3A_533 {
        %dma_wait3A = tpu.memref_slice %arg5[%rem3A_473] : memref<4x!tpu.dma_semaphore, #tpu.memory_space<semaphore_mem>> -> memref<1x!tpu.dma_semaphore, #tpu.memory_space<semaphore_mem>>
        %dma_wait3A_782 = tpu.memref_squeeze %dma_wait3A : memref<1x!tpu.dma_semaphore, #tpu.memory_space<semaphore_mem>> -> memref<!tpu.dma_semaphore, #tpu.memory_space<semaphore_mem>>
        %dma_wait3A_783 = arith.constant 0 : i32
        %dma_wait3A_784 = tpu.memref_slice %arg2[%mul3A_475, %select_n3A_526, %dma_wait3A_783] : memref<2048x2048x64xf32, #tpu.memory_space<hbm>> -> memref<16x64x64xf32, #tpu.memory_space<hbm>>
        %dma_wait3A_785 = arith.constant 0 : i32
        %dma_wait3A_786 = arith.constant 0 : i32
        %dma_wait3A_787 = arith.constant 0 : i32
        %dma_wait3A_788 = tpu.memref_slice %arg3[%dma_wait3A_785, %dma_wait3A_786, %dma_wait3A_787] : memref<16x1024x64xf32, #tpu.memory_space<vmem>> -> memref<16x64x64xf32, #tpu.memory_space<vmem>>
        tpu.wait_dma2 semaphore(%dma_wait3A_782 : memref<!tpu.dma_semaphore, #tpu.memory_space<semaphore_mem>>) src(%dma_wait3A_788 : memref<16x64x64xf32, #tpu.memory_space<vmem>>) dst(%dma_wait3A_784 : memref<16x64x64xf32, #tpu.memory_space<hbm>>)
      } else {
      }
      %add3A_534 = arith.constant 64 : i32
      %add3A_535 = arith.addi %select_n3A_526, %add3A_534 : i32
      %select_n3A_536 = arith.select %ne3A_530, %add3A_535, %select_n3A_526 : i32
      %and3A_537 = arith.constant 32 : i32
      %and3A_538 = arith.andi %min3A_483, %and3A_537 : i32
      %ne3A_539 = arith.constant 0 : i32
      %ne3A_540 = arith.cmpi ne, %and3A_538, %ne3A_539 : i32
      %convert_element_type3A_541 = arith.extui %ne3A_540 : i1 to i32
      %cond3A_542 = arith.constant 0 : i32
      %cond3A_543 = arith.cmpi ne, %convert_element_type3A_541, %cond3A_542 : i32
      scf.if %cond3A_543 {
        %dma_wait3A = tpu.memref_slice %arg5[%rem3A_473] : memref<4x!tpu.dma_semaphore, #tpu.memory_space<semaphore_mem>> -> memref<1x!tpu.dma_semaphore, #tpu.memory_space<semaphore_mem>>
        %dma_wait3A_782 = tpu.memref_squeeze %dma_wait3A : memref<1x!tpu.dma_semaphore, #tpu.memory_space<semaphore_mem>> -> memref<!tpu.dma_semaphore, #tpu.memory_space<semaphore_mem>>
        %dma_wait3A_783 = arith.constant 0 : i32
        %dma_wait3A_784 = tpu.memref_slice %arg2[%mul3A_475, %select_n3A_536, %dma_wait3A_783] : memref<2048x2048x64xf32, #tpu.memory_space<hbm>> -> memref<16x32x64xf32, #tpu.memory_space<hbm>>
        %dma_wait3A_785 = arith.constant 0 : i32
        %dma_wait3A_786 = arith.constant 0 : i32
        %dma_wait3A_787 = arith.constant 0 : i32
        %dma_wait3A_788 = tpu.memref_slice %arg3[%dma_wait3A_785, %dma_wait3A_786, %dma_wait3A_787] : memref<16x1024x64xf32, #tpu.memory_space<vmem>> -> memref<16x32x64xf32, #tpu.memory_space<vmem>>
        tpu.wait_dma2 semaphore(%dma_wait3A_782 : memref<!tpu.dma_semaphore, #tpu.memory_space<semaphore_mem>>) src(%dma_wait3A_788 : memref<16x32x64xf32, #tpu.memory_space<vmem>>) dst(%dma_wait3A_784 : memref<16x32x64xf32, #tpu.memory_space<hbm>>)
      } else {
      }
      %add3A_544 = arith.constant 32 : i32
      %add3A_545 = arith.addi %select_n3A_536, %add3A_544 : i32
      %select_n3A_546 = arith.select %ne3A_540, %add3A_545, %select_n3A_536 : i32
      %and3A_547 = arith.constant 16 : i32
      %and3A_548 = arith.andi %min3A_483, %and3A_547 : i32
      %ne3A_549 = arith.constant 0 : i32
      %ne3A_550 = arith.cmpi ne, %and3A_548, %ne3A_549 : i32
      %convert_element_type3A_551 = arith.extui %ne3A_550 : i1 to i32
      %cond3A_552 = arith.constant 0 : i32
      %cond3A_553 = arith.cmpi ne, %convert_element_type3A_551, %cond3A_552 : i32
      scf.if %cond3A_553 {
        %dma_wait3A = tpu.memref_slice %arg5[%rem3A_473] : memref<4x!tpu.dma_semaphore, #tpu.memory_space<semaphore_mem>> -> memref<1x!tpu.dma_semaphore, #tpu.memory_space<semaphore_mem>>
        %dma_wait3A_782 = tpu.memref_squeeze %dma_wait3A : memref<1x!tpu.dma_semaphore, #tpu.memory_space<semaphore_mem>> -> memref<!tpu.dma_semaphore, #tpu.memory_space<semaphore_mem>>
        %dma_wait3A_783 = arith.constant 0 : i32
        %dma_wait3A_784 = tpu.memref_slice %arg2[%mul3A_475, %select_n3A_546, %dma_wait3A_783] : memref<2048x2048x64xf32, #tpu.memory_space<hbm>> -> memref<16x16x64xf32, #tpu.memory_space<hbm>>
        %dma_wait3A_785 = arith.constant 0 : i32
        %dma_wait3A_786 = arith.constant 0 : i32
        %dma_wait3A_787 = arith.constant 0 : i32
        %dma_wait3A_788 = tpu.memref_slice %arg3[%dma_wait3A_785, %dma_wait3A_786, %dma_wait3A_787] : memref<16x1024x64xf32, #tpu.memory_space<vmem>> -> memref<16x16x64xf32, #tpu.memory_space<vmem>>
        tpu.wait_dma2 semaphore(%dma_wait3A_782 : memref<!tpu.dma_semaphore, #tpu.memory_space<semaphore_mem>>) src(%dma_wait3A_788 : memref<16x16x64xf32, #tpu.memory_space<vmem>>) dst(%dma_wait3A_784 : memref<16x16x64xf32, #tpu.memory_space<hbm>>)
      } else {
      }
      %add3A_554 = arith.constant 272 : i32
      %add3A_555 = arith.addi %min3A_483, %add3A_554 : i32
      %sub3A_556 = arith.constant 2048 : i32
      %sub3A_557 = arith.subi %sub3A_556, %add3A_555 : i32
      %and3A_558 = arith.constant 1024 : i32
      %and3A_559 = arith.andi %sub3A_557, %and3A_558 : i32
      %ne3A_560 = arith.constant 0 : i32
      %ne3A_561 = arith.cmpi ne, %and3A_559, %ne3A_560 : i32
      %convert_element_type3A_562 = arith.extui %ne3A_561 : i1 to i32
      %cond3A_563 = arith.constant 0 : i32
      %cond3A_564 = arith.cmpi ne, %convert_element_type3A_562, %cond3A_563 : i32
      scf.if %cond3A_564 {
        %dma_wait3A = tpu.memref_slice %arg5[%rem3A_473] : memref<4x!tpu.dma_semaphore, #tpu.memory_space<semaphore_mem>> -> memref<1x!tpu.dma_semaphore, #tpu.memory_space<semaphore_mem>>
        %dma_wait3A_782 = tpu.memref_squeeze %dma_wait3A : memref<1x!tpu.dma_semaphore, #tpu.memory_space<semaphore_mem>> -> memref<!tpu.dma_semaphore, #tpu.memory_space<semaphore_mem>>
        %dma_wait3A_783 = arith.constant 0 : i32
        %dma_wait3A_784 = tpu.memref_slice %arg2[%mul3A_475, %add3A_555, %dma_wait3A_783] : memref<2048x2048x64xf32, #tpu.memory_space<hbm>> -> memref<16x1024x64xf32, #tpu.memory_space<hbm>>
        %dma_wait3A_785 = arith.constant 0 : i32
        %dma_wait3A_786 = arith.constant 0 : i32
        %dma_wait3A_787 = arith.constant 0 : i32
        %dma_wait3A_788 = tpu.memref_slice %arg4[%dma_wait3A_785, %dma_wait3A_786, %dma_wait3A_787] : memref<16x1024x64xf32, #tpu.memory_space<vmem>> -> memref<16x1024x64xf32, #tpu.memory_space<vmem>>
        tpu.wait_dma2 semaphore(%dma_wait3A_782 : memref<!tpu.dma_semaphore, #tpu.memory_space<semaphore_mem>>) src(%dma_wait3A_788 : memref<16x1024x64xf32, #tpu.memory_space<vmem>>) dst(%dma_wait3A_784 : memref<16x1024x64xf32, #tpu.memory_space<hbm>>)
      } else {
      }
      %add3A_565 = arith.constant 1024 : i32
      %add3A_566 = arith.addi %add3A_555, %add3A_565 : i32
      %select_n3A_567 = arith.select %ne3A_561, %add3A_566, %add3A_555 : i32
      %and3A_568 = arith.constant 512 : i32
      %and3A_569 = arith.andi %sub3A_557, %and3A_568 : i32
      %ne3A_570 = arith.constant 0 : i32
      %ne3A_571 = arith.cmpi ne, %and3A_569, %ne3A_570 : i32
      %convert_element_type3A_572 = arith.extui %ne3A_571 : i1 to i32
      %cond3A_573 = arith.constant 0 : i32
      %cond3A_574 = arith.cmpi ne, %convert_element_type3A_572, %cond3A_573 : i32
      scf.if %cond3A_574 {
        %dma_wait3A = tpu.memref_slice %arg5[%rem3A_473] : memref<4x!tpu.dma_semaphore, #tpu.memory_space<semaphore_mem>> -> memref<1x!tpu.dma_semaphore, #tpu.memory_space<semaphore_mem>>
        %dma_wait3A_782 = tpu.memref_squeeze %dma_wait3A : memref<1x!tpu.dma_semaphore, #tpu.memory_space<semaphore_mem>> -> memref<!tpu.dma_semaphore, #tpu.memory_space<semaphore_mem>>
        %dma_wait3A_783 = arith.constant 0 : i32
        %dma_wait3A_784 = tpu.memref_slice %arg2[%mul3A_475, %select_n3A_567, %dma_wait3A_783] : memref<2048x2048x64xf32, #tpu.memory_space<hbm>> -> memref<16x512x64xf32, #tpu.memory_space<hbm>>
        %dma_wait3A_785 = arith.constant 0 : i32
        %dma_wait3A_786 = arith.constant 0 : i32
        %dma_wait3A_787 = arith.constant 0 : i32
        %dma_wait3A_788 = tpu.memref_slice %arg4[%dma_wait3A_785, %dma_wait3A_786, %dma_wait3A_787] : memref<16x1024x64xf32, #tpu.memory_space<vmem>> -> memref<16x512x64xf32, #tpu.memory_space<vmem>>
        tpu.wait_dma2 semaphore(%dma_wait3A_782 : memref<!tpu.dma_semaphore, #tpu.memory_space<semaphore_mem>>) src(%dma_wait3A_788 : memref<16x512x64xf32, #tpu.memory_space<vmem>>) dst(%dma_wait3A_784 : memref<16x512x64xf32, #tpu.memory_space<hbm>>)
      } else {
      }
      %add3A_575 = arith.constant 512 : i32
      %add3A_576 = arith.addi %select_n3A_567, %add3A_575 : i32
      %select_n3A_577 = arith.select %ne3A_571, %add3A_576, %select_n3A_567 : i32
      %and3A_578 = arith.constant 256 : i32
      %and3A_579 = arith.andi %sub3A_557, %and3A_578 : i32
      %ne3A_580 = arith.constant 0 : i32
      %ne3A_581 = arith.cmpi ne, %and3A_579, %ne3A_580 : i32
      %convert_element_type3A_582 = arith.extui %ne3A_581 : i1 to i32
      %cond3A_583 = arith.constant 0 : i32
      %cond3A_584 = arith.cmpi ne, %convert_element_type3A_582, %cond3A_583 : i32
      scf.if %cond3A_584 {
        %dma_wait3A = tpu.memref_slice %arg5[%rem3A_473] : memref<4x!tpu.dma_semaphore, #tpu.memory_space<semaphore_mem>> -> memref<1x!tpu.dma_semaphore, #tpu.memory_space<semaphore_mem>>
        %dma_wait3A_782 = tpu.memref_squeeze %dma_wait3A : memref<1x!tpu.dma_semaphore, #tpu.memory_space<semaphore_mem>> -> memref<!tpu.dma_semaphore, #tpu.memory_space<semaphore_mem>>
        %dma_wait3A_783 = arith.constant 0 : i32
        %dma_wait3A_784 = tpu.memref_slice %arg2[%mul3A_475, %select_n3A_577, %dma_wait3A_783] : memref<2048x2048x64xf32, #tpu.memory_space<hbm>> -> memref<16x256x64xf32, #tpu.memory_space<hbm>>
        %dma_wait3A_785 = arith.constant 0 : i32
        %dma_wait3A_786 = arith.constant 0 : i32
        %dma_wait3A_787 = arith.constant 0 : i32
        %dma_wait3A_788 = tpu.memref_slice %arg4[%dma_wait3A_785, %dma_wait3A_786, %dma_wait3A_787] : memref<16x1024x64xf32, #tpu.memory_space<vmem>> -> memref<16x256x64xf32, #tpu.memory_space<vmem>>
        tpu.wait_dma2 semaphore(%dma_wait3A_782 : memref<!tpu.dma_semaphore, #tpu.memory_space<semaphore_mem>>) src(%dma_wait3A_788 : memref<16x256x64xf32, #tpu.memory_space<vmem>>) dst(%dma_wait3A_784 : memref<16x256x64xf32, #tpu.memory_space<hbm>>)
      } else {
      }
      %add3A_585 = arith.constant 256 : i32
      %add3A_586 = arith.addi %select_n3A_577, %add3A_585 : i32
      %select_n3A_587 = arith.select %ne3A_581, %add3A_586, %select_n3A_577 : i32
      %and3A_588 = arith.constant 128 : i32
      %and3A_589 = arith.andi %sub3A_557, %and3A_588 : i32
      %ne3A_590 = arith.constant 0 : i32
      %ne3A_591 = arith.cmpi ne, %and3A_589, %ne3A_590 : i32
      %convert_element_type3A_592 = arith.extui %ne3A_591 : i1 to i32
      %cond3A_593 = arith.constant 0 : i32
      %cond3A_594 = arith.cmpi ne, %convert_element_type3A_592, %cond3A_593 : i32
      scf.if %cond3A_594 {
        %dma_wait3A = tpu.memref_slice %arg5[%rem3A_473] : memref<4x!tpu.dma_semaphore, #tpu.memory_space<semaphore_mem>> -> memref<1x!tpu.dma_semaphore, #tpu.memory_space<semaphore_mem>>
        %dma_wait3A_782 = tpu.memref_squeeze %dma_wait3A : memref<1x!tpu.dma_semaphore, #tpu.memory_space<semaphore_mem>> -> memref<!tpu.dma_semaphore, #tpu.memory_space<semaphore_mem>>
        %dma_wait3A_783 = arith.constant 0 : i32
        %dma_wait3A_784 = tpu.memref_slice %arg2[%mul3A_475, %select_n3A_587, %dma_wait3A_783] : memref<2048x2048x64xf32, #tpu.memory_space<hbm>> -> memref<16x128x64xf32, #tpu.memory_space<hbm>>
        %dma_wait3A_785 = arith.constant 0 : i32
        %dma_wait3A_786 = arith.constant 0 : i32
        %dma_wait3A_787 = arith.constant 0 : i32
        %dma_wait3A_788 = tpu.memref_slice %arg4[%dma_wait3A_785, %dma_wait3A_786, %dma_wait3A_787] : memref<16x1024x64xf32, #tpu.memory_space<vmem>> -> memref<16x128x64xf32, #tpu.memory_space<vmem>>
        tpu.wait_dma2 semaphore(%dma_wait3A_782 : memref<!tpu.dma_semaphore, #tpu.memory_space<semaphore_mem>>) src(%dma_wait3A_788 : memref<16x128x64xf32, #tpu.memory_space<vmem>>) dst(%dma_wait3A_784 : memref<16x128x64xf32, #tpu.memory_space<hbm>>)
      } else {
      }
      %add3A_595 = arith.constant 128 : i32
      %add3A_596 = arith.addi %select_n3A_587, %add3A_595 : i32
      %select_n3A_597 = arith.select %ne3A_591, %add3A_596, %select_n3A_587 : i32
      %and3A_598 = arith.constant 64 : i32
      %and3A_599 = arith.andi %sub3A_557, %and3A_598 : i32
      %ne3A_600 = arith.constant 0 : i32
      %ne3A_601 = arith.cmpi ne, %and3A_599, %ne3A_600 : i32
      %convert_element_type3A_602 = arith.extui %ne3A_601 : i1 to i32
      %cond3A_603 = arith.constant 0 : i32
      %cond3A_604 = arith.cmpi ne, %convert_element_type3A_602, %cond3A_603 : i32
      scf.if %cond3A_604 {
        %dma_wait3A = tpu.memref_slice %arg5[%rem3A_473] : memref<4x!tpu.dma_semaphore, #tpu.memory_space<semaphore_mem>> -> memref<1x!tpu.dma_semaphore, #tpu.memory_space<semaphore_mem>>
        %dma_wait3A_782 = tpu.memref_squeeze %dma_wait3A : memref<1x!tpu.dma_semaphore, #tpu.memory_space<semaphore_mem>> -> memref<!tpu.dma_semaphore, #tpu.memory_space<semaphore_mem>>
        %dma_wait3A_783 = arith.constant 0 : i32
        %dma_wait3A_784 = tpu.memref_slice %arg2[%mul3A_475, %select_n3A_597, %dma_wait3A_783] : memref<2048x2048x64xf32, #tpu.memory_space<hbm>> -> memref<16x64x64xf32, #tpu.memory_space<hbm>>
        %dma_wait3A_785 = arith.constant 0 : i32
        %dma_wait3A_786 = arith.constant 0 : i32
        %dma_wait3A_787 = arith.constant 0 : i32
        %dma_wait3A_788 = tpu.memref_slice %arg4[%dma_wait3A_785, %dma_wait3A_786, %dma_wait3A_787] : memref<16x1024x64xf32, #tpu.memory_space<vmem>> -> memref<16x64x64xf32, #tpu.memory_space<vmem>>
        tpu.wait_dma2 semaphore(%dma_wait3A_782 : memref<!tpu.dma_semaphore, #tpu.memory_space<semaphore_mem>>) src(%dma_wait3A_788 : memref<16x64x64xf32, #tpu.memory_space<vmem>>) dst(%dma_wait3A_784 : memref<16x64x64xf32, #tpu.memory_space<hbm>>)
      } else {
      }
      %add3A_605 = arith.constant 64 : i32
      %add3A_606 = arith.addi %select_n3A_597, %add3A_605 : i32
      %select_n3A_607 = arith.select %ne3A_601, %add3A_606, %select_n3A_597 : i32
      %and3A_608 = arith.constant 32 : i32
      %and3A_609 = arith.andi %sub3A_557, %and3A_608 : i32
      %ne3A_610 = arith.constant 0 : i32
      %ne3A_611 = arith.cmpi ne, %and3A_609, %ne3A_610 : i32
      %convert_element_type3A_612 = arith.extui %ne3A_611 : i1 to i32
      %cond3A_613 = arith.constant 0 : i32
      %cond3A_614 = arith.cmpi ne, %convert_element_type3A_612, %cond3A_613 : i32
      scf.if %cond3A_614 {
        %dma_wait3A = tpu.memref_slice %arg5[%rem3A_473] : memref<4x!tpu.dma_semaphore, #tpu.memory_space<semaphore_mem>> -> memref<1x!tpu.dma_semaphore, #tpu.memory_space<semaphore_mem>>
        %dma_wait3A_782 = tpu.memref_squeeze %dma_wait3A : memref<1x!tpu.dma_semaphore, #tpu.memory_space<semaphore_mem>> -> memref<!tpu.dma_semaphore, #tpu.memory_space<semaphore_mem>>
        %dma_wait3A_783 = arith.constant 0 : i32
        %dma_wait3A_784 = tpu.memref_slice %arg2[%mul3A_475, %select_n3A_607, %dma_wait3A_783] : memref<2048x2048x64xf32, #tpu.memory_space<hbm>> -> memref<16x32x64xf32, #tpu.memory_space<hbm>>
        %dma_wait3A_785 = arith.constant 0 : i32
        %dma_wait3A_786 = arith.constant 0 : i32
        %dma_wait3A_787 = arith.constant 0 : i32
        %dma_wait3A_788 = tpu.memref_slice %arg4[%dma_wait3A_785, %dma_wait3A_786, %dma_wait3A_787] : memref<16x1024x64xf32, #tpu.memory_space<vmem>> -> memref<16x32x64xf32, #tpu.memory_space<vmem>>
        tpu.wait_dma2 semaphore(%dma_wait3A_782 : memref<!tpu.dma_semaphore, #tpu.memory_space<semaphore_mem>>) src(%dma_wait3A_788 : memref<16x32x64xf32, #tpu.memory_space<vmem>>) dst(%dma_wait3A_784 : memref<16x32x64xf32, #tpu.memory_space<hbm>>)
      } else {
      }
      %add3A_615 = arith.constant 32 : i32
      %add3A_616 = arith.addi %select_n3A_607, %add3A_615 : i32
      %select_n3A_617 = arith.select %ne3A_611, %add3A_616, %select_n3A_607 : i32
      %and3A_618 = arith.constant 16 : i32
      %and3A_619 = arith.andi %sub3A_557, %and3A_618 : i32
      %ne3A_620 = arith.constant 0 : i32
      %ne3A_621 = arith.cmpi ne, %and3A_619, %ne3A_620 : i32
      %convert_element_type3A_622 = arith.extui %ne3A_621 : i1 to i32
      %cond3A_623 = arith.constant 0 : i32
      %cond3A_624 = arith.cmpi ne, %convert_element_type3A_622, %cond3A_623 : i32
      scf.if %cond3A_624 {
        %dma_wait3A = tpu.memref_slice %arg5[%rem3A_473] : memref<4x!tpu.dma_semaphore, #tpu.memory_space<semaphore_mem>> -> memref<1x!tpu.dma_semaphore, #tpu.memory_space<semaphore_mem>>
        %dma_wait3A_782 = tpu.memref_squeeze %dma_wait3A : memref<1x!tpu.dma_semaphore, #tpu.memory_space<semaphore_mem>> -> memref<!tpu.dma_semaphore, #tpu.memory_space<semaphore_mem>>
        %dma_wait3A_783 = arith.constant 0 : i32
        %dma_wait3A_784 = tpu.memref_slice %arg2[%mul3A_475, %select_n3A_617, %dma_wait3A_783] : memref<2048x2048x64xf32, #tpu.memory_space<hbm>> -> memref<16x16x64xf32, #tpu.memory_space<hbm>>
        %dma_wait3A_785 = arith.constant 0 : i32
        %dma_wait3A_786 = arith.constant 0 : i32
        %dma_wait3A_787 = arith.constant 0 : i32
        %dma_wait3A_788 = tpu.memref_slice %arg4[%dma_wait3A_785, %dma_wait3A_786, %dma_wait3A_787] : memref<16x1024x64xf32, #tpu.memory_space<vmem>> -> memref<16x16x64xf32, #tpu.memory_space<vmem>>
        tpu.wait_dma2 semaphore(%dma_wait3A_782 : memref<!tpu.dma_semaphore, #tpu.memory_space<semaphore_mem>>) src(%dma_wait3A_788 : memref<16x16x64xf32, #tpu.memory_space<vmem>>) dst(%dma_wait3A_784 : memref<16x16x64xf32, #tpu.memory_space<hbm>>)
      } else {
      }
      %sub3A_625 = arith.constant 0 : i32
      %sub3A_626 = arith.subi %arg0, %sub3A_625 : i32
      %sub3A_627 = arith.constant 0 : i32
      %sub3A_628 = arith.subi %arg0, %sub3A_627 : i32
      %rem3A_629 = arith.constant 4 : i32
      %rem3A_630 = arith.remsi %sub3A_628, %rem3A_629 : i32
      %mul3A_631 = arith.constant 16 : i32
      %mul3A_632 = arith.muli %mul3A_631, %sub3A_626 : i32
      %mul3A_633 = arith.constant 16 : i32
      %mul3A_634 = arith.muli %mul3A_633, %sub3A_626 : i32
      %sub3A_635 = arith.constant 128 : i32
      %sub3A_636 = arith.subi %mul3A_634, %sub3A_635 : i32
      %jit3A_637 = arith.constant 0 : i32
      %jit3A_638 = arith.constant 1776 : i32
      %max3A_639 = arith.maxsi %jit3A_637, %sub3A_636 : i32
      %min3A_640 = arith.minsi %jit3A_638, %max3A_639 : i32
      %and3A_641 = arith.constant 1024 : i32
      %and3A_642 = arith.andi %min3A_640, %and3A_641 : i32
      %ne3A_643 = arith.constant 0 : i32
      %ne3A_644 = arith.cmpi ne, %and3A_642, %ne3A_643 : i32
      %convert_element_type3A_645 = arith.extui %ne3A_644 : i1 to i32
      %cond3A_646 = arith.constant 0 : i32
      %cond3A_647 = arith.constant 0 : i32
      %cond3A_648 = arith.cmpi ne, %convert_element_type3A_645, %cond3A_647 : i32
      scf.if %cond3A_648 {
        %dma_wait3A = tpu.memref_slice %arg5[%rem3A_630] : memref<4x!tpu.dma_semaphore, #tpu.memory_space<semaphore_mem>> -> memref<1x!tpu.dma_semaphore, #tpu.memory_space<semaphore_mem>>
        %dma_wait3A_782 = tpu.memref_squeeze %dma_wait3A : memref<1x!tpu.dma_semaphore, #tpu.memory_space<semaphore_mem>> -> memref<!tpu.dma_semaphore, #tpu.memory_space<semaphore_mem>>
        %dma_wait3A_783 = arith.constant 0 : i32
        %dma_wait3A_784 = tpu.memref_slice %arg2[%mul3A_632, %cond3A_646, %dma_wait3A_783] : memref<2048x2048x64xf32, #tpu.memory_space<hbm>> -> memref<16x1024x64xf32, #tpu.memory_space<hbm>>
        %dma_wait3A_785 = arith.constant 0 : i32
        %dma_wait3A_786 = arith.constant 0 : i32
        %dma_wait3A_787 = arith.constant 0 : i32
        %dma_wait3A_788 = tpu.memref_slice %arg3[%dma_wait3A_785, %dma_wait3A_786, %dma_wait3A_787] : memref<16x1024x64xf32, #tpu.memory_space<vmem>> -> memref<16x1024x64xf32, #tpu.memory_space<vmem>>
        tpu.wait_dma2 semaphore(%dma_wait3A_782 : memref<!tpu.dma_semaphore, #tpu.memory_space<semaphore_mem>>) src(%dma_wait3A_788 : memref<16x1024x64xf32, #tpu.memory_space<vmem>>) dst(%dma_wait3A_784 : memref<16x1024x64xf32, #tpu.memory_space<hbm>>)
      } else {
      }
      %add3A_649 = arith.constant 0 : i32
      %add3A_650 = arith.constant 1024 : i32
      %add3A_651 = arith.addi %add3A_649, %add3A_650 : i32
      %jit3A_652 = arith.constant 0 : i32
      %select_n3A_653 = arith.select %ne3A_644, %add3A_651, %jit3A_652 : i32
      %and3A_654 = arith.constant 512 : i32
      %and3A_655 = arith.andi %min3A_640, %and3A_654 : i32
      %ne3A_656 = arith.constant 0 : i32
      %ne3A_657 = arith.cmpi ne, %and3A_655, %ne3A_656 : i32
      %convert_element_type3A_658 = arith.extui %ne3A_657 : i1 to i32
      %cond3A_659 = arith.constant 0 : i32
      %cond3A_660 = arith.cmpi ne, %convert_element_type3A_658, %cond3A_659 : i32
      scf.if %cond3A_660 {
        %dma_wait3A = tpu.memref_slice %arg5[%rem3A_630] : memref<4x!tpu.dma_semaphore, #tpu.memory_space<semaphore_mem>> -> memref<1x!tpu.dma_semaphore, #tpu.memory_space<semaphore_mem>>
        %dma_wait3A_782 = tpu.memref_squeeze %dma_wait3A : memref<1x!tpu.dma_semaphore, #tpu.memory_space<semaphore_mem>> -> memref<!tpu.dma_semaphore, #tpu.memory_space<semaphore_mem>>
        %dma_wait3A_783 = arith.constant 0 : i32
        %dma_wait3A_784 = tpu.memref_slice %arg2[%mul3A_632, %select_n3A_653, %dma_wait3A_783] : memref<2048x2048x64xf32, #tpu.memory_space<hbm>> -> memref<16x512x64xf32, #tpu.memory_space<hbm>>
        %dma_wait3A_785 = arith.constant 0 : i32
        %dma_wait3A_786 = arith.constant 0 : i32
        %dma_wait3A_787 = arith.constant 0 : i32
        %dma_wait3A_788 = tpu.memref_slice %arg3[%dma_wait3A_785, %dma_wait3A_786, %dma_wait3A_787] : memref<16x1024x64xf32, #tpu.memory_space<vmem>> -> memref<16x512x64xf32, #tpu.memory_space<vmem>>
        tpu.wait_dma2 semaphore(%dma_wait3A_782 : memref<!tpu.dma_semaphore, #tpu.memory_space<semaphore_mem>>) src(%dma_wait3A_788 : memref<16x512x64xf32, #tpu.memory_space<vmem>>) dst(%dma_wait3A_784 : memref<16x512x64xf32, #tpu.memory_space<hbm>>)
      } else {
      }
      %add3A_661 = arith.constant 512 : i32
      %add3A_662 = arith.addi %select_n3A_653, %add3A_661 : i32
      %select_n3A_663 = arith.select %ne3A_657, %add3A_662, %select_n3A_653 : i32
      %and3A_664 = arith.constant 256 : i32
      %and3A_665 = arith.andi %min3A_640, %and3A_664 : i32
      %ne3A_666 = arith.constant 0 : i32
      %ne3A_667 = arith.cmpi ne, %and3A_665, %ne3A_666 : i32
      %convert_element_type3A_668 = arith.extui %ne3A_667 : i1 to i32
      %cond3A_669 = arith.constant 0 : i32
      %cond3A_670 = arith.cmpi ne, %convert_element_type3A_668, %cond3A_669 : i32
      scf.if %cond3A_670 {
        %dma_wait3A = tpu.memref_slice %arg5[%rem3A_630] : memref<4x!tpu.dma_semaphore, #tpu.memory_space<semaphore_mem>> -> memref<1x!tpu.dma_semaphore, #tpu.memory_space<semaphore_mem>>
        %dma_wait3A_782 = tpu.memref_squeeze %dma_wait3A : memref<1x!tpu.dma_semaphore, #tpu.memory_space<semaphore_mem>> -> memref<!tpu.dma_semaphore, #tpu.memory_space<semaphore_mem>>
        %dma_wait3A_783 = arith.constant 0 : i32
        %dma_wait3A_784 = tpu.memref_slice %arg2[%mul3A_632, %select_n3A_663, %dma_wait3A_783] : memref<2048x2048x64xf32, #tpu.memory_space<hbm>> -> memref<16x256x64xf32, #tpu.memory_space<hbm>>
        %dma_wait3A_785 = arith.constant 0 : i32
        %dma_wait3A_786 = arith.constant 0 : i32
        %dma_wait3A_787 = arith.constant 0 : i32
        %dma_wait3A_788 = tpu.memref_slice %arg3[%dma_wait3A_785, %dma_wait3A_786, %dma_wait3A_787] : memref<16x1024x64xf32, #tpu.memory_space<vmem>> -> memref<16x256x64xf32, #tpu.memory_space<vmem>>
        tpu.wait_dma2 semaphore(%dma_wait3A_782 : memref<!tpu.dma_semaphore, #tpu.memory_space<semaphore_mem>>) src(%dma_wait3A_788 : memref<16x256x64xf32, #tpu.memory_space<vmem>>) dst(%dma_wait3A_784 : memref<16x256x64xf32, #tpu.memory_space<hbm>>)
      } else {
      }
      %add3A_671 = arith.constant 256 : i32
      %add3A_672 = arith.addi %select_n3A_663, %add3A_671 : i32
      %select_n3A_673 = arith.select %ne3A_667, %add3A_672, %select_n3A_663 : i32
      %and3A_674 = arith.constant 128 : i32
      %and3A_675 = arith.andi %min3A_640, %and3A_674 : i32
      %ne3A_676 = arith.constant 0 : i32
      %ne3A_677 = arith.cmpi ne, %and3A_675, %ne3A_676 : i32
      %convert_element_type3A_678 = arith.extui %ne3A_677 : i1 to i32
      %cond3A_679 = arith.constant 0 : i32
      %cond3A_680 = arith.cmpi ne, %convert_element_type3A_678, %cond3A_679 : i32
      scf.if %cond3A_680 {
        %dma_wait3A = tpu.memref_slice %arg5[%rem3A_630] : memref<4x!tpu.dma_semaphore, #tpu.memory_space<semaphore_mem>> -> memref<1x!tpu.dma_semaphore, #tpu.memory_space<semaphore_mem>>
        %dma_wait3A_782 = tpu.memref_squeeze %dma_wait3A : memref<1x!tpu.dma_semaphore, #tpu.memory_space<semaphore_mem>> -> memref<!tpu.dma_semaphore, #tpu.memory_space<semaphore_mem>>
        %dma_wait3A_783 = arith.constant 0 : i32
        %dma_wait3A_784 = tpu.memref_slice %arg2[%mul3A_632, %select_n3A_673, %dma_wait3A_783] : memref<2048x2048x64xf32, #tpu.memory_space<hbm>> -> memref<16x128x64xf32, #tpu.memory_space<hbm>>
        %dma_wait3A_785 = arith.constant 0 : i32
        %dma_wait3A_786 = arith.constant 0 : i32
        %dma_wait3A_787 = arith.constant 0 : i32
        %dma_wait3A_788 = tpu.memref_slice %arg3[%dma_wait3A_785, %dma_wait3A_786, %dma_wait3A_787] : memref<16x1024x64xf32, #tpu.memory_space<vmem>> -> memref<16x128x64xf32, #tpu.memory_space<vmem>>
        tpu.wait_dma2 semaphore(%dma_wait3A_782 : memref<!tpu.dma_semaphore, #tpu.memory_space<semaphore_mem>>) src(%dma_wait3A_788 : memref<16x128x64xf32, #tpu.memory_space<vmem>>) dst(%dma_wait3A_784 : memref<16x128x64xf32, #tpu.memory_space<hbm>>)
      } else {
      }
      %add3A_681 = arith.constant 128 : i32
      %add3A_682 = arith.addi %select_n3A_673, %add3A_681 : i32
      %select_n3A_683 = arith.select %ne3A_677, %add3A_682, %select_n3A_673 : i32
      %and3A_684 = arith.constant 64 : i32
      %and3A_685 = arith.andi %min3A_640, %and3A_684 : i32
      %ne3A_686 = arith.constant 0 : i32
      %ne3A_687 = arith.cmpi ne, %and3A_685, %ne3A_686 : i32
      %convert_element_type3A_688 = arith.extui %ne3A_687 : i1 to i32
      %cond3A_689 = arith.constant 0 : i32
      %cond3A_690 = arith.cmpi ne, %convert_element_type3A_688, %cond3A_689 : i32
      scf.if %cond3A_690 {
        %dma_wait3A = tpu.memref_slice %arg5[%rem3A_630] : memref<4x!tpu.dma_semaphore, #tpu.memory_space<semaphore_mem>> -> memref<1x!tpu.dma_semaphore, #tpu.memory_space<semaphore_mem>>
        %dma_wait3A_782 = tpu.memref_squeeze %dma_wait3A : memref<1x!tpu.dma_semaphore, #tpu.memory_space<semaphore_mem>> -> memref<!tpu.dma_semaphore, #tpu.memory_space<semaphore_mem>>
        %dma_wait3A_783 = arith.constant 0 : i32
        %dma_wait3A_784 = tpu.memref_slice %arg2[%mul3A_632, %select_n3A_683, %dma_wait3A_783] : memref<2048x2048x64xf32, #tpu.memory_space<hbm>> -> memref<16x64x64xf32, #tpu.memory_space<hbm>>
        %dma_wait3A_785 = arith.constant 0 : i32
        %dma_wait3A_786 = arith.constant 0 : i32
        %dma_wait3A_787 = arith.constant 0 : i32
        %dma_wait3A_788 = tpu.memref_slice %arg3[%dma_wait3A_785, %dma_wait3A_786, %dma_wait3A_787] : memref<16x1024x64xf32, #tpu.memory_space<vmem>> -> memref<16x64x64xf32, #tpu.memory_space<vmem>>
        tpu.wait_dma2 semaphore(%dma_wait3A_782 : memref<!tpu.dma_semaphore, #tpu.memory_space<semaphore_mem>>) src(%dma_wait3A_788 : memref<16x64x64xf32, #tpu.memory_space<vmem>>) dst(%dma_wait3A_784 : memref<16x64x64xf32, #tpu.memory_space<hbm>>)
      } else {
      }
      %add3A_691 = arith.constant 64 : i32
      %add3A_692 = arith.addi %select_n3A_683, %add3A_691 : i32
      %select_n3A_693 = arith.select %ne3A_687, %add3A_692, %select_n3A_683 : i32
      %and3A_694 = arith.constant 32 : i32
      %and3A_695 = arith.andi %min3A_640, %and3A_694 : i32
      %ne3A_696 = arith.constant 0 : i32
      %ne3A_697 = arith.cmpi ne, %and3A_695, %ne3A_696 : i32
      %convert_element_type3A_698 = arith.extui %ne3A_697 : i1 to i32
      %cond3A_699 = arith.constant 0 : i32
      %cond3A_700 = arith.cmpi ne, %convert_element_type3A_698, %cond3A_699 : i32
      scf.if %cond3A_700 {
        %dma_wait3A = tpu.memref_slice %arg5[%rem3A_630] : memref<4x!tpu.dma_semaphore, #tpu.memory_space<semaphore_mem>> -> memref<1x!tpu.dma_semaphore, #tpu.memory_space<semaphore_mem>>
        %dma_wait3A_782 = tpu.memref_squeeze %dma_wait3A : memref<1x!tpu.dma_semaphore, #tpu.memory_space<semaphore_mem>> -> memref<!tpu.dma_semaphore, #tpu.memory_space<semaphore_mem>>
        %dma_wait3A_783 = arith.constant 0 : i32
        %dma_wait3A_784 = tpu.memref_slice %arg2[%mul3A_632, %select_n3A_693, %dma_wait3A_783] : memref<2048x2048x64xf32, #tpu.memory_space<hbm>> -> memref<16x32x64xf32, #tpu.memory_space<hbm>>
        %dma_wait3A_785 = arith.constant 0 : i32
        %dma_wait3A_786 = arith.constant 0 : i32
        %dma_wait3A_787 = arith.constant 0 : i32
        %dma_wait3A_788 = tpu.memref_slice %arg3[%dma_wait3A_785, %dma_wait3A_786, %dma_wait3A_787] : memref<16x1024x64xf32, #tpu.memory_space<vmem>> -> memref<16x32x64xf32, #tpu.memory_space<vmem>>
        tpu.wait_dma2 semaphore(%dma_wait3A_782 : memref<!tpu.dma_semaphore, #tpu.memory_space<semaphore_mem>>) src(%dma_wait3A_788 : memref<16x32x64xf32, #tpu.memory_space<vmem>>) dst(%dma_wait3A_784 : memref<16x32x64xf32, #tpu.memory_space<hbm>>)
      } else {
      }
      %add3A_701 = arith.constant 32 : i32
      %add3A_702 = arith.addi %select_n3A_693, %add3A_701 : i32
      %select_n3A_703 = arith.select %ne3A_697, %add3A_702, %select_n3A_693 : i32
      %and3A_704 = arith.constant 16 : i32
      %and3A_705 = arith.andi %min3A_640, %and3A_704 : i32
      %ne3A_706 = arith.constant 0 : i32
      %ne3A_707 = arith.cmpi ne, %and3A_705, %ne3A_706 : i32
      %convert_element_type3A_708 = arith.extui %ne3A_707 : i1 to i32
      %cond3A_709 = arith.constant 0 : i32
      %cond3A_710 = arith.cmpi ne, %convert_element_type3A_708, %cond3A_709 : i32
      scf.if %cond3A_710 {
        %dma_wait3A = tpu.memref_slice %arg5[%rem3A_630] : memref<4x!tpu.dma_semaphore, #tpu.memory_space<semaphore_mem>> -> memref<1x!tpu.dma_semaphore, #tpu.memory_space<semaphore_mem>>
        %dma_wait3A_782 = tpu.memref_squeeze %dma_wait3A : memref<1x!tpu.dma_semaphore, #tpu.memory_space<semaphore_mem>> -> memref<!tpu.dma_semaphore, #tpu.memory_space<semaphore_mem>>
        %dma_wait3A_783 = arith.constant 0 : i32
        %dma_wait3A_784 = tpu.memref_slice %arg2[%mul3A_632, %select_n3A_703, %dma_wait3A_783] : memref<2048x2048x64xf32, #tpu.memory_space<hbm>> -> memref<16x16x64xf32, #tpu.memory_space<hbm>>
        %dma_wait3A_785 = arith.constant 0 : i32
        %dma_wait3A_786 = arith.constant 0 : i32
        %dma_wait3A_787 = arith.constant 0 : i32
        %dma_wait3A_788 = tpu.memref_slice %arg3[%dma_wait3A_785, %dma_wait3A_786, %dma_wait3A_787] : memref<16x1024x64xf32, #tpu.memory_space<vmem>> -> memref<16x16x64xf32, #tpu.memory_space<vmem>>
        tpu.wait_dma2 semaphore(%dma_wait3A_782 : memref<!tpu.dma_semaphore, #tpu.memory_space<semaphore_mem>>) src(%dma_wait3A_788 : memref<16x16x64xf32, #tpu.memory_space<vmem>>) dst(%dma_wait3A_784 : memref<16x16x64xf32, #tpu.memory_space<hbm>>)
      } else {
      }
      %add3A_711 = arith.constant 272 : i32
      %add3A_712 = arith.addi %min3A_640, %add3A_711 : i32
      %sub3A_713 = arith.constant 2048 : i32
      %sub3A_714 = arith.subi %sub3A_713, %add3A_712 : i32
      %and3A_715 = arith.constant 1024 : i32
      %and3A_716 = arith.andi %sub3A_714, %and3A_715 : i32
      %ne3A_717 = arith.constant 0 : i32
      %ne3A_718 = arith.cmpi ne, %and3A_716, %ne3A_717 : i32
      %convert_element_type3A_719 = arith.extui %ne3A_718 : i1 to i32
      %cond3A_720 = arith.constant 0 : i32
      %cond3A_721 = arith.cmpi ne, %convert_element_type3A_719, %cond3A_720 : i32
      scf.if %cond3A_721 {
        %dma_wait3A = tpu.memref_slice %arg5[%rem3A_630] : memref<4x!tpu.dma_semaphore, #tpu.memory_space<semaphore_mem>> -> memref<1x!tpu.dma_semaphore, #tpu.memory_space<semaphore_mem>>
        %dma_wait3A_782 = tpu.memref_squeeze %dma_wait3A : memref<1x!tpu.dma_semaphore, #tpu.memory_space<semaphore_mem>> -> memref<!tpu.dma_semaphore, #tpu.memory_space<semaphore_mem>>
        %dma_wait3A_783 = arith.constant 0 : i32
        %dma_wait3A_784 = tpu.memref_slice %arg2[%mul3A_632, %add3A_712, %dma_wait3A_783] : memref<2048x2048x64xf32, #tpu.memory_space<hbm>> -> memref<16x1024x64xf32, #tpu.memory_space<hbm>>
        %dma_wait3A_785 = arith.constant 0 : i32
        %dma_wait3A_786 = arith.constant 0 : i32
        %dma_wait3A_787 = arith.constant 0 : i32
        %dma_wait3A_788 = tpu.memref_slice %arg4[%dma_wait3A_785, %dma_wait3A_786, %dma_wait3A_787] : memref<16x1024x64xf32, #tpu.memory_space<vmem>> -> memref<16x1024x64xf32, #tpu.memory_space<vmem>>
        tpu.wait_dma2 semaphore(%dma_wait3A_782 : memref<!tpu.dma_semaphore, #tpu.memory_space<semaphore_mem>>) src(%dma_wait3A_788 : memref<16x1024x64xf32, #tpu.memory_space<vmem>>) dst(%dma_wait3A_784 : memref<16x1024x64xf32, #tpu.memory_space<hbm>>)
      } else {
      }
      %add3A_722 = arith.constant 1024 : i32
      %add3A_723 = arith.addi %add3A_712, %add3A_722 : i32
      %select_n3A_724 = arith.select %ne3A_718, %add3A_723, %add3A_712 : i32
      %and3A_725 = arith.constant 512 : i32
      %and3A_726 = arith.andi %sub3A_714, %and3A_725 : i32
      %ne3A_727 = arith.constant 0 : i32
      %ne3A_728 = arith.cmpi ne, %and3A_726, %ne3A_727 : i32
      %convert_element_type3A_729 = arith.extui %ne3A_728 : i1 to i32
      %cond3A_730 = arith.constant 0 : i32
      %cond3A_731 = arith.cmpi ne, %convert_element_type3A_729, %cond3A_730 : i32
      scf.if %cond3A_731 {
        %dma_wait3A = tpu.memref_slice %arg5[%rem3A_630] : memref<4x!tpu.dma_semaphore, #tpu.memory_space<semaphore_mem>> -> memref<1x!tpu.dma_semaphore, #tpu.memory_space<semaphore_mem>>
        %dma_wait3A_782 = tpu.memref_squeeze %dma_wait3A : memref<1x!tpu.dma_semaphore, #tpu.memory_space<semaphore_mem>> -> memref<!tpu.dma_semaphore, #tpu.memory_space<semaphore_mem>>
        %dma_wait3A_783 = arith.constant 0 : i32
        %dma_wait3A_784 = tpu.memref_slice %arg2[%mul3A_632, %select_n3A_724, %dma_wait3A_783] : memref<2048x2048x64xf32, #tpu.memory_space<hbm>> -> memref<16x512x64xf32, #tpu.memory_space<hbm>>
        %dma_wait3A_785 = arith.constant 0 : i32
        %dma_wait3A_786 = arith.constant 0 : i32
        %dma_wait3A_787 = arith.constant 0 : i32
        %dma_wait3A_788 = tpu.memref_slice %arg4[%dma_wait3A_785, %dma_wait3A_786, %dma_wait3A_787] : memref<16x1024x64xf32, #tpu.memory_space<vmem>> -> memref<16x512x64xf32, #tpu.memory_space<vmem>>
        tpu.wait_dma2 semaphore(%dma_wait3A_782 : memref<!tpu.dma_semaphore, #tpu.memory_space<semaphore_mem>>) src(%dma_wait3A_788 : memref<16x512x64xf32, #tpu.memory_space<vmem>>) dst(%dma_wait3A_784 : memref<16x512x64xf32, #tpu.memory_space<hbm>>)
      } else {
      }
      %add3A_732 = arith.constant 512 : i32
      %add3A_733 = arith.addi %select_n3A_724, %add3A_732 : i32
      %select_n3A_734 = arith.select %ne3A_728, %add3A_733, %select_n3A_724 : i32
      %and3A_735 = arith.constant 256 : i32
      %and3A_736 = arith.andi %sub3A_714, %and3A_735 : i32
      %ne3A_737 = arith.constant 0 : i32
      %ne3A_738 = arith.cmpi ne, %and3A_736, %ne3A_737 : i32
      %convert_element_type3A_739 = arith.extui %ne3A_738 : i1 to i32
      %cond3A_740 = arith.constant 0 : i32
      %cond3A_741 = arith.cmpi ne, %convert_element_type3A_739, %cond3A_740 : i32
      scf.if %cond3A_741 {
        %dma_wait3A = tpu.memref_slice %arg5[%rem3A_630] : memref<4x!tpu.dma_semaphore, #tpu.memory_space<semaphore_mem>> -> memref<1x!tpu.dma_semaphore, #tpu.memory_space<semaphore_mem>>
        %dma_wait3A_782 = tpu.memref_squeeze %dma_wait3A : memref<1x!tpu.dma_semaphore, #tpu.memory_space<semaphore_mem>> -> memref<!tpu.dma_semaphore, #tpu.memory_space<semaphore_mem>>
        %dma_wait3A_783 = arith.constant 0 : i32
        %dma_wait3A_784 = tpu.memref_slice %arg2[%mul3A_632, %select_n3A_734, %dma_wait3A_783] : memref<2048x2048x64xf32, #tpu.memory_space<hbm>> -> memref<16x256x64xf32, #tpu.memory_space<hbm>>
        %dma_wait3A_785 = arith.constant 0 : i32
        %dma_wait3A_786 = arith.constant 0 : i32
        %dma_wait3A_787 = arith.constant 0 : i32
        %dma_wait3A_788 = tpu.memref_slice %arg4[%dma_wait3A_785, %dma_wait3A_786, %dma_wait3A_787] : memref<16x1024x64xf32, #tpu.memory_space<vmem>> -> memref<16x256x64xf32, #tpu.memory_space<vmem>>
        tpu.wait_dma2 semaphore(%dma_wait3A_782 : memref<!tpu.dma_semaphore, #tpu.memory_space<semaphore_mem>>) src(%dma_wait3A_788 : memref<16x256x64xf32, #tpu.memory_space<vmem>>) dst(%dma_wait3A_784 : memref<16x256x64xf32, #tpu.memory_space<hbm>>)
      } else {
      }
      %add3A_742 = arith.constant 256 : i32
      %add3A_743 = arith.addi %select_n3A_734, %add3A_742 : i32
      %select_n3A_744 = arith.select %ne3A_738, %add3A_743, %select_n3A_734 : i32
      %and3A_745 = arith.constant 128 : i32
      %and3A_746 = arith.andi %sub3A_714, %and3A_745 : i32
      %ne3A_747 = arith.constant 0 : i32
      %ne3A_748 = arith.cmpi ne, %and3A_746, %ne3A_747 : i32
      %convert_element_type3A_749 = arith.extui %ne3A_748 : i1 to i32
      %cond3A_750 = arith.constant 0 : i32
      %cond3A_751 = arith.cmpi ne, %convert_element_type3A_749, %cond3A_750 : i32
      scf.if %cond3A_751 {
        %dma_wait3A = tpu.memref_slice %arg5[%rem3A_630] : memref<4x!tpu.dma_semaphore, #tpu.memory_space<semaphore_mem>> -> memref<1x!tpu.dma_semaphore, #tpu.memory_space<semaphore_mem>>
        %dma_wait3A_782 = tpu.memref_squeeze %dma_wait3A : memref<1x!tpu.dma_semaphore, #tpu.memory_space<semaphore_mem>> -> memref<!tpu.dma_semaphore, #tpu.memory_space<semaphore_mem>>
        %dma_wait3A_783 = arith.constant 0 : i32
        %dma_wait3A_784 = tpu.memref_slice %arg2[%mul3A_632, %select_n3A_744, %dma_wait3A_783] : memref<2048x2048x64xf32, #tpu.memory_space<hbm>> -> memref<16x128x64xf32, #tpu.memory_space<hbm>>
        %dma_wait3A_785 = arith.constant 0 : i32
        %dma_wait3A_786 = arith.constant 0 : i32
        %dma_wait3A_787 = arith.constant 0 : i32
        %dma_wait3A_788 = tpu.memref_slice %arg4[%dma_wait3A_785, %dma_wait3A_786, %dma_wait3A_787] : memref<16x1024x64xf32, #tpu.memory_space<vmem>> -> memref<16x128x64xf32, #tpu.memory_space<vmem>>
        tpu.wait_dma2 semaphore(%dma_wait3A_782 : memref<!tpu.dma_semaphore, #tpu.memory_space<semaphore_mem>>) src(%dma_wait3A_788 : memref<16x128x64xf32, #tpu.memory_space<vmem>>) dst(%dma_wait3A_784 : memref<16x128x64xf32, #tpu.memory_space<hbm>>)
      } else {
      }
      %add3A_752 = arith.constant 128 : i32
      %add3A_753 = arith.addi %select_n3A_744, %add3A_752 : i32
      %select_n3A_754 = arith.select %ne3A_748, %add3A_753, %select_n3A_744 : i32
      %and3A_755 = arith.constant 64 : i32
      %and3A_756 = arith.andi %sub3A_714, %and3A_755 : i32
      %ne3A_757 = arith.constant 0 : i32
      %ne3A_758 = arith.cmpi ne, %and3A_756, %ne3A_757 : i32
      %convert_element_type3A_759 = arith.extui %ne3A_758 : i1 to i32
      %cond3A_760 = arith.constant 0 : i32
      %cond3A_761 = arith.cmpi ne, %convert_element_type3A_759, %cond3A_760 : i32
      scf.if %cond3A_761 {
        %dma_wait3A = tpu.memref_slice %arg5[%rem3A_630] : memref<4x!tpu.dma_semaphore, #tpu.memory_space<semaphore_mem>> -> memref<1x!tpu.dma_semaphore, #tpu.memory_space<semaphore_mem>>
        %dma_wait3A_782 = tpu.memref_squeeze %dma_wait3A : memref<1x!tpu.dma_semaphore, #tpu.memory_space<semaphore_mem>> -> memref<!tpu.dma_semaphore, #tpu.memory_space<semaphore_mem>>
        %dma_wait3A_783 = arith.constant 0 : i32
        %dma_wait3A_784 = tpu.memref_slice %arg2[%mul3A_632, %select_n3A_754, %dma_wait3A_783] : memref<2048x2048x64xf32, #tpu.memory_space<hbm>> -> memref<16x64x64xf32, #tpu.memory_space<hbm>>
        %dma_wait3A_785 = arith.constant 0 : i32
        %dma_wait3A_786 = arith.constant 0 : i32
        %dma_wait3A_787 = arith.constant 0 : i32
        %dma_wait3A_788 = tpu.memref_slice %arg4[%dma_wait3A_785, %dma_wait3A_786, %dma_wait3A_787] : memref<16x1024x64xf32, #tpu.memory_space<vmem>> -> memref<16x64x64xf32, #tpu.memory_space<vmem>>
        tpu.wait_dma2 semaphore(%dma_wait3A_782 : memref<!tpu.dma_semaphore, #tpu.memory_space<semaphore_mem>>) src(%dma_wait3A_788 : memref<16x64x64xf32, #tpu.memory_space<vmem>>) dst(%dma_wait3A_784 : memref<16x64x64xf32, #tpu.memory_space<hbm>>)
      } else {
      }
      %add3A_762 = arith.constant 64 : i32
      %add3A_763 = arith.addi %select_n3A_754, %add3A_762 : i32
      %select_n3A_764 = arith.select %ne3A_758, %add3A_763, %select_n3A_754 : i32
      %and3A_765 = arith.constant 32 : i32
      %and3A_766 = arith.andi %sub3A_714, %and3A_765 : i32
      %ne3A_767 = arith.constant 0 : i32
      %ne3A_768 = arith.cmpi ne, %and3A_766, %ne3A_767 : i32
      %convert_element_type3A_769 = arith.extui %ne3A_768 : i1 to i32
      %cond3A_770 = arith.constant 0 : i32
      %cond3A_771 = arith.cmpi ne, %convert_element_type3A_769, %cond3A_770 : i32
      scf.if %cond3A_771 {
        %dma_wait3A = tpu.memref_slice %arg5[%rem3A_630] : memref<4x!tpu.dma_semaphore, #tpu.memory_space<semaphore_mem>> -> memref<1x!tpu.dma_semaphore, #tpu.memory_space<semaphore_mem>>
        %dma_wait3A_782 = tpu.memref_squeeze %dma_wait3A : memref<1x!tpu.dma_semaphore, #tpu.memory_space<semaphore_mem>> -> memref<!tpu.dma_semaphore, #tpu.memory_space<semaphore_mem>>
        %dma_wait3A_783 = arith.constant 0 : i32
        %dma_wait3A_784 = tpu.memref_slice %arg2[%mul3A_632, %select_n3A_764, %dma_wait3A_783] : memref<2048x2048x64xf32, #tpu.memory_space<hbm>> -> memref<16x32x64xf32, #tpu.memory_space<hbm>>
        %dma_wait3A_785 = arith.constant 0 : i32
        %dma_wait3A_786 = arith.constant 0 : i32
        %dma_wait3A_787 = arith.constant 0 : i32
        %dma_wait3A_788 = tpu.memref_slice %arg4[%dma_wait3A_785, %dma_wait3A_786, %dma_wait3A_787] : memref<16x1024x64xf32, #tpu.memory_space<vmem>> -> memref<16x32x64xf32, #tpu.memory_space<vmem>>
        tpu.wait_dma2 semaphore(%dma_wait3A_782 : memref<!tpu.dma_semaphore, #tpu.memory_space<semaphore_mem>>) src(%dma_wait3A_788 : memref<16x32x64xf32, #tpu.memory_space<vmem>>) dst(%dma_wait3A_784 : memref<16x32x64xf32, #tpu.memory_space<hbm>>)
      } else {
      }
      %add3A_772 = arith.constant 32 : i32
      %add3A_773 = arith.addi %select_n3A_764, %add3A_772 : i32
      %select_n3A_774 = arith.select %ne3A_768, %add3A_773, %select_n3A_764 : i32
      %and3A_775 = arith.constant 16 : i32
      %and3A_776 = arith.andi %sub3A_714, %and3A_775 : i32
      %ne3A_777 = arith.constant 0 : i32
      %ne3A_778 = arith.cmpi ne, %and3A_776, %ne3A_777 : i32
      %convert_element_type3A_779 = arith.extui %ne3A_778 : i1 to i32
      %cond3A_780 = arith.constant 0 : i32
      %cond3A_781 = arith.cmpi ne, %convert_element_type3A_779, %cond3A_780 : i32
      scf.if %cond3A_781 {
        %dma_wait3A = tpu.memref_slice %arg5[%rem3A_630] : memref<4x!tpu.dma_semaphore, #tpu.memory_space<semaphore_mem>> -> memref<1x!tpu.dma_semaphore, #tpu.memory_space<semaphore_mem>>
        %dma_wait3A_782 = tpu.memref_squeeze %dma_wait3A : memref<1x!tpu.dma_semaphore, #tpu.memory_space<semaphore_mem>> -> memref<!tpu.dma_semaphore, #tpu.memory_space<semaphore_mem>>
        %dma_wait3A_783 = arith.constant 0 : i32
        %dma_wait3A_784 = tpu.memref_slice %arg2[%mul3A_632, %select_n3A_774, %dma_wait3A_783] : memref<2048x2048x64xf32, #tpu.memory_space<hbm>> -> memref<16x16x64xf32, #tpu.memory_space<hbm>>
        %dma_wait3A_785 = arith.constant 0 : i32
        %dma_wait3A_786 = arith.constant 0 : i32
        %dma_wait3A_787 = arith.constant 0 : i32
        %dma_wait3A_788 = tpu.memref_slice %arg4[%dma_wait3A_785, %dma_wait3A_786, %dma_wait3A_787] : memref<16x1024x64xf32, #tpu.memory_space<vmem>> -> memref<16x16x64xf32, #tpu.memory_space<vmem>>
        tpu.wait_dma2 semaphore(%dma_wait3A_782 : memref<!tpu.dma_semaphore, #tpu.memory_space<semaphore_mem>>) src(%dma_wait3A_788 : memref<16x16x64xf32, #tpu.memory_space<vmem>>) dst(%dma_wait3A_784 : memref<16x16x64xf32, #tpu.memory_space<hbm>>)
      } else {
      }
    } else {
    }
    return
  }
  func.func @transform_0(%arg0: i32) -> (i32, i32) {
    %c0_i32 = arith.constant 0 : i32
    %c0_i32_0 = arith.constant 0 : i32
    %c0_i32_1 = arith.constant 0 : i32
    return %c0_i32, %c0_i32_0 : i32, i32
  }
}

</mosaic_0001>

<sc_bundles>
// kernel: kernel.5.cloned.1.call-start
scs
__scs_entry_jumppad:
0x0: {  	(pc) =	sbr.rel $0x88, $3  }
0x1: {  	(tag) =	ssettag $0x0;
	lr =	simm.s32 $0x1  }
0x2: {  	[smem:$0x3FA0] =	sst lr;
	_ =	strace $0xD0000000  }
0x3: {  	_ = 	snop  }
0x4: {  	_ = 	snop  }
0x5: {  	_ = 	snop  }
0x6: {  	_ = 	snop  }
0x7: {  	_ = 	snop  }
__scs_overlays_trampoline_lowered:
0x8: {  	[smem:$0x3FAF] =	sst s0  }
0x9: {  	[smem:$0x3FB0] =	sst s1  }
0xa: {  	[smem:$0x3FB1] =	sst s2  }
0xb: {  	[smem:$0x3FB2] =	sst s3  }
0xc: {  	[smem:$0x3FB3] =	sst s4  }
0xd: {  	[smem:$0x3FB4] =	sst s5  }
0xe: {  	[smem:$0x3FB5] =	sst s6  }
0xf: {  	[smem:$0x3FB6] =	sst s7  }
0x10: {  	[smem:$0x3FB7] =	sst s8  }
0x11: {  	[smem:$0x3FB8] =	sst s9;
	s0 =	simm.s32 @!p0 $0x0  }
0x12: {  	s1 =	sld [smem:$0x3F9E];
	s0 =	simm.s32 @p0 $0x1  }
0x13: {  	[smem:$0x3FB9] =	sst s0;
	s0 =	simm.s32 @!p1 $0x0  }
0x14: {  	s2 =	sld [smem:$0x3F9D];
	s0 =	simm.s32 @p1 $0x1  }
0x15: {  	[smem:$0x3FBA] =	sst s0;
	s0 =	simm.s32 @!p2 $0x0  }
0x16: {  	s3 =	sld [smem:$0x3FDB];
	s0 =	simm.s32 @p2 $0x1  }
0x17: {  	s4 =	simm.s32 $0x1BF5;
	[smem:$0x3FBC] =	sst s0  }
0x18: {  	s0 =	sld [smem:$0x3F9F];
	_ =	swait.ge [sflag:s4], $0x0  }
0x19: {  	s7 =	sld [smem:$0x3FA0]  }
0x1a: {  	s8 =	sadd.s32 $0xFFFFE003, lr  }
0x1b: {  	s9 =	sadd.s32 $0xFFFFFEF7, lr;
	s5 =	simm.s32 $0xFFFFFFFF;
	p2 =	slt.u32 s8, $0xFFFFF086  }
0x1c: {  	p1 =	slt.u32 s9, $0xF7A;
	s5 =	simm.s32 @!p2 $0x0  }
0x1d: {  	s5 =	simm.s32 @p1 $0x1;
	p0 =	seq.s32 s7, s2  }
0x1e: {  	s7 =	smul.u32 @!p0 $0xF7A, s2;
	p2 =	seq.s32 @!p0 s5, $0x0  }
0x1f: {  	s9 =	smul.u32 $0xF7A, s1;
	s8 =	simm.s32 @!p0 $0x1BF5;
	p2 =	por !p2, p0  }
0x20: {  	[sflag:s8] =	ssyncset.s32 @!p0 $0xFFFFF086;
	s6 =	sadd.s32 @!p0 s3, s7;
	s7 =	simm.s32 @!p0 $0x108  }
0x21: {  	s3 =	sadd.s32 s3, s9;
	s6 =	sadd.s32 @!p0 $0x88, s6;
	s7 =	simm.s32 @p2 $0x1082  }
0x22: {  	[simem:s7], [sflag:s8] =	dma.local @!p0 [hbm:s6], $0xF7A  }
0x23: {  	s9 =	sor.u32 $0xD0000000, s2;
	s6 =	simm.s32 $0x108;
	_ =	swait.ge @!p0 [sflag:s8], $0x0  }
0x24: {  	s3 =	sadd.s32 $0x88, s3;
	s6 =	simm.s32 @!p1 $0x1082;
	[sflag:s4] =	ssyncset.s32 $0xFFFFF086  }
0x25: {  	[simem:s6], [sflag:s4] =	dma.local [hbm:s3], $0xF7A  }
0x26: {  	[smem:$0x3FA0] =	sst s1;
	(tag) =	ssettag s2;
	_ =	strace s9  }
0x27: {  	s1 =	sld [smem:$0x3FB0]  }
0x28: {  	s2 =	sld [smem:$0x3FB1]  }
0x29: {  	s4 =	sld [smem:$0x3FB3]  }
0x2a: {  	p0 =	seq.s32 s5, $0x0;
	s5 =	sld [smem:$0x3FB4]  }
0x2b: {  	s6 =	sld [smem:$0x3FB5]  }
0x2c: {  	s7 =	sld [smem:$0x3FB6]  }
0x2d: {  	s3 =	simm.s32 $0x108;
	s8 =	sld [smem:$0x3FB7]  }
0x2e: {  	s3 =	simm.s32 @!p0 $0x1082;
	s9 =	sld [smem:$0x3FB8]  }
0x2f: {  	lr =	sadd.s32 s0, s3;
	s0 =	sld [smem:$0x3FAF]  }
0x30: {  	s3 =	sld [smem:$0x3FB2]  }
0x31: {  	[smem:$0x3FBB] =	sst s10  }
0x32: {  	s10 =	sld [smem:$0x3FB9];
	_ =	sdelay $0x3  }
0x33: {  	p0 =	seq.s32 s10, $0x1;
	s10 =	sld [smem:$0x3FBB];
	_ =	sdelay $0x3  }
0x34: {  	[smem:$0x3FBB] =	sst s10  }
0x35: {  	s10 =	sld [smem:$0x3FBA];
	_ =	sdelay $0x3  }
0x36: {  	p1 =	seq.s32 s10, $0x1;
	s10 =	sld [smem:$0x3FBB];
	_ =	sdelay $0x3  }
0x37: {  	[smem:$0x3FBB] =	sst s10  }
0x38: {  	s10 =	sld [smem:$0x3FBC]  }
0x39: {  	_ = 	snop;
	(pc) =	sbr.ind lr, $3  }
0x3a: {  	_ = 	snop  }
0x3b: {  	_ = 	snop  }
0x3c: {  	p2 =	seq.s32 s10, $0x1;
	s10 =	sld [smem:$0x3FBB]  }
0x3d: {  	_ =	shalt  }
0x3e: {  	_ =	shalt  }
0x3f: {  	_ =	shalt  }
0x40: {  	_ =	shalt  }
0x41: {  	_ =	shalt  }
0x42: {  	_ =	shalt  }
0x43: {  	_ =	shalt  }
0x44: {  	_ =	shalt  }
0x45: {  	_ =	shalt  }
0x46: {  	_ =	shalt  }
0x47: {  	_ =	shalt  }
0x48: {  	_ =	shalt  }
0x49: {  	_ =	shalt  }
0x4a: {  	_ =	shalt  }
0x4b: {  	_ =	shalt  }
0x4c: {  	_ =	shalt  }
0x4d: {  	_ =	shalt  }
0x4e: {  	_ =	shalt  }
0x4f: {  	_ =	shalt  }
0x50: {  	_ =	shalt  }
0x51: {  	_ =	shalt  }
0x52: {  	_ =	shalt  }
0x53: {  	_ =	shalt  }
0x54: {  	_ =	shalt  }
0x55: {  	_ =	shalt  }
0x56: {  	_ =	shalt  }
0x57: {  	_ =	shalt  }
0x58: {  	_ =	shalt  }
0x59: {  	_ =	shalt  }
0x5a: {  	_ =	shalt  }
0x5b: {  	_ =	shalt  }
0x5c: {  	_ =	shalt  }
0x5d: {  	_ =	shalt  }
0x5e: {  	_ =	shalt  }
0x5f: {  	_ =	shalt  }
0x60: {  	_ =	shalt  }
0x61: {  	_ =	shalt  }
0x62: {  	_ =	shalt  }
0x63: {  	_ =	shalt  }
0x64: {  	_ =	shalt  }
0x65: {  	_ =	shalt  }
0x66: {  	_ =	shalt  }
0x67: {  	_ =	shalt  }
0x68: {  	_ =	shalt  }
0x69: {  	_ =	shalt  }
0x6a: {  	_ =	shalt  }
0x6b: {  	_ =	shalt  }
0x6c: {  	_ =	shalt  }
0x6d: {  	_ =	shalt  }
0x6e: {  	_ =	shalt  }
0x6f: {  	_ =	shalt  }
0x70: {  	_ =	shalt  }
0x71: {  	_ =	shalt  }
0x72: {  	_ =	shalt  }
0x73: {  	_ =	shalt  }
0x74: {  	_ =	shalt  }
0x75: {  	_ =	shalt  }
0x76: {  	_ =	shalt  }
0x77: {  	_ =	shalt  }
0x78: {  	_ =	shalt  }
0x79: {  	_ =	shalt  }
0x7a: {  	_ =	shalt  }
0x7b: {  	_ =	shalt  }
0x7c: {  	_ =	shalt  }
0x7d: {  	_ =	shalt  }
0x7e: {  	_ =	shalt  }
0x7f: {  	_ =	shalt  }
0x80: {  	_ =	shalt  }
0x81: {  	_ =	shalt  }
0x82: {  	_ =	shalt  }
0x83: {  	_ =	shalt  }
0x84: {  	_ =	shalt  }
0x85: {  	_ =	shalt  }
0x86: {  	_ =	shalt  }
0x87: {  	_ =	shalt  }
.Lfunc_end0:
.L_simem_size_0:
called_computation_lowered:
.L_overlay_start_0:
0x88: {  	s2 =	sld [smem:$0x3FD9]  }
0x89: {  	s3 =	sld [smem:$0x3FFE];
	_ =	sdelay $0x1  }
0x8a: {  	s1 =	srdreg.scid  }
0x8b: {  	s0 =	sand.u32 $0x1, s1  }
0x8c: {  	s17 =	sshll.u32 s0, $0xA;
	s2 =	sadd.s32 s3, s2  }
0x8d: {  	s2 =	sadd.s32 s2, s17  }
0x8e: {  	[smem:$0x3FC7] =	sst s2  }
0x8f: {  	_ = 	snop  }
0x90: {  	s2 =	sld [smem:$0x3FD0];
	(tm) =	ssettm $0x1  }
0x91: {  	s18 =	sld [smem:$0x3FFB];
	_ =	sdelay $0x3  }
0x92: {  	_ =	strace s18  }
0x93: {  	s3 =	sld [smem:$0x3FFC];
	_ =	sdelay $0x3  }
0x94: {  	_ =	strace s3  }
0x95: {  	s3 =	sld [smem:$0x3FFD];
	_ =	sdelay $0x3  }
0x96: {  	_ =	strace s3  }
0x97: {  	_ =	strace $0x8FFFFFFF  }
0x98: {  	s19 =	sld [smem:$0x3FDB];
	_ =	sdelay $0x1  }
0x99: {  	s4 =	simm.s32 $_scs_section_size  }
0x9a: {  	s5 =	simm.s32 $_size__tile_overlayer_lowered;
	s6 =	simm.s32 $_tile_overlayer_lowered  }
0x9b: {  	s22 =	simm.s32 $0x1BFF;
	s21 =	sshll.u32 s6, $0x1;
	s3 =	sadd.s32 s4, s19  }
0x9c: {  	s7 =	simm.s32 $0x0;
	s20 =	sshll.u32 s5, $0x1;
	s5 =	sadd.s32 s21, s3  }
0x9d: {  	[timem:s7], [sflag:s22] =	dma.local [hbm:s5], s20  }
0x9e: {  	_ =	swait.ge [sflag:s22], s20  }
0x9f: {  	s4 =	ssub.s32 $0x0, s20;
	[sflag:s22] =	ssyncset.done $0x0  }
0xa0: {  	[sflag:s22] =	ssyncadd.s32 s4;
	_ =	sdelay $0x1  }
0xa1: {  	s23 =	simm.s32 $0x1B8B  }
0xa2: {  	_ =	swait.ge [sflag:s23], $0x1  }
0xa3: {  	[sflag:s23] =	ssyncset.done $0x0  }
0xa4: {  	s25 =	simm.s32 $0x1B8E;
	s24 =	sld [smem:$0x3FFE];
	[sflag:s23] =	ssyncadd.s32 $0xFFFFFFFF  }
0xa5: {  	s26 =	simm.s32 $execute0_lowered;
	[smem:$0x3FD2] =	sst s25  }
0xa6: {  	s5 =	sshll.u32 s26, $0x1;
	_ =	strace $0x80000046;
	[dreg:$0x1] =	wrdreg $0xFFFFFFFF  }
0xa7: {  	s28 =	simm.s32 $_size_execute0_lowered;
	s3 =	sadd.s32 s3, s5;
	[dreg:$0x0] =	wrdreg $0x0  }
0xa8: {  	s5 =	sshll.u32 s28, $0x1;
	[dreg:$0x2] =	wrdreg s3  }
0xa9: {  	[dreg:$0x3] =	wrdreg s5  }
0xaa: {  	[dreg:$0x4] =	wrdreg $0xC0  }
0xab: {  	_ =	task [dreg:s7], $0x5FFFF  }
0xac: {  	[dreg:$0x1] =	wrdreg $0xFFFFFFFF  }
0xad: {  	[dreg:$0x0] =	wrdreg $0x60  }
0xae: {  	[dreg:$0x2] =	wrdreg s24  }
0xaf: {  	[dreg:$0x3] =	wrdreg s2  }
0xb0: {  	[dreg:$0x4] =	wrdreg $0x9  }
0xb1: {  	_ =	task.clear_ibuf [dreg:s7], $0x5FFFF;
	_ =	strace $0x90000046  }
0xb2: {  	s29 =	simm.s32 $0x9;
	_ =	strace $0x80000048  }
0xb3: {  	_ =	swait.ge [sflag:s29], $0x1  }
0xb4: {  	[sflag:s29] =	ssyncadd.s32 $0xFFFFFFFF  }
0xb5: {  	_ =	strace $0x90000048  }
0xb6: {  	_ =	sfence  }
0xb7: {  	s30 =	sld [smem:$0x0];
	_ =	sdelay $0x2  }
0xb8: {  	s31 =	sshll.u32 s1, $0xD;
	s1 =	sshrl.u32 s1, $0x2  }
0xb9: {  	s3 =	sand.u32 $0x4000, s31;
	s1 =	sadd.s32 s1, s30  }
0xba: {  	s0 =	sor.u32 s3, s0;
	s1 =	sshll.u32 s1, $0x11  }
0xbb: {  	s0 =	sor.u32 s1, s0  }
0xbc: {  	s0 =	sadd.s32 $0x8F2B, s0  }
0xbd: {  	[sflag:s0] =	ssyncadd.remote.s32 $0x1  }
0xbe: {  	_ =	sfence.sel $0xFFFF  }
0xbf: {  	[dreg:$0x0] =	wrdreg $0xFFFFFFFF;
	(pc) =	sbr.abs _section_cstart, $3  }
0xc0: {  	[dreg:$0x1] =	wrdreg $0xFFFFFFFF  }
0xc1: {  	_ =	task.clear_ibuf [dreg:s7], $0x2FFFF;
	_ =	strace $0x9FFFFFFF  }
0xc2: {  	(tm) =	ssettm $0x7FFFFFFF  }
0xc3: {  	_ =	shalt  }
tec
execute0_lowered:
.L_overlay_start_1:
0x0: {  	(tag) =	ssettag $0x1  }
0x1: {  	s1 =	srdreg.scid  }
0x2: {  	s0 =	stileid.u32;
	s6 =	rddreg [dreg:$0x0];
	s4 =	sand.u32 $0x1, s1  }
0x3: {  	s2 =	rddreg [dreg:$0x1];
	s3 =	simm.s32 $0x0;
	s1 =	sor.u32 s4, s0  }
0x4: {  	s5 =	simm.s32 $0x1;
	p1 =	seq.s32 s4, $0x1;
	p0 =	seq.s32 s1, $0x0  }
0x5: {  	s11 =	simm.s32 $0x2;
	s12 =	simm.s32 $0x0;
	p0 =	por !p0, !p1  }
0x6: {  	[smem:$0x7FF] =	sst s3;
	s6 =	sadd.s32 $0x400, s6;
	p0 =	por !p0, !p0  }
0x7: {  	s7 =	ssub.s32 $0x2, s4;
	s1 =	rddreg [dreg:$0x2];
	s5 =	simm.s32 @!p0 $0x0  }
0x8: {  	v0 =	vlaneseq.u32;
	_ =	strace $0x80000047;
	s4 =	ssub.s32 s0, s5;
	s5 =	simm.s32 $0x120  }
0x9: {  	v0 =	vmul.u32 $0xFFFFFFFF, v0;
	s8 =	sshrl.u32 s7, $0x1;
	s5 =	simm.s32 @!p1 $0x0;
	s9 =	smul.u32 $0x1200, s4  }
0xa: {  	s8 =	ssub.s32 s7, s8;
	s7 =	simm.s32 $0x1;
	s10 =	sshll.u32 s5, $0x3  }
0xb: {  	v0 =	vadd.s32 $0x180, v0;
	s8 =	smax.u32 s8, $0x1;
	s9 =	sadd.s32 s10, s9;
	s10 =	simm.s32 $0x60  }
.LBB2_1:
0xc: {  	s13 =	sadd.s32 $0x0, s5  }
0xd: {  	s13 =	ssub.s32 s4, s13  }
0xe: {  	v1 =	vadd.s32 s13, v0;
	s14 =	sadd.s32 $0xFFFFFFF0, s13  }
0xf: {  	s15 =	sadd.s32 $0xFFFFFFE0, s13;
	s30 =	sadd.s32 $0xFFFFFFD0, s13;
	s31 =	sadd.s32 $0xFFFFFFC0, s13;
	vm0 =	vgt.s32 v1, $0x0;
	v2 =	vadd.s32 s14, v0  }
0x10: {  	s13 =	sadd.s32 $0xFFFFFFB0, s13;
	v3 =	vadd.s32 s15, v0;
	v4 =	vadd.s32 s30, v0;
	v5 =	vadd.s32 s31, v0  }
0x11: {  	v6 =	vadd.s32 s13, v0;
	v1 =	vnsel vm0, $0x0, v1;
	vm1 =	vgt.s32 v3, $0x0  }
0x12: {  	vm12 =	vgt.s32 v2, $0x0;
	v1 =	vmin.u32 v1, $0x100;
	v3 =	vnsel vm1, $0x0, v3  }
0x13: {  	vm13 =	vgt.s32 v4, $0x0;
	v2 =	vnsel vm12, $0x0, v2;
	[tilespmem:$0x0] =	vst v1;
	v1 =	vmin.u32 v3, $0x100  }
0x14: {  	vm14 =	vgt.s32 v6, $0x0;
	v2 =	vmin.u32 v2, $0x100;
	[tilespmem:$0x20] =	vst v1;
	v1 =	vnsel vm13, $0x0, v4  }
0x15: {  	vm15 =	vgt.s32 v5, $0x0;
	[tilespmem:$0x10] =	vst v2;
	v2 =	vnsel vm14, $0x0, v6;
	v1 =	vmin.u32 v1, $0x100  }
0x16: {  	v3 =	vnsel vm15, $0x0, v5;
	[tilespmem:$0x30] =	vst v1;
	v1 =	vmin.u32 v2, $0x100  }
0x17: {  	v2 =	vmin.u32 v3, $0x100;
	[tilespmem:$0x50] =	vst v1  }
0x18: {  	s16 =	sand.u32 $0x1FFFFF00, s9;
	[tilespmem:$0x40] =	vst v2  }
0x19: {  	[tilespmem:s10], [sflag:$0x1] =	stream.indirect.gather [hbm4b:s6+s10], $0x40, s3, s10, $0xb8;
	[tilespmem:$0x1860] =	vst v63  }
0x1a: {  	s15 =	simm.s32 $0x60;
	s13 =	sadd.s32 $0x300, s9;
	_ =	swait.ge [sflag:s7], $0x1800  }
.LBB2_2:
0x1b: {  	s14 =	smov.u32 s15  }
0x1c: {  	s17 =	sadd.s32 s15, s5;
	[sflag:s7] =	ssyncset.done $0x0;
	s14 =	sadd.s32 $0x60, s15  }
0x1d: {  	s16 =	sadd.s32 s2, s16;
	s17 =	ssub.s32 s4, s17;
	[sflag:s7] =	ssyncadd.s32 $0xFFFFE800  }
0x1e: {  	v1 =	vadd.s32 s17, v0;
	[hbm4b:s16+s3] =	stream.linear.scatter [tilespmem:s10], [sflag:$0x2], $0x1800, $0x38;
	[tilespmem:$0x1860] =	vst v63  }
0x1f: {  	s18 =	sadd.s32 $0xFFFFFFE0, s17;
	vm0 =	vgt.s32 v1, $0x0;
	s16 =	sadd.s32 $0xFFFFFFF0, s17;
	_ =	swait.ge [sflag:s11], $0x1800  }
0x20: {  	v3 =	vadd.s32 s18, v0;
	s18 =	sadd.s32 $0xFFFFFFC0, s17;
	v1 =	vnsel vm0, $0x0, v1;
	v2 =	vadd.s32 s16, v0;
	s16 =	sadd.s32 $0xFFFFFFD0, s17;
	[sflag:s11] =	ssyncset.done $0x0  }
0x21: {  	p0 =	sne.s32 s15, $0xC0;
	vm1 =	vgt.s32 v3, $0x0;
	s17 =	sadd.s32 $0xFFFFFFB0, s17;
	v1 =	vmin.u32 v1, $0x100;
	vm0 =	vgt.s32 v2, $0x0;
	[sflag:s11] =	ssyncadd.s32 $0xFFFFE800  }
0x22: {  	v5 =	vadd.s32 s18, v0;
	v4 =	vadd.s32 s16, v0;
	v2 =	vnsel vm0, $0x0, v2  }
0x23: {  	v3 =	vnsel vm1, $0x0, v3;
	v6 =	vadd.s32 s17, v0;
	v2 =	vmin.u32 v2, $0x100  }
0x24: {  	vm1 =	vgt.s32 v5, $0x0;
	vm0 =	vgt.s32 v4, $0x0;
	[tilespmem:$0x0] =	vst v1;
	v1 =	vmin.u32 v3, $0x100  }
0x25: {  	v3 =	vnsel vm1, $0x0, v5;
	[tilespmem:$0x20] =	vst v1;
	v1 =	vnsel vm0, $0x0, v4;
	vm0 =	vgt.s32 v6, $0x0  }
0x26: {  	[tilespmem:$0x10] =	vst v2;
	v1 =	vmin.u32 v1, $0x100;
	v2 =	vmin.u32 v3, $0x100;
	v3 =	vnsel vm0, $0x0, v6  }
.Ltmp0:
0x27: {  	[tilespmem:$0x30] =	vst v1;
	v1 =	vmin.u32 v3, $0x100;
	(pc) =	sbr.rel @p0 .LBB2_2-.Ltmp0, $4  }
0x28: {  	[tilespmem:$0x50] =	vst v1  }
0x29: {  	s15 =	smov.u32 s14;
	[tilespmem:$0x40] =	vst v2  }
0x2a: {  	[tilespmem:s10], [sflag:$0x1] =	stream.indirect.gather [hbm4b:s6+s10], $0x40, s3, s10, $0xb8;
	[tilespmem:$0x1860] =	vst v63  }
0x2b: {  	s16 =	sand.u32 $0x1FFFFF00, s13;
	s13 =	sadd.s32 $0x300, s13;
	_ =	swait.ge [sflag:s7], $0x1800  }
0x2c: {  	s12 =	sadd.s32 $0x1, s12  }
0x2d: {  	[sflag:s7] =	ssyncset.done $0x0;
	p0 =	sne.s32 s12, s8  }
.Ltmp1:
0x2e: {  	s13 =	sadd.s32 s2, s16;
	[sflag:s7] =	ssyncadd.s32 $0xFFFFE800;
	(pc) =	sbr.rel @p0 .LBB2_1-.Ltmp1, $4  }
0x2f: {  	[hbm4b:s13+s3] =	stream.linear.scatter [tilespmem:s10], [sflag:$0x2], $0x1800, $0x38;
	[tilespmem:$0x1860] =	vst v63  }
0x30: {  	_ =	swait.ge [sflag:s11], $0x1800  }
0x31: {  	[sflag:s11] =	ssyncset.done $0x0  }
0x32: {  	[sflag:s11] =	ssyncadd.s32 $0xFFFFE800  }
0x33: {  	_ =	sfence.sel $0x180000  }
0x34: {  	[bflag:$0x0] =	sbarrier.arrive $0xFFFF  }
0x35: {  	p0 =	sne.s32 s0, $0x0;
	_ =	strace $0x90000047  }
0x36: {  	s0 =	sadd.s32 @!p0 $0x100000, s1;
	[bflag:$0x2] =	sbarrier.arrive $0xFFFF  }
0x37: {  	[sflag:s0] =	ssyncadd.tile.s32 @!p0 $0x1;
	_ =	shalt  }
.Lfunc_end2:
_tile_overlayer_lowered:
.L_overlay_start_2:
0x38: {  	(tag) =	ssettag $0x2  }
0x39: {  	s0 =	rddreg [dreg:$0x0];
	s2 =	stileid.u32  }
0x3a: {  	s1 =	rddreg [dreg:$0x1];
	p0 =	sne.s32 s2, $0x0  }
0x3b: {  	s3 =	rddreg [dreg:$0x2];
	[bflag:$0x3] =	sbarrier.arrive $0xFFFF;
	s2 =	simm.s32 @!p0 $0x1C02  }
0x3c: {  	[timem:s3], [sflag:s2] =	dma.local @!p0 [hbm:s0], s1  }
0x3d: {  	s0 =	simm.s32 @!p0 $0x2  }
0x3e: {  	_ =	swait.ge @!p0 [sflag:s0], s1  }
0x3f: {  	s1 =	ssub.s32 @!p0 $0x0, s1;
	[sflag:s0] =	ssyncset.done @!p0 $0x0  }
0x40: {  	[sflag:s0] =	ssyncadd.s32 @!p0 s1  }
0x41: {  	[bflag:$0x3] =	sbarrier.arrive $0xFFFF  }
0x42: {  	_ =	shalt  }

</sc_bundles>
